<compile_context>
chip_gen: v7x
topology: tpu7x:2x2x1
jax: 0.10.2.dev20260603
libtpu: 0.0.44.dev20260713+nightly
codegen_flags: <defaults>
</compile_context>

<pallas_src>
import functools

import jax
import jax.numpy as jnp
from jax import lax
from jax.experimental import pallas as pl
from jax.experimental.pallas import tpu as pltpu
from jax.experimental.pallas import tpu_sc as plsc

NC, NS, L = 2, 16, 16

_B, _K, _V = 64, 4, 100000
NCALL = 1
ROWS_C = _B * _K // NCALL
NW = NC * NS
RPW = ROWS_C // NW
BPW = RPW // _K
CH = 20000
NCH = _V // CH
GRPV = 5
NGRP = 5
BLKV = GRPV * NGRP
NBLK = CH // (BLKV * L)
TOT = RPW * NCH
NBUF = 4


def _insert(vv, ib, st):
  m0, m1, m2, m3, i0, i1, i2, i3 = st
  gt = vv > m0
  nm0 = jnp.where(gt, vv, m0); ni0 = jnp.where(gt, ib, i0)
  cv = jnp.where(gt, m0, vv); ci = jnp.where(gt, i0, ib)
  gt = cv > m1
  nm1 = jnp.where(gt, cv, m1); ni1 = jnp.where(gt, ci, i1)
  cv = jnp.where(gt, m1, cv); ci = jnp.where(gt, i1, ci)
  gt = cv > m2
  nm2 = jnp.where(gt, cv, m2); ni2 = jnp.where(gt, ci, i2)
  cv = jnp.where(gt, m2, cv); ci = jnp.where(gt, i2, ci)
  gt = cv > m3
  nm3 = jnp.where(gt, cv, m3); ni3 = jnp.where(gt, ci, i3)
  return (nm0, nm1, nm2, nm3, ni0, ni1, ni2, ni3)


def _make_body(row_off, b_off):
  def body(logits_hbm, bs_hbm, syms_hbm, scores_hbm, from_hbm, to_hbm,
           buf, mv, mi, lanebuf, xsf, xtf, bsl,
           osym, osc, ofr, oto, sems):
    wid = lax.axis_index("s") * NC + lax.axis_index("c")
    row0 = wid * RPW + row_off
    b0 = wid * BPW

    iota = lax.iota(jnp.int32, L)
    depth = iota & 3
    quad = iota >> 2
    low4 = iota < 4
    negvec = jnp.full((L,), -jnp.inf, jnp.float32)
    zeroi = jnp.zeros((L,), jnp.int32)
    bigi = jnp.full((L,), jnp.int32(0x7FFFFFFF))

    pltpu.sync_copy(bs_hbm.at[pl.ds(b0 + b_off, BPW)], bsl)

    def dma(g, slot):
      row = g // NCH
      c = g - row * NCH
      return pltpu.make_async_copy(
          logits_hbm.at[row0 + row, pl.ds(c * CH, CH)],
          buf.at[slot], sems.at[slot])

    for p in range(NBUF - 1):
      dma(p, p).start()

    def g_body(g, state):
      slot = lax.rem(g, NBUF)
      row = g // NCH
      c = g - row * NCH

      @pl.when(g + NBUF - 1 < TOT)
      def _():
        dma(g + NBUF - 1, lax.rem(g + NBUF - 1, NBUF)).start()

      dma(g, slot).wait()

      freshm = jnp.broadcast_to(c, (L,)) == 0
      m = [jnp.where(freshm, negvec, state[t]) for t in range(4)]
      ii = [jnp.where(freshm, zeroi, state[4 + t]) for t in range(4)]
      state = (*m, *ii)

      def blk_body(k, st):
        base = k * (BLKV * L)
        vs = [buf[slot, pl.ds(base + j * L, L)] for j in range(BLKV)]
        gmx = []
        for gi in range(NGRP):
          a = vs[GRPV * gi]
          for j in range(1, GRPV):
            a = jnp.maximum(a, vs[GRPV * gi + j])
          gmx.append(a)
        mx = jnp.maximum(jnp.maximum(gmx[0], gmx[1]),
                         jnp.maximum(jnp.maximum(gmx[2], gmx[3]), gmx[4]))
        pred = jnp.any(mx > st[3])

        def do_blk(s):
          pos0 = c * CH + base
          for gi in range(NGRP):
            sub = jnp.any(gmx[gi] > s[3])

            def do_sub(ss, gi=gi):
              for j in range(GRPV):
                q = GRPV * gi + j
                ss = _insert(vs[q], iota + (pos0 + q * L), ss)
              return ss

            s = lax.cond(sub, do_sub, lambda ss: ss, s)
          return s

        return lax.cond(pred, do_blk, lambda s: s, st)

      state = lax.fori_loop(0, NBLK, blk_body, state)

      @pl.when(c == NCH - 1)
      def _():
        m0, m1, m2, m3, i0, i1, i2, i3 = state
        mv[0] = m0; mv[1] = m1; mv[2] = m2; mv[3] = m3
        mi[0] = i0; mi[1] = i1; mi[2] = i2; mi[3] = i3
        lv = m0
        lane_sel = zeroi
        for r in range(4):
          mval = jnp.max(lv)
          elig = lv == mval
          imin = jnp.min(jnp.where(elig, i0, bigi))
          hit = elig & (i0 == imin)
          lane = jnp.min(jnp.where(hit, iota, bigi))
          lane_sel = jnp.where(iota == r, lane, lane_sel)
          lv = jnp.where(hit, negvec, lv)
        lanebuf[...] = lane_sel
        lane4 = plsc.load_gather(lanebuf, [quad])
        cv = plsc.load_gather(mv, [depth, lane4])
        ci = plsc.load_gather(mi, [depth, lane4])
        sel_v = negvec
        sel_i = zeroi
        for r in range(4):
          mval = jnp.max(cv)
          elig = cv == mval
          imin = jnp.min(jnp.where(elig, ci, bigi))
          sel_v = jnp.where(iota == r, mval, sel_v)
          sel_i = jnp.where(iota == r, imin, sel_i)
          cv = jnp.where(elig & (ci == imin), negvec, cv)
        bl = row >> 2
        j = row & 3
        blv = jnp.broadcast_to(bl, (L,))
        dst = depth + j * 4
        plsc.store_scatter(xsf, [blv, dst], sel_v, mask=low4)
        plsc.store_scatter(xtf, [blv, dst], sel_i, mask=low4)

      return state

    lax.fori_loop(0, TOT, g_body, (negvec,) * 4 + (zeroi,) * 4)

    for bl in range(BPW):
      blv = jnp.full((L,), bl, jnp.int32)
      xs = xsf[bl]
      bs_g = plsc.load_gather(bsl, [blv, quad])
      cv = bs_g + xs
      tk = negvec
      tv = zeroi
      for r in range(4):
        mval = jnp.max(cv)
        elig = cv == mval
        imin = jnp.min(jnp.where(elig, iota, bigi))
        tk = jnp.where(iota == r, mval, tk)
        tv = jnp.where(iota == r, imin, tv)
        cv = jnp.where(elig & (iota == imin), negvec, cv)
      fr = tv >> 2
      to = tv & 3
      sym = plsc.load_gather(xtf, [blv, tv])
      plsc.store_scatter(osym, [blv, depth], sym, mask=low4)
      plsc.store_scatter(osc, [blv, depth], tk, mask=low4)
      plsc.store_scatter(ofr, [blv, depth], fr, mask=low4)
      plsc.store_scatter(oto, [blv, depth], to, mask=low4)

    pltpu.sync_copy(osym, syms_hbm.at[pl.ds(b0, BPW)])
    pltpu.sync_copy(osc, scores_hbm.at[pl.ds(b0, BPW)])
    pltpu.sync_copy(ofr, from_hbm.at[pl.ds(b0, BPW)])
    pltpu.sync_copy(oto, to_hbm.at[pl.ds(b0, BPW)])

  return body


def _make_call(row_off, b_off):
  return functools.partial(
      pl.kernel,
      out_type=(
          jax.ShapeDtypeStruct((_B // NCALL, _K), jnp.int32),
          jax.ShapeDtypeStruct((_B // NCALL, _K), jnp.float32),
          jax.ShapeDtypeStruct((_B // NCALL, _K), jnp.int32),
          jax.ShapeDtypeStruct((_B // NCALL, _K), jnp.int32),
      ),
      mesh=plsc.VectorSubcoreMesh(core_axis_name="c", subcore_axis_name="s",
                                  num_cores=NC, num_subcores=NS),
      compiler_params=pltpu.CompilerParams(use_tc_tiling_on_sc=False,
                                           needs_layout_passes=False),
      scratch_types=[
          pltpu.VMEM((NBUF, CH), jnp.float32),
          pltpu.VMEM((_K, L), jnp.float32),
          pltpu.VMEM((_K, L), jnp.int32),
          pltpu.VMEM((L,), jnp.int32),
          pltpu.VMEM((BPW, L), jnp.float32),
          pltpu.VMEM((BPW, L), jnp.int32),
          pltpu.VMEM((BPW, _K), jnp.float32),
          pltpu.VMEM((BPW, _K), jnp.int32),
          pltpu.VMEM((BPW, _K), jnp.float32),
          pltpu.VMEM((BPW, _K), jnp.int32),
          pltpu.VMEM((BPW, _K), jnp.int32),
          pltpu.SemaphoreType.DMA((NBUF,)),
      ],
  )(_make_body(row_off, b_off))


@jax.jit
def kernel(logits, beam_scores):
  Bb, K, V = logits.shape
  logits2 = logits.reshape(Bb * K, V)
  syms, scores, fr, to = _make_call(0, 0)(logits2, beam_scores)
  return syms, scores, fr, to

# --- scband reference (transcript-rebuilt; emitter-appended) ---
"""Pipeline reference for scband-beam-decoder-91293824844546 (READ-ONLY COPY).

The authoritative reference and input builder live on the scoring server;
editing this copy changes nothing except your own understanding.
"""

import jax, jax.numpy as jnp
import numpy as np

B = 64
BEAM = 4
VOCAB = 100000

def setup_inputs(seed: int = 0) -> dict:
    key = jax.random.key(seed)
    k1, k2 = jax.random.split(key)
    logits = jax.random.normal(k1, (B, BEAM, VOCAB), dtype=jnp.float32)
    beam_scores = jax.random.normal(k2, (B, BEAM), dtype=jnp.float32)
    return {"logits": logits, "beam_scores": beam_scores}

def reference(logits, beam_scores):
    # One beam-search transition step, faithful to BeamDecoder's inner loop:
    #   for each beam j: sort cell outputs descending, keep top `beamsize`
    #   (_get_xs_and_logprobs_from_ys), add running beam_scores,
    #   then sort the flattened (beamsize*beamsize) transition scores and
    #   keep the top `beamsize` hypotheses, decoding (from, to) indices
    #   and gathering the chosen symbols.
    Bb, K, V = logits.shape
    # per-beam top-k over the vocab (torch.sort descending + slice [:beamsize])
    x_scores, new_x_ts = jax.lax.top_k(logits, K)           # [B, K, K] each
    # trans_scores[:, j, :] = beam_scores[:, j] + x_scores[:, j, :]
    trans_scores = beam_scores[:, :, None] + x_scores        # [B, K, K]
    flat = trans_scores.reshape(Bb, K * K)                   # [B, K*K]
    # torch.sort(..., descending=True) then slice [:, :beamsize]
    best_scores, best_at_t = jax.lax.top_k(flat, K)          # [B, K]
    best_at_t_from = best_at_t // K                          # beam index j
    best_at_t_to = best_at_t % K                             # rank within beam
    # sym_ij = saved_x_ts[best_from][i][best_to]
    syms = jnp.take_along_axis(new_x_ts.reshape(Bb, K * K), best_at_t, axis=1)
    return syms, best_scores, best_at_t_from, best_at_t_to

if __name__ == "__main__":
    import jax
    _d = setup_inputs()
    print(jax.jit(kernel)(*tuple(_d.values())))

</pallas_src>

<mosaic_0001>
#map = affine_map<(d0, d1) -> (0, 0)>
module attributes {stable_mosaic.version = 14 : i64} {
  func.func @body(%arg0: i32, %arg1: i32, %arg2: memref<256x100000xf32, #tpu.memory_space<hbm>>, %arg3: memref<64x4xf32, #tpu.memory_space<hbm>>, %arg4: memref<64x4xi32, #tpu.memory_space<hbm>>, %arg5: memref<64x4xf32, #tpu.memory_space<hbm>>, %arg6: memref<64x4xi32, #tpu.memory_space<hbm>>, %arg7: memref<64x4xi32, #tpu.memory_space<hbm>>, %arg8: memref<4x20000xf32, #tpu.memory_space<vmem>>, %arg9: memref<4x16xf32, #tpu.memory_space<vmem>>, %arg10: memref<4x16xi32, #tpu.memory_space<vmem>>, %arg11: memref<16xi32, #tpu.memory_space<vmem>>, %arg12: memref<2x16xf32, #tpu.memory_space<vmem>>, %arg13: memref<2x16xi32, #tpu.memory_space<vmem>>, %arg14: memref<2x4xf32, #tpu.memory_space<vmem>>, %arg15: memref<2x4xi32, #tpu.memory_space<vmem>>, %arg16: memref<2x4xf32, #tpu.memory_space<vmem>>, %arg17: memref<2x4xi32, #tpu.memory_space<vmem>>, %arg18: memref<2x4xi32, #tpu.memory_space<vmem>>, %arg19: memref<4x!tpu.dma_semaphore, #tpu.memory_space<semaphore_mem>>) attributes {dimension_semantics = [#tpu.dimension_semantics<core_parallel>, #tpu.dimension_semantics<subcore_parallel>], iteration_bounds = array<i64: 2, 16>, scalar_prefetch = 0 : i64, scratch_operands = 12 : i64, tpu.core_type = #tpu.core_type<sc_vector_subcore>, window_params = [{transform_indices = #map}, {transform_indices = #map}, {transform_indices = #map}, {transform_indices = #map}, {transform_indices = #map}, {transform_indices = #map}]} {
    %mul3A = arith.constant 2 : i32
    %mul3A_0 = arith.muli %arg1, %mul3A : i32
    %add3A = arith.addi %mul3A_0, %arg0 : i32
    %mul3A_1 = arith.constant 8 : i32
    %mul3A_2 = arith.muli %add3A, %mul3A_1 : i32
    %add3A_3 = arith.constant 0 : i32
    %add3A_4 = arith.addi %mul3A_2, %add3A_3 : i32
    %mul3A_5 = arith.constant 2 : i32
    %mul3A_6 = arith.muli %add3A, %mul3A_5 : i32
    %iota3A = tpu.iota {dimensions = array<i32: 0>} : vector<16xi32>
    %and3A = arith.constant 3 : i32
    %and3A_7 = vector.broadcast %and3A : i32 to vector<16xi32>
    %and3A_8 = arith.andi %iota3A, %and3A_7 : vector<16xi32>
    %shift_right_arithmetic3A = arith.constant 2 : i32
    %shift_right_arithmetic3A_9 = vector.broadcast %shift_right_arithmetic3A : i32 to vector<16xi32>
    %shift_right_arithmetic3A_10 = arith.shrsi %iota3A, %shift_right_arithmetic3A_9 : vector<16xi32>
    %lt3A = arith.constant 4 : i32
    %lt3A_11 = vector.broadcast %lt3A : i32 to vector<16xi32>
    %lt3A_12 = arith.cmpi slt, %iota3A, %lt3A_11 : vector<16xi32>
    %broadcast_in_dim3A = arith.constant 0xFF800000 : f32
    %broadcast_in_dim3A_13 = vector.broadcast %broadcast_in_dim3A : f32 to vector<16xf32>
    %broadcast_in_dim3A_14 = arith.constant 0 : i32
    %broadcast_in_dim3A_15 = vector.broadcast %broadcast_in_dim3A_14 : i32 to vector<16xi32>
    %broadcast_in_dim3A_16 = arith.constant 2147483647 : i32
    %broadcast_in_dim3A_17 = vector.broadcast %broadcast_in_dim3A_16 : i32 to vector<16xi32>
    %add3A_18 = arith.constant 0 : i32
    %add3A_19 = arith.addi %mul3A_6, %add3A_18 : i32
    "tpu.region"() ({
      %run_scoped3A = tpu.sem_alloc : memref<!tpu.dma_semaphore, #tpu.memory_space<semaphore_mem>>
      %dma_start3A_334 = arith.constant 0 : i32
      %dma_start3A_335 = tpu.memref_slice %arg3[%add3A_19, %dma_start3A_334] : memref<64x4xf32, #tpu.memory_space<hbm>> -> memref<2x4xf32, #tpu.memory_space<hbm>>
      %dma_start3A_336 = arith.constant 0 : i32
      %dma_start3A_337 = tpu.memref_slice %arg3[%add3A_19, %dma_start3A_336] : memref<64x4xf32, #tpu.memory_space<hbm>> -> memref<2x4xf32, #tpu.memory_space<hbm>>
      tpu.enqueue_dma source(%dma_start3A_337 : memref<2x4xf32, #tpu.memory_space<hbm>>) target(%arg14 : memref<2x4xf32, #tpu.memory_space<vmem>>) target_semaphore(%run_scoped3A : memref<!tpu.dma_semaphore, #tpu.memory_space<semaphore_mem>>)
      %dma_wait3A = arith.constant 0 : i32
      %dma_wait3A_338 = tpu.memref_slice %arg3[%add3A_19, %dma_wait3A] : memref<64x4xf32, #tpu.memory_space<hbm>> -> memref<2x4xf32, #tpu.memory_space<hbm>>
      %dma_wait3A_339 = arith.constant 0 : i32
      %dma_wait3A_340 = tpu.memref_slice %arg3[%add3A_19, %dma_wait3A_339] : memref<64x4xf32, #tpu.memory_space<hbm>> -> memref<2x4xf32, #tpu.memory_space<hbm>>
      tpu.wait_dma2 semaphore(%run_scoped3A : memref<!tpu.dma_semaphore, #tpu.memory_space<semaphore_mem>>) src(%dma_wait3A_340 : memref<2x4xf32, #tpu.memory_space<hbm>>) dst(%arg14 : memref<2x4xf32, #tpu.memory_space<vmem>>)
      tpu.yield
    }) : () -> ()
    %add3A_20 = arith.constant 0 : i32
    %add3A_21 = arith.addi %add3A_4, %add3A_20 : i32
    %dma_start3A = arith.constant 0 : i32
    %dma_start3A_22 = arith.constant 0 : i32
    %dma_start3A_23 = arith.constant 0 : i32
    %dma_start3A_24 = tpu.memref_slice %arg8[%dma_start3A, %dma_start3A_23] : memref<4x20000xf32, #tpu.memory_space<vmem>> -> memref<1x20000xf32, #tpu.memory_space<vmem>>
    %dma_start3A_25 = tpu.memref_squeeze %dma_start3A_24 : memref<1x20000xf32, #tpu.memory_space<vmem>> -> memref<20000xf32, #tpu.memory_space<vmem>>
    %dma_start3A_26 = arith.constant 0 : i32
    %dma_start3A_27 = tpu.memref_slice %arg2[%add3A_21, %dma_start3A_26] : memref<256x100000xf32, #tpu.memory_space<hbm>> -> memref<1x20000xf32, #tpu.memory_space<hbm>>
    %dma_start3A_28 = tpu.memref_squeeze %dma_start3A_27 : memref<1x20000xf32, #tpu.memory_space<hbm>> -> memref<20000xf32, #tpu.memory_space<hbm>>
    %dma_start3A_29 = tpu.memref_slice %arg19[%dma_start3A_22] : memref<4x!tpu.dma_semaphore, #tpu.memory_space<semaphore_mem>> -> memref<1x!tpu.dma_semaphore, #tpu.memory_space<semaphore_mem>>
    %dma_start3A_30 = tpu.memref_squeeze %dma_start3A_29 : memref<1x!tpu.dma_semaphore, #tpu.memory_space<semaphore_mem>> -> memref<!tpu.dma_semaphore, #tpu.memory_space<semaphore_mem>>
    %dma_start3A_31 = arith.constant 0 : i32
    %dma_start3A_32 = tpu.memref_slice %arg8[%dma_start3A, %dma_start3A_31] : memref<4x20000xf32, #tpu.memory_space<vmem>> -> memref<1x20000xf32, #tpu.memory_space<vmem>>
    %dma_start3A_33 = tpu.memref_squeeze %dma_start3A_32 : memref<1x20000xf32, #tpu.memory_space<vmem>> -> memref<20000xf32, #tpu.memory_space<vmem>>
    %dma_start3A_34 = arith.constant 0 : i32
    %dma_start3A_35 = tpu.memref_slice %arg2[%add3A_21, %dma_start3A_34] : memref<256x100000xf32, #tpu.memory_space<hbm>> -> memref<1x20000xf32, #tpu.memory_space<hbm>>
    %dma_start3A_36 = tpu.memref_squeeze %dma_start3A_35 : memref<1x20000xf32, #tpu.memory_space<hbm>> -> memref<20000xf32, #tpu.memory_space<hbm>>
    tpu.enqueue_dma source(%dma_start3A_36 : memref<20000xf32, #tpu.memory_space<hbm>>) target(%dma_start3A_33 : memref<20000xf32, #tpu.memory_space<vmem>>) target_semaphore(%dma_start3A_30 : memref<!tpu.dma_semaphore, #tpu.memory_space<semaphore_mem>>)
    %add3A_37 = arith.constant 0 : i32
    %add3A_38 = arith.addi %add3A_4, %add3A_37 : i32
    %dma_start3A_39 = arith.constant 1 : i32
    %dma_start3A_40 = arith.constant 1 : i32
    %dma_start3A_41 = arith.constant 0 : i32
    %dma_start3A_42 = tpu.memref_slice %arg8[%dma_start3A_39, %dma_start3A_41] : memref<4x20000xf32, #tpu.memory_space<vmem>> -> memref<1x20000xf32, #tpu.memory_space<vmem>>
    %dma_start3A_43 = tpu.memref_squeeze %dma_start3A_42 : memref<1x20000xf32, #tpu.memory_space<vmem>> -> memref<20000xf32, #tpu.memory_space<vmem>>
    %dma_start3A_44 = arith.constant 20000 : i32
    %dma_start3A_45 = tpu.memref_slice %arg2[%add3A_38, %dma_start3A_44] : memref<256x100000xf32, #tpu.memory_space<hbm>> -> memref<1x20000xf32, #tpu.memory_space<hbm>>
    %dma_start3A_46 = tpu.memref_squeeze %dma_start3A_45 : memref<1x20000xf32, #tpu.memory_space<hbm>> -> memref<20000xf32, #tpu.memory_space<hbm>>
    %dma_start3A_47 = tpu.memref_slice %arg19[%dma_start3A_40] : memref<4x!tpu.dma_semaphore, #tpu.memory_space<semaphore_mem>> -> memref<1x!tpu.dma_semaphore, #tpu.memory_space<semaphore_mem>>
    %dma_start3A_48 = tpu.memref_squeeze %dma_start3A_47 : memref<1x!tpu.dma_semaphore, #tpu.memory_space<semaphore_mem>> -> memref<!tpu.dma_semaphore, #tpu.memory_space<semaphore_mem>>
    %dma_start3A_49 = arith.constant 0 : i32
    %dma_start3A_50 = tpu.memref_slice %arg8[%dma_start3A_39, %dma_start3A_49] : memref<4x20000xf32, #tpu.memory_space<vmem>> -> memref<1x20000xf32, #tpu.memory_space<vmem>>
    %dma_start3A_51 = tpu.memref_squeeze %dma_start3A_50 : memref<1x20000xf32, #tpu.memory_space<vmem>> -> memref<20000xf32, #tpu.memory_space<vmem>>
    %dma_start3A_52 = arith.constant 20000 : i32
    %dma_start3A_53 = tpu.memref_slice %arg2[%add3A_38, %dma_start3A_52] : memref<256x100000xf32, #tpu.memory_space<hbm>> -> memref<1x20000xf32, #tpu.memory_space<hbm>>
    %dma_start3A_54 = tpu.memref_squeeze %dma_start3A_53 : memref<1x20000xf32, #tpu.memory_space<hbm>> -> memref<20000xf32, #tpu.memory_space<hbm>>
    tpu.enqueue_dma source(%dma_start3A_54 : memref<20000xf32, #tpu.memory_space<hbm>>) target(%dma_start3A_51 : memref<20000xf32, #tpu.memory_space<vmem>>) target_semaphore(%dma_start3A_48 : memref<!tpu.dma_semaphore, #tpu.memory_space<semaphore_mem>>)
    %add3A_55 = arith.constant 0 : i32
    %add3A_56 = arith.addi %add3A_4, %add3A_55 : i32
    %dma_start3A_57 = arith.constant 2 : i32
    %dma_start3A_58 = arith.constant 2 : i32
    %dma_start3A_59 = arith.constant 0 : i32
    %dma_start3A_60 = tpu.memref_slice %arg8[%dma_start3A_57, %dma_start3A_59] : memref<4x20000xf32, #tpu.memory_space<vmem>> -> memref<1x20000xf32, #tpu.memory_space<vmem>>
    %dma_start3A_61 = tpu.memref_squeeze %dma_start3A_60 : memref<1x20000xf32, #tpu.memory_space<vmem>> -> memref<20000xf32, #tpu.memory_space<vmem>>
    %dma_start3A_62 = arith.constant 40000 : i32
    %dma_start3A_63 = tpu.memref_slice %arg2[%add3A_56, %dma_start3A_62] : memref<256x100000xf32, #tpu.memory_space<hbm>> -> memref<1x20000xf32, #tpu.memory_space<hbm>>
    %dma_start3A_64 = tpu.memref_squeeze %dma_start3A_63 : memref<1x20000xf32, #tpu.memory_space<hbm>> -> memref<20000xf32, #tpu.memory_space<hbm>>
    %dma_start3A_65 = tpu.memref_slice %arg19[%dma_start3A_58] : memref<4x!tpu.dma_semaphore, #tpu.memory_space<semaphore_mem>> -> memref<1x!tpu.dma_semaphore, #tpu.memory_space<semaphore_mem>>
    %dma_start3A_66 = tpu.memref_squeeze %dma_start3A_65 : memref<1x!tpu.dma_semaphore, #tpu.memory_space<semaphore_mem>> -> memref<!tpu.dma_semaphore, #tpu.memory_space<semaphore_mem>>
    %dma_start3A_67 = arith.constant 0 : i32
    %dma_start3A_68 = tpu.memref_slice %arg8[%dma_start3A_57, %dma_start3A_67] : memref<4x20000xf32, #tpu.memory_space<vmem>> -> memref<1x20000xf32, #tpu.memory_space<vmem>>
    %dma_start3A_69 = tpu.memref_squeeze %dma_start3A_68 : memref<1x20000xf32, #tpu.memory_space<vmem>> -> memref<20000xf32, #tpu.memory_space<vmem>>
    %dma_start3A_70 = arith.constant 40000 : i32
    %dma_start3A_71 = tpu.memref_slice %arg2[%add3A_56, %dma_start3A_70] : memref<256x100000xf32, #tpu.memory_space<hbm>> -> memref<1x20000xf32, #tpu.memory_space<hbm>>
    %dma_start3A_72 = tpu.memref_squeeze %dma_start3A_71 : memref<1x20000xf32, #tpu.memory_space<hbm>> -> memref<20000xf32, #tpu.memory_space<hbm>>
    tpu.enqueue_dma source(%dma_start3A_72 : memref<20000xf32, #tpu.memory_space<hbm>>) target(%dma_start3A_69 : memref<20000xf32, #tpu.memory_space<vmem>>) target_semaphore(%dma_start3A_66 : memref<!tpu.dma_semaphore, #tpu.memory_space<semaphore_mem>>)
    %scan3A = arith.constant 0 : i32
    %scan3A_73 = arith.constant 40 : i32
    %scan3A_74 = arith.addi %scan3A, %scan3A_73 : i32
    %scan3A_75 = arith.constant 1 : i32
    %scan3A_76:8 = scf.for %scan3A_334 = %scan3A to %scan3A_74 step %scan3A_75 iter_args(%scan3A_335 = %broadcast_in_dim3A_13, %scan3A_336 = %broadcast_in_dim3A_13, %scan3A_337 = %broadcast_in_dim3A_13, %scan3A_338 = %broadcast_in_dim3A_13, %scan3A_339 = %broadcast_in_dim3A_15, %scan3A_340 = %broadcast_in_dim3A_15, %scan3A_341 = %broadcast_in_dim3A_15, %scan3A_342 = %broadcast_in_dim3A_15) -> (vector<16xf32>, vector<16xf32>, vector<16xf32>, vector<16xf32>, vector<16xi32>, vector<16xi32>, vector<16xi32>, vector<16xi32>)  : i32 {
      %rem3A = arith.constant 4 : i32
      %rem3A_343 = arith.remsi %scan3A_334, %rem3A : i32
      %jit3A = arith.constant 5 : i32
      %div3A = arith.divsi %scan3A_334, %jit3A : i32
      %sign3A = arith.constant 0 : i32
      %sign3A_344 = arith.cmpi sgt, %scan3A_334, %sign3A : i32
      %sign3A_345 = arith.extui %sign3A_344 : i1 to i32
      %sign3A_346 = arith.constant 0 : i32
      %sign3A_347 = arith.cmpi slt, %scan3A_334, %sign3A_346 : i32
      %sign3A_348 = arith.extui %sign3A_347 : i1 to i32
      %sign3A_349 = arith.subi %sign3A_345, %sign3A_348 : i32
      %sign3A_350 = arith.constant 0 : i32
      %sign3A_351 = arith.cmpi sgt, %jit3A, %sign3A_350 : i32
      %sign3A_352 = arith.extui %sign3A_351 : i1 to i32
      %sign3A_353 = arith.constant 0 : i32
      %sign3A_354 = arith.cmpi slt, %jit3A, %sign3A_353 : i32
      %sign3A_355 = arith.extui %sign3A_354 : i1 to i32
      %sign3A_356 = arith.subi %sign3A_352, %sign3A_355 : i32
      %ne3A = arith.cmpi ne, %sign3A_349, %sign3A_356 : i32
      %rem3A_357 = arith.remsi %scan3A_334, %jit3A : i32
      %ne3A_358 = arith.constant 0 : i32
      %ne3A_359 = arith.cmpi ne, %rem3A_357, %ne3A_358 : i32
      %and3A_360 = arith.andi %ne3A, %ne3A_359 : i1
      %sub3A = arith.constant 1 : i32
      %sub3A_361 = arith.subi %div3A, %sub3A : i32
      %select_n3A_362 = arith.select %and3A_360, %sub3A_361, %div3A : i32
      %mul3A_363 = arith.constant 5 : i32
      %mul3A_364 = arith.muli %select_n3A_362, %mul3A_363 : i32
      %sub3A_365 = arith.subi %scan3A_334, %mul3A_364 : i32
      %add3A_366 = arith.constant 4 : i32
      %add3A_367 = arith.addi %scan3A_334, %add3A_366 : i32
      %sub3A_368 = arith.constant 1 : i32
      %sub3A_369 = arith.subi %add3A_367, %sub3A_368 : i32
      %lt3A_370 = arith.constant 40 : i32
      %lt3A_371 = arith.cmpi slt, %sub3A_369, %lt3A_370 : i32
      %convert_element_type3A = arith.extui %lt3A_371 : i1 to i32
      %cond3A = arith.constant 0 : i32
      %cond3A_372 = arith.cmpi ne, %convert_element_type3A, %cond3A : i32
      scf.if %cond3A_372 {
        %add3A_437 = arith.constant 4 : i32
        %add3A_438 = arith.addi %scan3A_334, %add3A_437 : i32
        %sub3A_439 = arith.constant 1 : i32
        %sub3A_440 = arith.subi %add3A_438, %sub3A_439 : i32
        %add3A_441 = arith.constant 4 : i32
        %add3A_442 = arith.addi %scan3A_334, %add3A_441 : i32
        %sub3A_443 = arith.constant 1 : i32
        %sub3A_444 = arith.subi %add3A_442, %sub3A_443 : i32
        %rem3A_445 = arith.constant 4 : i32
        %rem3A_446 = arith.remsi %sub3A_444, %rem3A_445 : i32
        %jit3A_447 = arith.constant 5 : i32
        %div3A_448 = arith.divsi %sub3A_440, %jit3A_447 : i32
        %sign3A_449 = arith.constant 0 : i32
        %sign3A_450 = arith.cmpi sgt, %sub3A_440, %sign3A_449 : i32
        %sign3A_451 = arith.extui %sign3A_450 : i1 to i32
        %sign3A_452 = arith.constant 0 : i32
        %sign3A_453 = arith.cmpi slt, %sub3A_440, %sign3A_452 : i32
        %sign3A_454 = arith.extui %sign3A_453 : i1 to i32
        %sign3A_455 = arith.subi %sign3A_451, %sign3A_454 : i32
        %sign3A_456 = arith.constant 0 : i32
        %sign3A_457 = arith.cmpi sgt, %jit3A_447, %sign3A_456 : i32
        %sign3A_458 = arith.extui %sign3A_457 : i1 to i32
        %sign3A_459 = arith.constant 0 : i32
        %sign3A_460 = arith.cmpi slt, %jit3A_447, %sign3A_459 : i32
        %sign3A_461 = arith.extui %sign3A_460 : i1 to i32
        %sign3A_462 = arith.subi %sign3A_458, %sign3A_461 : i32
        %ne3A_463 = arith.cmpi ne, %sign3A_455, %sign3A_462 : i32
        %rem3A_464 = arith.remsi %sub3A_440, %jit3A_447 : i32
        %ne3A_465 = arith.constant 0 : i32
        %ne3A_466 = arith.cmpi ne, %rem3A_464, %ne3A_465 : i32
        %and3A_467 = arith.andi %ne3A_463, %ne3A_466 : i1
        %sub3A_468 = arith.constant 1 : i32
        %sub3A_469 = arith.subi %div3A_448, %sub3A_468 : i32
        %select_n3A_470 = arith.select %and3A_467, %sub3A_469, %div3A_448 : i32
        %mul3A_471 = arith.constant 5 : i32
        %mul3A_472 = arith.muli %select_n3A_470, %mul3A_471 : i32
        %sub3A_473 = arith.subi %sub3A_440, %mul3A_472 : i32
        %add3A_474 = arith.addi %add3A_4, %select_n3A_470 : i32
        %mul3A_475 = arith.constant 20000 : i32
        %mul3A_476 = arith.muli %sub3A_473, %mul3A_475 : i32
        %dma_start3A_477 = arith.constant 0 : i32
        %dma_start3A_478 = tpu.memref_slice %arg8[%rem3A_446, %dma_start3A_477] : memref<4x20000xf32, #tpu.memory_space<vmem>> -> memref<1x20000xf32, #tpu.memory_space<vmem>>
        %dma_start3A_479 = tpu.memref_squeeze %dma_start3A_478 : memref<1x20000xf32, #tpu.memory_space<vmem>> -> memref<20000xf32, #tpu.memory_space<vmem>>
        %dma_start3A_480 = tpu.memref_slice %arg2[%add3A_474, %mul3A_476] : memref<256x100000xf32, #tpu.memory_space<hbm>> -> memref<1x20000xf32, #tpu.memory_space<hbm>>
        %dma_start3A_481 = tpu.memref_squeeze %dma_start3A_480 : memref<1x20000xf32, #tpu.memory_space<hbm>> -> memref<20000xf32, #tpu.memory_space<hbm>>
        %dma_start3A_482 = tpu.memref_slice %arg19[%rem3A_446] : memref<4x!tpu.dma_semaphore, #tpu.memory_space<semaphore_mem>> -> memref<1x!tpu.dma_semaphore, #tpu.memory_space<semaphore_mem>>
        %dma_start3A_483 = tpu.memref_squeeze %dma_start3A_482 : memref<1x!tpu.dma_semaphore, #tpu.memory_space<semaphore_mem>> -> memref<!tpu.dma_semaphore, #tpu.memory_space<semaphore_mem>>
        %dma_start3A_484 = arith.constant 0 : i32
        %dma_start3A_485 = tpu.memref_slice %arg8[%rem3A_446, %dma_start3A_484] : memref<4x20000xf32, #tpu.memory_space<vmem>> -> memref<1x20000xf32, #tpu.memory_space<vmem>>
        %dma_start3A_486 = tpu.memref_squeeze %dma_start3A_485 : memref<1x20000xf32, #tpu.memory_space<vmem>> -> memref<20000xf32, #tpu.memory_space<vmem>>
        %dma_start3A_487 = tpu.memref_slice %arg2[%add3A_474, %mul3A_476] : memref<256x100000xf32, #tpu.memory_space<hbm>> -> memref<1x20000xf32, #tpu.memory_space<hbm>>
        %dma_start3A_488 = tpu.memref_squeeze %dma_start3A_487 : memref<1x20000xf32, #tpu.memory_space<hbm>> -> memref<20000xf32, #tpu.memory_space<hbm>>
        tpu.enqueue_dma source(%dma_start3A_488 : memref<20000xf32, #tpu.memory_space<hbm>>) target(%dma_start3A_486 : memref<20000xf32, #tpu.memory_space<vmem>>) target_semaphore(%dma_start3A_483 : memref<!tpu.dma_semaphore, #tpu.memory_space<semaphore_mem>>)
      } else {
      }
      %jit3A_373 = arith.constant 5 : i32
      %div3A_374 = arith.divsi %scan3A_334, %jit3A_373 : i32
      %sign3A_375 = arith.constant 0 : i32
      %sign3A_376 = arith.cmpi sgt, %scan3A_334, %sign3A_375 : i32
      %sign3A_377 = arith.extui %sign3A_376 : i1 to i32
      %sign3A_378 = arith.constant 0 : i32
      %sign3A_379 = arith.cmpi slt, %scan3A_334, %sign3A_378 : i32
      %sign3A_380 = arith.extui %sign3A_379 : i1 to i32
      %sign3A_381 = arith.subi %sign3A_377, %sign3A_380 : i32
      %sign3A_382 = arith.constant 0 : i32
      %sign3A_383 = arith.cmpi sgt, %jit3A_373, %sign3A_382 : i32
      %sign3A_384 = arith.extui %sign3A_383 : i1 to i32
      %sign3A_385 = arith.constant 0 : i32
      %sign3A_386 = arith.cmpi slt, %jit3A_373, %sign3A_385 : i32
      %sign3A_387 = arith.extui %sign3A_386 : i1 to i32
      %sign3A_388 = arith.subi %sign3A_384, %sign3A_387 : i32
      %ne3A_389 = arith.cmpi ne, %sign3A_381, %sign3A_388 : i32
      %rem3A_390 = arith.remsi %scan3A_334, %jit3A_373 : i32
      %ne3A_391 = arith.constant 0 : i32
      %ne3A_392 = arith.cmpi ne, %rem3A_390, %ne3A_391 : i32
      %and3A_393 = arith.andi %ne3A_389, %ne3A_392 : i1
      %sub3A_394 = arith.constant 1 : i32
      %sub3A_395 = arith.subi %div3A_374, %sub3A_394 : i32
      %select_n3A_396 = arith.select %and3A_393, %sub3A_395, %div3A_374 : i32
      %mul3A_397 = arith.constant 5 : i32
      %mul3A_398 = arith.muli %select_n3A_396, %mul3A_397 : i32
      %sub3A_399 = arith.subi %scan3A_334, %mul3A_398 : i32
      %add3A_400 = arith.addi %add3A_4, %select_n3A_396 : i32
      %mul3A_401 = arith.constant 20000 : i32
      %mul3A_402 = arith.muli %sub3A_399, %mul3A_401 : i32
      %dma_wait3A = arith.constant 0 : i32
      %dma_wait3A_403 = tpu.memref_slice %arg8[%rem3A_343, %dma_wait3A] : memref<4x20000xf32, #tpu.memory_space<vmem>> -> memref<1x20000xf32, #tpu.memory_space<vmem>>
      %dma_wait3A_404 = tpu.memref_squeeze %dma_wait3A_403 : memref<1x20000xf32, #tpu.memory_space<vmem>> -> memref<20000xf32, #tpu.memory_space<vmem>>
      %dma_wait3A_405 = tpu.memref_slice %arg2[%add3A_400, %mul3A_402] : memref<256x100000xf32, #tpu.memory_space<hbm>> -> memref<1x20000xf32, #tpu.memory_space<hbm>>
      %dma_wait3A_406 = tpu.memref_squeeze %dma_wait3A_405 : memref<1x20000xf32, #tpu.memory_space<hbm>> -> memref<20000xf32, #tpu.memory_space<hbm>>
      %dma_wait3A_407 = tpu.memref_slice %arg19[%rem3A_343] : memref<4x!tpu.dma_semaphore, #tpu.memory_space<semaphore_mem>> -> memref<1x!tpu.dma_semaphore, #tpu.memory_space<semaphore_mem>>
      %dma_wait3A_408 = tpu.memref_squeeze %dma_wait3A_407 : memref<1x!tpu.dma_semaphore, #tpu.memory_space<semaphore_mem>> -> memref<!tpu.dma_semaphore, #tpu.memory_space<semaphore_mem>>
      %dma_wait3A_409 = arith.constant 0 : i32
      %dma_wait3A_410 = tpu.memref_slice %arg8[%rem3A_343, %dma_wait3A_409] : memref<4x20000xf32, #tpu.memory_space<vmem>> -> memref<1x20000xf32, #tpu.memory_space<vmem>>
      %dma_wait3A_411 = tpu.memref_squeeze %dma_wait3A_410 : memref<1x20000xf32, #tpu.memory_space<vmem>> -> memref<20000xf32, #tpu.memory_space<vmem>>
      %dma_wait3A_412 = tpu.memref_slice %arg2[%add3A_400, %mul3A_402] : memref<256x100000xf32, #tpu.memory_space<hbm>> -> memref<1x20000xf32, #tpu.memory_space<hbm>>
      %dma_wait3A_413 = tpu.memref_squeeze %dma_wait3A_412 : memref<1x20000xf32, #tpu.memory_space<hbm>> -> memref<20000xf32, #tpu.memory_space<hbm>>
      tpu.wait_dma2 semaphore(%dma_wait3A_408 : memref<!tpu.dma_semaphore, #tpu.memory_space<semaphore_mem>>) src(%dma_wait3A_413 : memref<20000xf32, #tpu.memory_space<hbm>>) dst(%dma_wait3A_411 : memref<20000xf32, #tpu.memory_space<vmem>>)
      %broadcast_in_dim3A_414 = vector.broadcast %sub3A_365 : i32 to vector<16xi32>
      %eq3A_415 = arith.constant 0 : i32
      %eq3A_416 = vector.broadcast %eq3A_415 : i32 to vector<16xi32>
      %eq3A_417 = arith.cmpi eq, %broadcast_in_dim3A_414, %eq3A_416 : vector<16xi32>
      %select_n3A_418 = arith.select %eq3A_417, %broadcast_in_dim3A_13, %scan3A_335 : vector<16xi1>, vector<16xf32>
      %select_n3A_419 = arith.select %eq3A_417, %broadcast_in_dim3A_13, %scan3A_336 : vector<16xi1>, vector<16xf32>
      %select_n3A_420 = arith.select %eq3A_417, %broadcast_in_dim3A_13, %scan3A_337 : vector<16xi1>, vector<16xf32>
      %select_n3A_421 = arith.select %eq3A_417, %broadcast_in_dim3A_13, %scan3A_338 : vector<16xi1>, vector<16xf32>
      %select_n3A_422 = arith.select %eq3A_417, %broadcast_in_dim3A_15, %scan3A_339 : vector<16xi1>, vector<16xi32>
      %select_n3A_423 = arith.select %eq3A_417, %broadcast_in_dim3A_15, %scan3A_340 : vector<16xi1>, vector<16xi32>
      %select_n3A_424 = arith.select %eq3A_417, %broadcast_in_dim3A_15, %scan3A_341 : vector<16xi1>, vector<16xi32>
      %select_n3A_425 = arith.select %eq3A_417, %broadcast_in_dim3A_15, %scan3A_342 : vector<16xi1>, vector<16xi32>
      %scan3A_426 = arith.constant 0 : i32
      %scan3A_427 = arith.constant 50 : i32
      %scan3A_428 = arith.addi %scan3A_426, %scan3A_427 : i32
      %scan3A_429 = arith.constant 1 : i32
      %scan3A_430:8 = scf.for %scan3A_437 = %scan3A_426 to %scan3A_428 step %scan3A_429 iter_args(%scan3A_438 = %select_n3A_418, %scan3A_439 = %select_n3A_419, %scan3A_440 = %select_n3A_420, %scan3A_441 = %select_n3A_421, %scan3A_442 = %select_n3A_422, %scan3A_443 = %select_n3A_423, %scan3A_444 = %select_n3A_424, %scan3A_445 = %select_n3A_425) -> (vector<16xf32>, vector<16xf32>, vector<16xf32>, vector<16xf32>, vector<16xi32>, vector<16xi32>, vector<16xi32>, vector<16xi32>)  : i32 {
        %mul3A_446 = arith.constant 400 : i32
        %mul3A_447 = arith.muli %scan3A_437, %mul3A_446 : i32
        %add3A_448 = arith.constant 0 : i32
        %add3A_449 = arith.addi %mul3A_447, %add3A_448 : i32
        %get3A_450 = arith.index_cast %rem3A_343 : i32 to index
        %get3A_451 = arith.index_cast %add3A_449 : i32 to index
        %get3A_452 = tpu.vector_load %arg8[%get3A_450, %get3A_451] {strides = array<i32>} : memref<4x20000xf32, #tpu.memory_space<vmem>>, vector<16xf32>,
        %add3A_453 = arith.constant 16 : i32
        %add3A_454 = arith.addi %mul3A_447, %add3A_453 : i32
        %get3A_455 = arith.index_cast %rem3A_343 : i32 to index
        %get3A_456 = arith.index_cast %add3A_454 : i32 to index
        %get3A_457 = tpu.vector_load %arg8[%get3A_455, %get3A_456] {strides = array<i32>} : memref<4x20000xf32, #tpu.memory_space<vmem>>, vector<16xf32>,
        %add3A_458 = arith.constant 32 : i32
        %add3A_459 = arith.addi %mul3A_447, %add3A_458 : i32
        %get3A_460 = arith.index_cast %rem3A_343 : i32 to index
        %get3A_461 = arith.index_cast %add3A_459 : i32 to index
        %get3A_462 = tpu.vector_load %arg8[%get3A_460, %get3A_461] {strides = array<i32>} : memref<4x20000xf32, #tpu.memory_space<vmem>>, vector<16xf32>,
        %add3A_463 = arith.constant 48 : i32
        %add3A_464 = arith.addi %mul3A_447, %add3A_463 : i32
        %get3A_465 = arith.index_cast %rem3A_343 : i32 to index
        %get3A_466 = arith.index_cast %add3A_464 : i32 to index
        %get3A_467 = tpu.vector_load %arg8[%get3A_465, %get3A_466] {strides = array<i32>} : memref<4x20000xf32, #tpu.memory_space<vmem>>, vector<16xf32>,
        %add3A_468 = arith.constant 64 : i32
        %add3A_469 = arith.addi %mul3A_447, %add3A_468 : i32
        %get3A_470 = arith.index_cast %rem3A_343 : i32 to index
        %get3A_471 = arith.index_cast %add3A_469 : i32 to index
        %get3A_472 = tpu.vector_load %arg8[%get3A_470, %get3A_471] {strides = array<i32>} : memref<4x20000xf32, #tpu.memory_space<vmem>>, vector<16xf32>,
        %add3A_473 = arith.constant 80 : i32
        %add3A_474 = arith.addi %mul3A_447, %add3A_473 : i32
        %get3A_475 = arith.index_cast %rem3A_343 : i32 to index
        %get3A_476 = arith.index_cast %add3A_474 : i32 to index
        %get3A_477 = tpu.vector_load %arg8[%get3A_475, %get3A_476] {strides = array<i32>} : memref<4x20000xf32, #tpu.memory_space<vmem>>, vector<16xf32>,
        %add3A_478 = arith.constant 96 : i32
        %add3A_479 = arith.addi %mul3A_447, %add3A_478 : i32
        %get3A_480 = arith.index_cast %rem3A_343 : i32 to index
        %get3A_481 = arith.index_cast %add3A_479 : i32 to index
        %get3A_482 = tpu.vector_load %arg8[%get3A_480, %get3A_481] {strides = array<i32>} : memref<4x20000xf32, #tpu.memory_space<vmem>>, vector<16xf32>,
        %add3A_483 = arith.constant 112 : i32
        %add3A_484 = arith.addi %mul3A_447, %add3A_483 : i32
        %get3A_485 = arith.index_cast %rem3A_343 : i32 to index
        %get3A_486 = arith.index_cast %add3A_484 : i32 to index
        %get3A_487 = tpu.vector_load %arg8[%get3A_485, %get3A_486] {strides = array<i32>} : memref<4x20000xf32, #tpu.memory_space<vmem>>, vector<16xf32>,
        %add3A_488 = arith.constant 128 : i32
        %add3A_489 = arith.addi %mul3A_447, %add3A_488 : i32
        %get3A_490 = arith.index_cast %rem3A_343 : i32 to index
        %get3A_491 = arith.index_cast %add3A_489 : i32 to index
        %get3A_492 = tpu.vector_load %arg8[%get3A_490, %get3A_491] {strides = array<i32>} : memref<4x20000xf32, #tpu.memory_space<vmem>>, vector<16xf32>,
        %add3A_493 = arith.constant 144 : i32
        %add3A_494 = arith.addi %mul3A_447, %add3A_493 : i32
        %get3A_495 = arith.index_cast %rem3A_343 : i32 to index
        %get3A_496 = arith.index_cast %add3A_494 : i32 to index
        %get3A_497 = tpu.vector_load %arg8[%get3A_495, %get3A_496] {strides = array<i32>} : memref<4x20000xf32, #tpu.memory_space<vmem>>, vector<16xf32>,
        %add3A_498 = arith.constant 160 : i32
        %add3A_499 = arith.addi %mul3A_447, %add3A_498 : i32
        %get3A_500 = arith.index_cast %rem3A_343 : i32 to index
        %get3A_501 = arith.index_cast %add3A_499 : i32 to index
        %get3A_502 = tpu.vector_load %arg8[%get3A_500, %get3A_501] {strides = array<i32>} : memref<4x20000xf32, #tpu.memory_space<vmem>>, vector<16xf32>,
        %add3A_503 = arith.constant 176 : i32
        %add3A_504 = arith.addi %mul3A_447, %add3A_503 : i32
        %get3A_505 = arith.index_cast %rem3A_343 : i32 to index
        %get3A_506 = arith.index_cast %add3A_504 : i32 to index
        %get3A_507 = tpu.vector_load %arg8[%get3A_505, %get3A_506] {strides = array<i32>} : memref<4x20000xf32, #tpu.memory_space<vmem>>, vector<16xf32>,
        %add3A_508 = arith.constant 192 : i32
        %add3A_509 = arith.addi %mul3A_447, %add3A_508 : i32
        %get3A_510 = arith.index_cast %rem3A_343 : i32 to index
        %get3A_511 = arith.index_cast %add3A_509 : i32 to index
        %get3A_512 = tpu.vector_load %arg8[%get3A_510, %get3A_511] {strides = array<i32>} : memref<4x20000xf32, #tpu.memory_space<vmem>>, vector<16xf32>,
        %add3A_513 = arith.constant 208 : i32
        %add3A_514 = arith.addi %mul3A_447, %add3A_513 : i32
        %get3A_515 = arith.index_cast %rem3A_343 : i32 to index
        %get3A_516 = arith.index_cast %add3A_514 : i32 to index
        %get3A_517 = tpu.vector_load %arg8[%get3A_515, %get3A_516] {strides = array<i32>} : memref<4x20000xf32, #tpu.memory_space<vmem>>, vector<16xf32>,
        %add3A_518 = arith.constant 224 : i32
        %add3A_519 = arith.addi %mul3A_447, %add3A_518 : i32
        %get3A_520 = arith.index_cast %rem3A_343 : i32 to index
        %get3A_521 = arith.index_cast %add3A_519 : i32 to index
        %get3A_522 = tpu.vector_load %arg8[%get3A_520, %get3A_521] {strides = array<i32>} : memref<4x20000xf32, #tpu.memory_space<vmem>>, vector<16xf32>,
        %add3A_523 = arith.constant 240 : i32
        %add3A_524 = arith.addi %mul3A_447, %add3A_523 : i32
        %get3A_525 = arith.index_cast %rem3A_343 : i32 to index
        %get3A_526 = arith.index_cast %add3A_524 : i32 to index
        %get3A_527 = tpu.vector_load %arg8[%get3A_525, %get3A_526] {strides = array<i32>} : memref<4x20000xf32, #tpu.memory_space<vmem>>, vector<16xf32>,
        %add3A_528 = arith.constant 256 : i32
        %add3A_529 = arith.addi %mul3A_447, %add3A_528 : i32
        %get3A_530 = arith.index_cast %rem3A_343 : i32 to index
        %get3A_531 = arith.index_cast %add3A_529 : i32 to index
        %get3A_532 = tpu.vector_load %arg8[%get3A_530, %get3A_531] {strides = array<i32>} : memref<4x20000xf32, #tpu.memory_space<vmem>>, vector<16xf32>,
        %add3A_533 = arith.constant 272 : i32
        %add3A_534 = arith.addi %mul3A_447, %add3A_533 : i32
        %get3A_535 = arith.index_cast %rem3A_343 : i32 to index
        %get3A_536 = arith.index_cast %add3A_534 : i32 to index
        %get3A_537 = tpu.vector_load %arg8[%get3A_535, %get3A_536] {strides = array<i32>} : memref<4x20000xf32, #tpu.memory_space<vmem>>, vector<16xf32>,
        %add3A_538 = arith.constant 288 : i32
        %add3A_539 = arith.addi %mul3A_447, %add3A_538 : i32
        %get3A_540 = arith.index_cast %rem3A_343 : i32 to index
        %get3A_541 = arith.index_cast %add3A_539 : i32 to index
        %get3A_542 = tpu.vector_load %arg8[%get3A_540, %get3A_541] {strides = array<i32>} : memref<4x20000xf32, #tpu.memory_space<vmem>>, vector<16xf32>,
        %add3A_543 = arith.constant 304 : i32
        %add3A_544 = arith.addi %mul3A_447, %add3A_543 : i32
        %get3A_545 = arith.index_cast %rem3A_343 : i32 to index
        %get3A_546 = arith.index_cast %add3A_544 : i32 to index
        %get3A_547 = tpu.vector_load %arg8[%get3A_545, %get3A_546] {strides = array<i32>} : memref<4x20000xf32, #tpu.memory_space<vmem>>, vector<16xf32>,
        %add3A_548 = arith.constant 320 : i32
        %add3A_549 = arith.addi %mul3A_447, %add3A_548 : i32
        %get3A_550 = arith.index_cast %rem3A_343 : i32 to index
        %get3A_551 = arith.index_cast %add3A_549 : i32 to index
        %get3A_552 = tpu.vector_load %arg8[%get3A_550, %get3A_551] {strides = array<i32>} : memref<4x20000xf32, #tpu.memory_space<vmem>>, vector<16xf32>,
        %add3A_553 = arith.constant 336 : i32
        %add3A_554 = arith.addi %mul3A_447, %add3A_553 : i32
        %get3A_555 = arith.index_cast %rem3A_343 : i32 to index
        %get3A_556 = arith.index_cast %add3A_554 : i32 to index
        %get3A_557 = tpu.vector_load %arg8[%get3A_555, %get3A_556] {strides = array<i32>} : memref<4x20000xf32, #tpu.memory_space<vmem>>, vector<16xf32>,
        %add3A_558 = arith.constant 352 : i32
        %add3A_559 = arith.addi %mul3A_447, %add3A_558 : i32
        %get3A_560 = arith.index_cast %rem3A_343 : i32 to index
        %get3A_561 = arith.index_cast %add3A_559 : i32 to index
        %get3A_562 = tpu.vector_load %arg8[%get3A_560, %get3A_561] {strides = array<i32>} : memref<4x20000xf32, #tpu.memory_space<vmem>>, vector<16xf32>,
        %add3A_563 = arith.constant 368 : i32
        %add3A_564 = arith.addi %mul3A_447, %add3A_563 : i32
        %get3A_565 = arith.index_cast %rem3A_343 : i32 to index
        %get3A_566 = arith.index_cast %add3A_564 : i32 to index
        %get3A_567 = tpu.vector_load %arg8[%get3A_565, %get3A_566] {strides = array<i32>} : memref<4x20000xf32, #tpu.memory_space<vmem>>, vector<16xf32>,
        %add3A_568 = arith.constant 384 : i32
        %add3A_569 = arith.addi %mul3A_447, %add3A_568 : i32
        %get3A_570 = arith.index_cast %rem3A_343 : i32 to index
        %get3A_571 = arith.index_cast %add3A_569 : i32 to index
        %get3A_572 = tpu.vector_load %arg8[%get3A_570, %get3A_571] {strides = array<i32>} : memref<4x20000xf32, #tpu.memory_space<vmem>>, vector<16xf32>,
        %max3A = arith.maximumf %get3A_452, %get3A_457 : vector<16xf32>
        %max3A_573 = arith.maximumf %max3A, %get3A_462 : vector<16xf32>
        %max3A_574 = arith.maximumf %max3A_573, %get3A_467 : vector<16xf32>
        %max3A_575 = arith.maximumf %max3A_574, %get3A_472 : vector<16xf32>
        %max3A_576 = arith.maximumf %get3A_477, %get3A_482 : vector<16xf32>
        %max3A_577 = arith.maximumf %max3A_576, %get3A_487 : vector<16xf32>
        %max3A_578 = arith.maximumf %max3A_577, %get3A_492 : vector<16xf32>
        %max3A_579 = arith.maximumf %max3A_578, %get3A_497 : vector<16xf32>
        %max3A_580 = arith.maximumf %get3A_502, %get3A_507 : vector<16xf32>
        %max3A_581 = arith.maximumf %max3A_580, %get3A_512 : vector<16xf32>
        %max3A_582 = arith.maximumf %max3A_581, %get3A_517 : vector<16xf32>
        %max3A_583 = arith.maximumf %max3A_582, %get3A_522 : vector<16xf32>
        %max3A_584 = arith.maximumf %get3A_527, %get3A_532 : vector<16xf32>
        %max3A_585 = arith.maximumf %max3A_584, %get3A_537 : vector<16xf32>
        %max3A_586 = arith.maximumf %max3A_585, %get3A_542 : vector<16xf32>
        %max3A_587 = arith.maximumf %max3A_586, %get3A_547 : vector<16xf32>
        %max3A_588 = arith.maximumf %get3A_552, %get3A_557 : vector<16xf32>
        %max3A_589 = arith.maximumf %max3A_588, %get3A_562 : vector<16xf32>
        %max3A_590 = arith.maximumf %max3A_589, %get3A_567 : vector<16xf32>
        %max3A_591 = arith.maximumf %max3A_590, %get3A_572 : vector<16xf32>
        %max3A_592 = arith.maximumf %max3A_575, %max3A_579 : vector<16xf32>
        %max3A_593 = arith.maximumf %max3A_583, %max3A_587 : vector<16xf32>
        %max3A_594 = arith.maximumf %max3A_593, %max3A_591 : vector<16xf32>
        %max3A_595 = arith.maximumf %max3A_592, %max3A_594 : vector<16xf32>
        %gt3A = arith.cmpf ogt, %max3A_595, %scan3A_441 : vector<16xf32>
        %reduce_or3A = arith.constant 1.000000e+00 : f32
        %reduce_or3A_596 = arith.constant 0.000000e+00 : f32
        %reduce_or3A_597 = vector.broadcast %reduce_or3A : f32 to vector<16xf32>
        %reduce_or3A_598 = vector.broadcast %reduce_or3A_596 : f32 to vector<16xf32>
        %reduce_or3A_599 = arith.select %gt3A, %reduce_or3A_597, %reduce_or3A_598 : vector<16xi1>, vector<16xf32>
        %reduce_or3A_600 = arith.constant true
        %reduce_or3A_601 = vector.broadcast %reduce_or3A_600 : i1 to vector<16xi1>
        %reduce_or3A_602 = tpu.scan <max>, %reduce_or3A_599 masked %reduce_or3A_601 : vector<16xf32>, vector<16xi1> -> vector<16xf32>
        %reduce_or3A_603 = vector.extract %reduce_or3A_602[15] : f32 from vector<16xf32>
        %reduce_or3A_604 = arith.constant 0.000000e+00 : f32
        %reduce_or3A_605 = arith.cmpf ogt, %reduce_or3A_603, %reduce_or3A_604 : f32
        %convert_element_type3A_606 = arith.extui %reduce_or3A_605 : i1 to i32
        %cond3A_607 = arith.constant 0 : i32
        %cond3A_608 = arith.cmpi ne, %convert_element_type3A_606, %cond3A_607 : i32
        %cond3A_609:8 = scf.if %cond3A_608 -> (vector<16xf32>, vector<16xf32>, vector<16xf32>, vector<16xf32>, vector<16xi32>, vector<16xi32>, vector<16xi32>, vector<16xi32>) {
          %mul3A_610 = arith.constant 20000 : i32
          %mul3A_611 = arith.muli %sub3A_365, %mul3A_610 : i32
          %add3A_612 = arith.addi %mul3A_611, %mul3A_447 : i32
          %gt3A_613 = arith.cmpf ogt, %max3A_575, %scan3A_441 : vector<16xf32>
          %reduce_or3A_614 = arith.constant 1.000000e+00 : f32
          %reduce_or3A_615 = arith.constant 0.000000e+00 : f32
          %reduce_or3A_616 = vector.broadcast %reduce_or3A_614 : f32 to vector<16xf32>
          %reduce_or3A_617 = vector.broadcast %reduce_or3A_615 : f32 to vector<16xf32>
          %reduce_or3A_618 = arith.select %gt3A_613, %reduce_or3A_616, %reduce_or3A_617 : vector<16xi1>, vector<16xf32>
          %reduce_or3A_619 = arith.constant true
          %reduce_or3A_620 = vector.broadcast %reduce_or3A_619 : i1 to vector<16xi1>
          %reduce_or3A_621 = tpu.scan <max>, %reduce_or3A_618 masked %reduce_or3A_620 : vector<16xf32>, vector<16xi1> -> vector<16xf32>
          %reduce_or3A_622 = vector.extract %reduce_or3A_621[15] : f32 from vector<16xf32>
          %reduce_or3A_623 = arith.constant 0.000000e+00 : f32
          %reduce_or3A_624 = arith.cmpf ogt, %reduce_or3A_622, %reduce_or3A_623 : f32
          %convert_element_type3A_625 = arith.extui %reduce_or3A_624 : i1 to i32
          %cond3A_626 = arith.constant 0 : i32
          %cond3A_627 = arith.cmpi ne, %convert_element_type3A_625, %cond3A_626 : i32
          %cond3A_628:8 = scf.if %cond3A_627 -> (vector<16xf32>, vector<16xf32>, vector<16xf32>, vector<16xf32>, vector<16xi32>, vector<16xi32>, vector<16xi32>, vector<16xi32>) {
            %add3A_693 = arith.constant 0 : i32
            %add3A_694 = arith.addi %add3A_612, %add3A_693 : i32
            %add3A_695 = vector.broadcast %add3A_694 : i32 to vector<16xi32>
            %add3A_696 = arith.addi %iota3A, %add3A_695 : vector<16xi32>
            %gt3A_697 = arith.cmpf ogt, %get3A_452, %scan3A_438 : vector<16xf32>
            %select_n3A_698 = arith.select %gt3A_697, %get3A_452, %scan3A_438 : vector<16xi1>, vector<16xf32>
            %select_n3A_699 = arith.select %gt3A_697, %add3A_696, %scan3A_442 : vector<16xi1>, vector<16xi32>
            %select_n3A_700 = arith.select %gt3A_697, %scan3A_438, %get3A_452 : vector<16xi1>, vector<16xf32>
            %select_n3A_701 = arith.select %gt3A_697, %scan3A_442, %add3A_696 : vector<16xi1>, vector<16xi32>
            %gt3A_702 = arith.cmpf ogt, %select_n3A_700, %scan3A_439 : vector<16xf32>
            %select_n3A_703 = arith.select %gt3A_702, %select_n3A_700, %scan3A_439 : vector<16xi1>, vector<16xf32>
            %select_n3A_704 = arith.select %gt3A_702, %select_n3A_701, %scan3A_443 : vector<16xi1>, vector<16xi32>
            %select_n3A_705 = arith.select %gt3A_702, %scan3A_439, %select_n3A_700 : vector<16xi1>, vector<16xf32>
            %select_n3A_706 = arith.select %gt3A_702, %scan3A_443, %select_n3A_701 : vector<16xi1>, vector<16xi32>
            %gt3A_707 = arith.cmpf ogt, %select_n3A_705, %scan3A_440 : vector<16xf32>
            %select_n3A_708 = arith.select %gt3A_707, %select_n3A_705, %scan3A_440 : vector<16xi1>, vector<16xf32>
            %select_n3A_709 = arith.select %gt3A_707, %select_n3A_706, %scan3A_444 : vector<16xi1>, vector<16xi32>
            %select_n3A_710 = arith.select %gt3A_707, %scan3A_440, %select_n3A_705 : vector<16xi1>, vector<16xf32>
            %select_n3A_711 = arith.select %gt3A_707, %scan3A_444, %select_n3A_706 : vector<16xi1>, vector<16xi32>
            %gt3A_712 = arith.cmpf ogt, %select_n3A_710, %scan3A_441 : vector<16xf32>
            %select_n3A_713 = arith.select %gt3A_712, %select_n3A_710, %scan3A_441 : vector<16xi1>, vector<16xf32>
            %select_n3A_714 = arith.select %gt3A_712, %select_n3A_711, %scan3A_445 : vector<16xi1>, vector<16xi32>
            %add3A_715 = arith.constant 16 : i32
            %add3A_716 = arith.addi %add3A_612, %add3A_715 : i32
            %add3A_717 = vector.broadcast %add3A_716 : i32 to vector<16xi32>
            %add3A_718 = arith.addi %iota3A, %add3A_717 : vector<16xi32>
            %gt3A_719 = arith.cmpf ogt, %get3A_457, %select_n3A_698 : vector<16xf32>
            %select_n3A_720 = arith.select %gt3A_719, %get3A_457, %select_n3A_698 : vector<16xi1>, vector<16xf32>
            %select_n3A_721 = arith.select %gt3A_719, %add3A_718, %select_n3A_699 : vector<16xi1>, vector<16xi32>
            %select_n3A_722 = arith.select %gt3A_719, %select_n3A_698, %get3A_457 : vector<16xi1>, vector<16xf32>
            %select_n3A_723 = arith.select %gt3A_719, %select_n3A_699, %add3A_718 : vector<16xi1>, vector<16xi32>
            %gt3A_724 = arith.cmpf ogt, %select_n3A_722, %select_n3A_703 : vector<16xf32>
            %select_n3A_725 = arith.select %gt3A_724, %select_n3A_722, %select_n3A_703 : vector<16xi1>, vector<16xf32>
            %select_n3A_726 = arith.select %gt3A_724, %select_n3A_723, %select_n3A_704 : vector<16xi1>, vector<16xi32>
            %select_n3A_727 = arith.select %gt3A_724, %select_n3A_703, %select_n3A_722 : vector<16xi1>, vector<16xf32>
            %select_n3A_728 = arith.select %gt3A_724, %select_n3A_704, %select_n3A_723 : vector<16xi1>, vector<16xi32>
            %gt3A_729 = arith.cmpf ogt, %select_n3A_727, %select_n3A_708 : vector<16xf32>
            %select_n3A_730 = arith.select %gt3A_729, %select_n3A_727, %select_n3A_708 : vector<16xi1>, vector<16xf32>
            %select_n3A_731 = arith.select %gt3A_729, %select_n3A_728, %select_n3A_709 : vector<16xi1>, vector<16xi32>
            %select_n3A_732 = arith.select %gt3A_729, %select_n3A_708, %select_n3A_727 : vector<16xi1>, vector<16xf32>
            %select_n3A_733 = arith.select %gt3A_729, %select_n3A_709, %select_n3A_728 : vector<16xi1>, vector<16xi32>
            %gt3A_734 = arith.cmpf ogt, %select_n3A_732, %select_n3A_713 : vector<16xf32>
            %select_n3A_735 = arith.select %gt3A_734, %select_n3A_732, %select_n3A_713 : vector<16xi1>, vector<16xf32>
            %select_n3A_736 = arith.select %gt3A_734, %select_n3A_733, %select_n3A_714 : vector<16xi1>, vector<16xi32>
            %add3A_737 = arith.constant 32 : i32
            %add3A_738 = arith.addi %add3A_612, %add3A_737 : i32
            %add3A_739 = vector.broadcast %add3A_738 : i32 to vector<16xi32>
            %add3A_740 = arith.addi %iota3A, %add3A_739 : vector<16xi32>
            %gt3A_741 = arith.cmpf ogt, %get3A_462, %select_n3A_720 : vector<16xf32>
            %select_n3A_742 = arith.select %gt3A_741, %get3A_462, %select_n3A_720 : vector<16xi1>, vector<16xf32>
            %select_n3A_743 = arith.select %gt3A_741, %add3A_740, %select_n3A_721 : vector<16xi1>, vector<16xi32>
            %select_n3A_744 = arith.select %gt3A_741, %select_n3A_720, %get3A_462 : vector<16xi1>, vector<16xf32>
            %select_n3A_745 = arith.select %gt3A_741, %select_n3A_721, %add3A_740 : vector<16xi1>, vector<16xi32>
            %gt3A_746 = arith.cmpf ogt, %select_n3A_744, %select_n3A_725 : vector<16xf32>
            %select_n3A_747 = arith.select %gt3A_746, %select_n3A_744, %select_n3A_725 : vector<16xi1>, vector<16xf32>
            %select_n3A_748 = arith.select %gt3A_746, %select_n3A_745, %select_n3A_726 : vector<16xi1>, vector<16xi32>
            %select_n3A_749 = arith.select %gt3A_746, %select_n3A_725, %select_n3A_744 : vector<16xi1>, vector<16xf32>
            %select_n3A_750 = arith.select %gt3A_746, %select_n3A_726, %select_n3A_745 : vector<16xi1>, vector<16xi32>
            %gt3A_751 = arith.cmpf ogt, %select_n3A_749, %select_n3A_730 : vector<16xf32>
            %select_n3A_752 = arith.select %gt3A_751, %select_n3A_749, %select_n3A_730 : vector<16xi1>, vector<16xf32>
            %select_n3A_753 = arith.select %gt3A_751, %select_n3A_750, %select_n3A_731 : vector<16xi1>, vector<16xi32>
            %select_n3A_754 = arith.select %gt3A_751, %select_n3A_730, %select_n3A_749 : vector<16xi1>, vector<16xf32>
            %select_n3A_755 = arith.select %gt3A_751, %select_n3A_731, %select_n3A_750 : vector<16xi1>, vector<16xi32>
            %gt3A_756 = arith.cmpf ogt, %select_n3A_754, %select_n3A_735 : vector<16xf32>
            %select_n3A_757 = arith.select %gt3A_756, %select_n3A_754, %select_n3A_735 : vector<16xi1>, vector<16xf32>
            %select_n3A_758 = arith.select %gt3A_756, %select_n3A_755, %select_n3A_736 : vector<16xi1>, vector<16xi32>
            %add3A_759 = arith.constant 48 : i32
            %add3A_760 = arith.addi %add3A_612, %add3A_759 : i32
            %add3A_761 = vector.broadcast %add3A_760 : i32 to vector<16xi32>
            %add3A_762 = arith.addi %iota3A, %add3A_761 : vector<16xi32>
            %gt3A_763 = arith.cmpf ogt, %get3A_467, %select_n3A_742 : vector<16xf32>
            %select_n3A_764 = arith.select %gt3A_763, %get3A_467, %select_n3A_742 : vector<16xi1>, vector<16xf32>
            %select_n3A_765 = arith.select %gt3A_763, %add3A_762, %select_n3A_743 : vector<16xi1>, vector<16xi32>
            %select_n3A_766 = arith.select %gt3A_763, %select_n3A_742, %get3A_467 : vector<16xi1>, vector<16xf32>
            %select_n3A_767 = arith.select %gt3A_763, %select_n3A_743, %add3A_762 : vector<16xi1>, vector<16xi32>
            %gt3A_768 = arith.cmpf ogt, %select_n3A_766, %select_n3A_747 : vector<16xf32>
            %select_n3A_769 = arith.select %gt3A_768, %select_n3A_766, %select_n3A_747 : vector<16xi1>, vector<16xf32>
            %select_n3A_770 = arith.select %gt3A_768, %select_n3A_767, %select_n3A_748 : vector<16xi1>, vector<16xi32>
            %select_n3A_771 = arith.select %gt3A_768, %select_n3A_747, %select_n3A_766 : vector<16xi1>, vector<16xf32>
            %select_n3A_772 = arith.select %gt3A_768, %select_n3A_748, %select_n3A_767 : vector<16xi1>, vector<16xi32>
            %gt3A_773 = arith.cmpf ogt, %select_n3A_771, %select_n3A_752 : vector<16xf32>
            %select_n3A_774 = arith.select %gt3A_773, %select_n3A_771, %select_n3A_752 : vector<16xi1>, vector<16xf32>
            %select_n3A_775 = arith.select %gt3A_773, %select_n3A_772, %select_n3A_753 : vector<16xi1>, vector<16xi32>
            %select_n3A_776 = arith.select %gt3A_773, %select_n3A_752, %select_n3A_771 : vector<16xi1>, vector<16xf32>
            %select_n3A_777 = arith.select %gt3A_773, %select_n3A_753, %select_n3A_772 : vector<16xi1>, vector<16xi32>
            %gt3A_778 = arith.cmpf ogt, %select_n3A_776, %select_n3A_757 : vector<16xf32>
            %select_n3A_779 = arith.select %gt3A_778, %select_n3A_776, %select_n3A_757 : vector<16xi1>, vector<16xf32>
            %select_n3A_780 = arith.select %gt3A_778, %select_n3A_777, %select_n3A_758 : vector<16xi1>, vector<16xi32>
            %add3A_781 = arith.constant 64 : i32
            %add3A_782 = arith.addi %add3A_612, %add3A_781 : i32
            %add3A_783 = vector.broadcast %add3A_782 : i32 to vector<16xi32>
            %add3A_784 = arith.addi %iota3A, %add3A_783 : vector<16xi32>
            %gt3A_785 = arith.cmpf ogt, %get3A_472, %select_n3A_764 : vector<16xf32>
            %select_n3A_786 = arith.select %gt3A_785, %get3A_472, %select_n3A_764 : vector<16xi1>, vector<16xf32>
            %select_n3A_787 = arith.select %gt3A_785, %add3A_784, %select_n3A_765 : vector<16xi1>, vector<16xi32>
            %select_n3A_788 = arith.select %gt3A_785, %select_n3A_764, %get3A_472 : vector<16xi1>, vector<16xf32>
            %select_n3A_789 = arith.select %gt3A_785, %select_n3A_765, %add3A_784 : vector<16xi1>, vector<16xi32>
            %gt3A_790 = arith.cmpf ogt, %select_n3A_788, %select_n3A_769 : vector<16xf32>
            %select_n3A_791 = arith.select %gt3A_790, %select_n3A_788, %select_n3A_769 : vector<16xi1>, vector<16xf32>
            %select_n3A_792 = arith.select %gt3A_790, %select_n3A_789, %select_n3A_770 : vector<16xi1>, vector<16xi32>
            %select_n3A_793 = arith.select %gt3A_790, %select_n3A_769, %select_n3A_788 : vector<16xi1>, vector<16xf32>
            %select_n3A_794 = arith.select %gt3A_790, %select_n3A_770, %select_n3A_789 : vector<16xi1>, vector<16xi32>
            %gt3A_795 = arith.cmpf ogt, %select_n3A_793, %select_n3A_774 : vector<16xf32>
            %select_n3A_796 = arith.select %gt3A_795, %select_n3A_793, %select_n3A_774 : vector<16xi1>, vector<16xf32>
            %select_n3A_797 = arith.select %gt3A_795, %select_n3A_794, %select_n3A_775 : vector<16xi1>, vector<16xi32>
            %select_n3A_798 = arith.select %gt3A_795, %select_n3A_774, %select_n3A_793 : vector<16xi1>, vector<16xf32>
            %select_n3A_799 = arith.select %gt3A_795, %select_n3A_775, %select_n3A_794 : vector<16xi1>, vector<16xi32>
            %gt3A_800 = arith.cmpf ogt, %select_n3A_798, %select_n3A_779 : vector<16xf32>
            %select_n3A_801 = arith.select %gt3A_800, %select_n3A_798, %select_n3A_779 : vector<16xi1>, vector<16xf32>
            %select_n3A_802 = arith.select %gt3A_800, %select_n3A_799, %select_n3A_780 : vector<16xi1>, vector<16xi32>
            scf.yield %select_n3A_786, %select_n3A_791, %select_n3A_796, %select_n3A_801, %select_n3A_787, %select_n3A_792, %select_n3A_797, %select_n3A_802 : vector<16xf32>, vector<16xf32>, vector<16xf32>, vector<16xf32>, vector<16xi32>, vector<16xi32>, vector<16xi32>, vector<16xi32>
          } else {
            scf.yield %scan3A_438, %scan3A_439, %scan3A_440, %scan3A_441, %scan3A_442, %scan3A_443, %scan3A_444, %scan3A_445 : vector<16xf32>, vector<16xf32>, vector<16xf32>, vector<16xf32>, vector<16xi32>, vector<16xi32>, vector<16xi32>, vector<16xi32>
          }
          %gt3A_629 = arith.cmpf ogt, %max3A_579, %cond3A_628#3 : vector<16xf32>
          %reduce_or3A_630 = arith.constant 1.000000e+00 : f32
          %reduce_or3A_631 = arith.constant 0.000000e+00 : f32
          %reduce_or3A_632 = vector.broadcast %reduce_or3A_630 : f32 to vector<16xf32>
          %reduce_or3A_633 = vector.broadcast %reduce_or3A_631 : f32 to vector<16xf32>
          %reduce_or3A_634 = arith.select %gt3A_629, %reduce_or3A_632, %reduce_or3A_633 : vector<16xi1>, vector<16xf32>
          %reduce_or3A_635 = arith.constant true
          %reduce_or3A_636 = vector.broadcast %reduce_or3A_635 : i1 to vector<16xi1>
          %reduce_or3A_637 = tpu.scan <max>, %reduce_or3A_634 masked %reduce_or3A_636 : vector<16xf32>, vector<16xi1> -> vector<16xf32>
          %reduce_or3A_638 = vector.extract %reduce_or3A_637[15] : f32 from vector<16xf32>
          %reduce_or3A_639 = arith.constant 0.000000e+00 : f32
          %reduce_or3A_640 = arith.cmpf ogt, %reduce_or3A_638, %reduce_or3A_639 : f32
          %convert_element_type3A_641 = arith.extui %reduce_or3A_640 : i1 to i32
          %cond3A_642 = arith.constant 0 : i32
          %cond3A_643 = arith.cmpi ne, %convert_element_type3A_641, %cond3A_642 : i32
          %cond3A_644:8 = scf.if %cond3A_643 -> (vector<16xf32>, vector<16xf32>, vector<16xf32>, vector<16xf32>, vector<16xi32>, vector<16xi32>, vector<16xi32>, vector<16xi32>) {
            %add3A_693 = arith.constant 80 : i32
            %add3A_694 = arith.addi %add3A_612, %add3A_693 : i32
            %add3A_695 = vector.broadcast %add3A_694 : i32 to vector<16xi32>
            %add3A_696 = arith.addi %iota3A, %add3A_695 : vector<16xi32>
            %gt3A_697 = arith.cmpf ogt, %get3A_477, %cond3A_628#0 : vector<16xf32>
            %select_n3A_698 = arith.select %gt3A_697, %get3A_477, %cond3A_628#0 : vector<16xi1>, vector<16xf32>
            %select_n3A_699 = arith.select %gt3A_697, %add3A_696, %cond3A_628#4 : vector<16xi1>, vector<16xi32>
            %select_n3A_700 = arith.select %gt3A_697, %cond3A_628#0, %get3A_477 : vector<16xi1>, vector<16xf32>
            %select_n3A_701 = arith.select %gt3A_697, %cond3A_628#4, %add3A_696 : vector<16xi1>, vector<16xi32>
            %gt3A_702 = arith.cmpf ogt, %select_n3A_700, %cond3A_628#1 : vector<16xf32>
            %select_n3A_703 = arith.select %gt3A_702, %select_n3A_700, %cond3A_628#1 : vector<16xi1>, vector<16xf32>
            %select_n3A_704 = arith.select %gt3A_702, %select_n3A_701, %cond3A_628#5 : vector<16xi1>, vector<16xi32>
            %select_n3A_705 = arith.select %gt3A_702, %cond3A_628#1, %select_n3A_700 : vector<16xi1>, vector<16xf32>
            %select_n3A_706 = arith.select %gt3A_702, %cond3A_628#5, %select_n3A_701 : vector<16xi1>, vector<16xi32>
            %gt3A_707 = arith.cmpf ogt, %select_n3A_705, %cond3A_628#2 : vector<16xf32>
            %select_n3A_708 = arith.select %gt3A_707, %select_n3A_705, %cond3A_628#2 : vector<16xi1>, vector<16xf32>
            %select_n3A_709 = arith.select %gt3A_707, %select_n3A_706, %cond3A_628#6 : vector<16xi1>, vector<16xi32>
            %select_n3A_710 = arith.select %gt3A_707, %cond3A_628#2, %select_n3A_705 : vector<16xi1>, vector<16xf32>
            %select_n3A_711 = arith.select %gt3A_707, %cond3A_628#6, %select_n3A_706 : vector<16xi1>, vector<16xi32>
            %gt3A_712 = arith.cmpf ogt, %select_n3A_710, %cond3A_628#3 : vector<16xf32>
            %select_n3A_713 = arith.select %gt3A_712, %select_n3A_710, %cond3A_628#3 : vector<16xi1>, vector<16xf32>
            %select_n3A_714 = arith.select %gt3A_712, %select_n3A_711, %cond3A_628#7 : vector<16xi1>, vector<16xi32>
            %add3A_715 = arith.constant 96 : i32
            %add3A_716 = arith.addi %add3A_612, %add3A_715 : i32
            %add3A_717 = vector.broadcast %add3A_716 : i32 to vector<16xi32>
            %add3A_718 = arith.addi %iota3A, %add3A_717 : vector<16xi32>
            %gt3A_719 = arith.cmpf ogt, %get3A_482, %select_n3A_698 : vector<16xf32>
            %select_n3A_720 = arith.select %gt3A_719, %get3A_482, %select_n3A_698 : vector<16xi1>, vector<16xf32>
            %select_n3A_721 = arith.select %gt3A_719, %add3A_718, %select_n3A_699 : vector<16xi1>, vector<16xi32>
            %select_n3A_722 = arith.select %gt3A_719, %select_n3A_698, %get3A_482 : vector<16xi1>, vector<16xf32>
            %select_n3A_723 = arith.select %gt3A_719, %select_n3A_699, %add3A_718 : vector<16xi1>, vector<16xi32>
            %gt3A_724 = arith.cmpf ogt, %select_n3A_722, %select_n3A_703 : vector<16xf32>
            %select_n3A_725 = arith.select %gt3A_724, %select_n3A_722, %select_n3A_703 : vector<16xi1>, vector<16xf32>
            %select_n3A_726 = arith.select %gt3A_724, %select_n3A_723, %select_n3A_704 : vector<16xi1>, vector<16xi32>
            %select_n3A_727 = arith.select %gt3A_724, %select_n3A_703, %select_n3A_722 : vector<16xi1>, vector<16xf32>
            %select_n3A_728 = arith.select %gt3A_724, %select_n3A_704, %select_n3A_723 : vector<16xi1>, vector<16xi32>
            %gt3A_729 = arith.cmpf ogt, %select_n3A_727, %select_n3A_708 : vector<16xf32>
            %select_n3A_730 = arith.select %gt3A_729, %select_n3A_727, %select_n3A_708 : vector<16xi1>, vector<16xf32>
            %select_n3A_731 = arith.select %gt3A_729, %select_n3A_728, %select_n3A_709 : vector<16xi1>, vector<16xi32>
            %select_n3A_732 = arith.select %gt3A_729, %select_n3A_708, %select_n3A_727 : vector<16xi1>, vector<16xf32>
            %select_n3A_733 = arith.select %gt3A_729, %select_n3A_709, %select_n3A_728 : vector<16xi1>, vector<16xi32>
            %gt3A_734 = arith.cmpf ogt, %select_n3A_732, %select_n3A_713 : vector<16xf32>
            %select_n3A_735 = arith.select %gt3A_734, %select_n3A_732, %select_n3A_713 : vector<16xi1>, vector<16xf32>
            %select_n3A_736 = arith.select %gt3A_734, %select_n3A_733, %select_n3A_714 : vector<16xi1>, vector<16xi32>
            %add3A_737 = arith.constant 112 : i32
            %add3A_738 = arith.addi %add3A_612, %add3A_737 : i32
            %add3A_739 = vector.broadcast %add3A_738 : i32 to vector<16xi32>
            %add3A_740 = arith.addi %iota3A, %add3A_739 : vector<16xi32>
            %gt3A_741 = arith.cmpf ogt, %get3A_487, %select_n3A_720 : vector<16xf32>
            %select_n3A_742 = arith.select %gt3A_741, %get3A_487, %select_n3A_720 : vector<16xi1>, vector<16xf32>
            %select_n3A_743 = arith.select %gt3A_741, %add3A_740, %select_n3A_721 : vector<16xi1>, vector<16xi32>
            %select_n3A_744 = arith.select %gt3A_741, %select_n3A_720, %get3A_487 : vector<16xi1>, vector<16xf32>
            %select_n3A_745 = arith.select %gt3A_741, %select_n3A_721, %add3A_740 : vector<16xi1>, vector<16xi32>
            %gt3A_746 = arith.cmpf ogt, %select_n3A_744, %select_n3A_725 : vector<16xf32>
            %select_n3A_747 = arith.select %gt3A_746, %select_n3A_744, %select_n3A_725 : vector<16xi1>, vector<16xf32>
            %select_n3A_748 = arith.select %gt3A_746, %select_n3A_745, %select_n3A_726 : vector<16xi1>, vector<16xi32>
            %select_n3A_749 = arith.select %gt3A_746, %select_n3A_725, %select_n3A_744 : vector<16xi1>, vector<16xf32>
            %select_n3A_750 = arith.select %gt3A_746, %select_n3A_726, %select_n3A_745 : vector<16xi1>, vector<16xi32>
            %gt3A_751 = arith.cmpf ogt, %select_n3A_749, %select_n3A_730 : vector<16xf32>
            %select_n3A_752 = arith.select %gt3A_751, %select_n3A_749, %select_n3A_730 : vector<16xi1>, vector<16xf32>
            %select_n3A_753 = arith.select %gt3A_751, %select_n3A_750, %select_n3A_731 : vector<16xi1>, vector<16xi32>
            %select_n3A_754 = arith.select %gt3A_751, %select_n3A_730, %select_n3A_749 : vector<16xi1>, vector<16xf32>
            %select_n3A_755 = arith.select %gt3A_751, %select_n3A_731, %select_n3A_750 : vector<16xi1>, vector<16xi32>
            %gt3A_756 = arith.cmpf ogt, %select_n3A_754, %select_n3A_735 : vector<16xf32>
            %select_n3A_757 = arith.select %gt3A_756, %select_n3A_754, %select_n3A_735 : vector<16xi1>, vector<16xf32>
            %select_n3A_758 = arith.select %gt3A_756, %select_n3A_755, %select_n3A_736 : vector<16xi1>, vector<16xi32>
            %add3A_759 = arith.constant 128 : i32
            %add3A_760 = arith.addi %add3A_612, %add3A_759 : i32
            %add3A_761 = vector.broadcast %add3A_760 : i32 to vector<16xi32>
            %add3A_762 = arith.addi %iota3A, %add3A_761 : vector<16xi32>
            %gt3A_763 = arith.cmpf ogt, %get3A_492, %select_n3A_742 : vector<16xf32>
            %select_n3A_764 = arith.select %gt3A_763, %get3A_492, %select_n3A_742 : vector<16xi1>, vector<16xf32>
            %select_n3A_765 = arith.select %gt3A_763, %add3A_762, %select_n3A_743 : vector<16xi1>, vector<16xi32>
            %select_n3A_766 = arith.select %gt3A_763, %select_n3A_742, %get3A_492 : vector<16xi1>, vector<16xf32>
            %select_n3A_767 = arith.select %gt3A_763, %select_n3A_743, %add3A_762 : vector<16xi1>, vector<16xi32>
            %gt3A_768 = arith.cmpf ogt, %select_n3A_766, %select_n3A_747 : vector<16xf32>
            %select_n3A_769 = arith.select %gt3A_768, %select_n3A_766, %select_n3A_747 : vector<16xi1>, vector<16xf32>
            %select_n3A_770 = arith.select %gt3A_768, %select_n3A_767, %select_n3A_748 : vector<16xi1>, vector<16xi32>
            %select_n3A_771 = arith.select %gt3A_768, %select_n3A_747, %select_n3A_766 : vector<16xi1>, vector<16xf32>
            %select_n3A_772 = arith.select %gt3A_768, %select_n3A_748, %select_n3A_767 : vector<16xi1>, vector<16xi32>
            %gt3A_773 = arith.cmpf ogt, %select_n3A_771, %select_n3A_752 : vector<16xf32>
            %select_n3A_774 = arith.select %gt3A_773, %select_n3A_771, %select_n3A_752 : vector<16xi1>, vector<16xf32>
            %select_n3A_775 = arith.select %gt3A_773, %select_n3A_772, %select_n3A_753 : vector<16xi1>, vector<16xi32>
            %select_n3A_776 = arith.select %gt3A_773, %select_n3A_752, %select_n3A_771 : vector<16xi1>, vector<16xf32>
            %select_n3A_777 = arith.select %gt3A_773, %select_n3A_753, %select_n3A_772 : vector<16xi1>, vector<16xi32>
            %gt3A_778 = arith.cmpf ogt, %select_n3A_776, %select_n3A_757 : vector<16xf32>
            %select_n3A_779 = arith.select %gt3A_778, %select_n3A_776, %select_n3A_757 : vector<16xi1>, vector<16xf32>
            %select_n3A_780 = arith.select %gt3A_778, %select_n3A_777, %select_n3A_758 : vector<16xi1>, vector<16xi32>
            %add3A_781 = arith.constant 144 : i32
            %add3A_782 = arith.addi %add3A_612, %add3A_781 : i32
            %add3A_783 = vector.broadcast %add3A_782 : i32 to vector<16xi32>
            %add3A_784 = arith.addi %iota3A, %add3A_783 : vector<16xi32>
            %gt3A_785 = arith.cmpf ogt, %get3A_497, %select_n3A_764 : vector<16xf32>
            %select_n3A_786 = arith.select %gt3A_785, %get3A_497, %select_n3A_764 : vector<16xi1>, vector<16xf32>
            %select_n3A_787 = arith.select %gt3A_785, %add3A_784, %select_n3A_765 : vector<16xi1>, vector<16xi32>
            %select_n3A_788 = arith.select %gt3A_785, %select_n3A_764, %get3A_497 : vector<16xi1>, vector<16xf32>
            %select_n3A_789 = arith.select %gt3A_785, %select_n3A_765, %add3A_784 : vector<16xi1>, vector<16xi32>
            %gt3A_790 = arith.cmpf ogt, %select_n3A_788, %select_n3A_769 : vector<16xf32>
            %select_n3A_791 = arith.select %gt3A_790, %select_n3A_788, %select_n3A_769 : vector<16xi1>, vector<16xf32>
            %select_n3A_792 = arith.select %gt3A_790, %select_n3A_789, %select_n3A_770 : vector<16xi1>, vector<16xi32>
            %select_n3A_793 = arith.select %gt3A_790, %select_n3A_769, %select_n3A_788 : vector<16xi1>, vector<16xf32>
            %select_n3A_794 = arith.select %gt3A_790, %select_n3A_770, %select_n3A_789 : vector<16xi1>, vector<16xi32>
            %gt3A_795 = arith.cmpf ogt, %select_n3A_793, %select_n3A_774 : vector<16xf32>
            %select_n3A_796 = arith.select %gt3A_795, %select_n3A_793, %select_n3A_774 : vector<16xi1>, vector<16xf32>
            %select_n3A_797 = arith.select %gt3A_795, %select_n3A_794, %select_n3A_775 : vector<16xi1>, vector<16xi32>
            %select_n3A_798 = arith.select %gt3A_795, %select_n3A_774, %select_n3A_793 : vector<16xi1>, vector<16xf32>
            %select_n3A_799 = arith.select %gt3A_795, %select_n3A_775, %select_n3A_794 : vector<16xi1>, vector<16xi32>
            %gt3A_800 = arith.cmpf ogt, %select_n3A_798, %select_n3A_779 : vector<16xf32>
            %select_n3A_801 = arith.select %gt3A_800, %select_n3A_798, %select_n3A_779 : vector<16xi1>, vector<16xf32>
            %select_n3A_802 = arith.select %gt3A_800, %select_n3A_799, %select_n3A_780 : vector<16xi1>, vector<16xi32>
            scf.yield %select_n3A_786, %select_n3A_791, %select_n3A_796, %select_n3A_801, %select_n3A_787, %select_n3A_792, %select_n3A_797, %select_n3A_802 : vector<16xf32>, vector<16xf32>, vector<16xf32>, vector<16xf32>, vector<16xi32>, vector<16xi32>, vector<16xi32>, vector<16xi32>
          } else {
            scf.yield %cond3A_628#0, %cond3A_628#1, %cond3A_628#2, %cond3A_628#3, %cond3A_628#4, %cond3A_628#5, %cond3A_628#6, %cond3A_628#7 : vector<16xf32>, vector<16xf32>, vector<16xf32>, vector<16xf32>, vector<16xi32>, vector<16xi32>, vector<16xi32>, vector<16xi32>
          }
          %gt3A_645 = arith.cmpf ogt, %max3A_583, %cond3A_644#3 : vector<16xf32>
          %reduce_or3A_646 = arith.constant 1.000000e+00 : f32
          %reduce_or3A_647 = arith.constant 0.000000e+00 : f32
          %reduce_or3A_648 = vector.broadcast %reduce_or3A_646 : f32 to vector<16xf32>
          %reduce_or3A_649 = vector.broadcast %reduce_or3A_647 : f32 to vector<16xf32>
          %reduce_or3A_650 = arith.select %gt3A_645, %reduce_or3A_648, %reduce_or3A_649 : vector<16xi1>, vector<16xf32>
          %reduce_or3A_651 = arith.constant true
          %reduce_or3A_652 = vector.broadcast %reduce_or3A_651 : i1 to vector<16xi1>
          %reduce_or3A_653 = tpu.scan <max>, %reduce_or3A_650 masked %reduce_or3A_652 : vector<16xf32>, vector<16xi1> -> vector<16xf32>
          %reduce_or3A_654 = vector.extract %reduce_or3A_653[15] : f32 from vector<16xf32>
          %reduce_or3A_655 = arith.constant 0.000000e+00 : f32
          %reduce_or3A_656 = arith.cmpf ogt, %reduce_or3A_654, %reduce_or3A_655 : f32
          %convert_element_type3A_657 = arith.extui %reduce_or3A_656 : i1 to i32
          %cond3A_658 = arith.constant 0 : i32
          %cond3A_659 = arith.cmpi ne, %convert_element_type3A_657, %cond3A_658 : i32
          %cond3A_660:8 = scf.if %cond3A_659 -> (vector<16xf32>, vector<16xf32>, vector<16xf32>, vector<16xf32>, vector<16xi32>, vector<16xi32>, vector<16xi32>, vector<16xi32>) {
            %add3A_693 = arith.constant 160 : i32
            %add3A_694 = arith.addi %add3A_612, %add3A_693 : i32
            %add3A_695 = vector.broadcast %add3A_694 : i32 to vector<16xi32>
            %add3A_696 = arith.addi %iota3A, %add3A_695 : vector<16xi32>
            %gt3A_697 = arith.cmpf ogt, %get3A_502, %cond3A_644#0 : vector<16xf32>
            %select_n3A_698 = arith.select %gt3A_697, %get3A_502, %cond3A_644#0 : vector<16xi1>, vector<16xf32>
            %select_n3A_699 = arith.select %gt3A_697, %add3A_696, %cond3A_644#4 : vector<16xi1>, vector<16xi32>
            %select_n3A_700 = arith.select %gt3A_697, %cond3A_644#0, %get3A_502 : vector<16xi1>, vector<16xf32>
            %select_n3A_701 = arith.select %gt3A_697, %cond3A_644#4, %add3A_696 : vector<16xi1>, vector<16xi32>
            %gt3A_702 = arith.cmpf ogt, %select_n3A_700, %cond3A_644#1 : vector<16xf32>
            %select_n3A_703 = arith.select %gt3A_702, %select_n3A_700, %cond3A_644#1 : vector<16xi1>, vector<16xf32>
            %select_n3A_704 = arith.select %gt3A_702, %select_n3A_701, %cond3A_644#5 : vector<16xi1>, vector<16xi32>
            %select_n3A_705 = arith.select %gt3A_702, %cond3A_644#1, %select_n3A_700 : vector<16xi1>, vector<16xf32>
            %select_n3A_706 = arith.select %gt3A_702, %cond3A_644#5, %select_n3A_701 : vector<16xi1>, vector<16xi32>
            %gt3A_707 = arith.cmpf ogt, %select_n3A_705, %cond3A_644#2 : vector<16xf32>
            %select_n3A_708 = arith.select %gt3A_707, %select_n3A_705, %cond3A_644#2 : vector<16xi1>, vector<16xf32>
            %select_n3A_709 = arith.select %gt3A_707, %select_n3A_706, %cond3A_644#6 : vector<16xi1>, vector<16xi32>
            %select_n3A_710 = arith.select %gt3A_707, %cond3A_644#2, %select_n3A_705 : vector<16xi1>, vector<16xf32>
            %select_n3A_711 = arith.select %gt3A_707, %cond3A_644#6, %select_n3A_706 : vector<16xi1>, vector<16xi32>
            %gt3A_712 = arith.cmpf ogt, %select_n3A_710, %cond3A_644#3 : vector<16xf32>
            %select_n3A_713 = arith.select %gt3A_712, %select_n3A_710, %cond3A_644#3 : vector<16xi1>, vector<16xf32>
            %select_n3A_714 = arith.select %gt3A_712, %select_n3A_711, %cond3A_644#7 : vector<16xi1>, vector<16xi32>
            %add3A_715 = arith.constant 176 : i32
            %add3A_716 = arith.addi %add3A_612, %add3A_715 : i32
            %add3A_717 = vector.broadcast %add3A_716 : i32 to vector<16xi32>
            %add3A_718 = arith.addi %iota3A, %add3A_717 : vector<16xi32>
            %gt3A_719 = arith.cmpf ogt, %get3A_507, %select_n3A_698 : vector<16xf32>
            %select_n3A_720 = arith.select %gt3A_719, %get3A_507, %select_n3A_698 : vector<16xi1>, vector<16xf32>
            %select_n3A_721 = arith.select %gt3A_719, %add3A_718, %select_n3A_699 : vector<16xi1>, vector<16xi32>
            %select_n3A_722 = arith.select %gt3A_719, %select_n3A_698, %get3A_507 : vector<16xi1>, vector<16xf32>
            %select_n3A_723 = arith.select %gt3A_719, %select_n3A_699, %add3A_718 : vector<16xi1>, vector<16xi32>
            %gt3A_724 = arith.cmpf ogt, %select_n3A_722, %select_n3A_703 : vector<16xf32>
            %select_n3A_725 = arith.select %gt3A_724, %select_n3A_722, %select_n3A_703 : vector<16xi1>, vector<16xf32>
            %select_n3A_726 = arith.select %gt3A_724, %select_n3A_723, %select_n3A_704 : vector<16xi1>, vector<16xi32>
            %select_n3A_727 = arith.select %gt3A_724, %select_n3A_703, %select_n3A_722 : vector<16xi1>, vector<16xf32>
            %select_n3A_728 = arith.select %gt3A_724, %select_n3A_704, %select_n3A_723 : vector<16xi1>, vector<16xi32>
            %gt3A_729 = arith.cmpf ogt, %select_n3A_727, %select_n3A_708 : vector<16xf32>
            %select_n3A_730 = arith.select %gt3A_729, %select_n3A_727, %select_n3A_708 : vector<16xi1>, vector<16xf32>
            %select_n3A_731 = arith.select %gt3A_729, %select_n3A_728, %select_n3A_709 : vector<16xi1>, vector<16xi32>
            %select_n3A_732 = arith.select %gt3A_729, %select_n3A_708, %select_n3A_727 : vector<16xi1>, vector<16xf32>
            %select_n3A_733 = arith.select %gt3A_729, %select_n3A_709, %select_n3A_728 : vector<16xi1>, vector<16xi32>
            %gt3A_734 = arith.cmpf ogt, %select_n3A_732, %select_n3A_713 : vector<16xf32>
            %select_n3A_735 = arith.select %gt3A_734, %select_n3A_732, %select_n3A_713 : vector<16xi1>, vector<16xf32>
            %select_n3A_736 = arith.select %gt3A_734, %select_n3A_733, %select_n3A_714 : vector<16xi1>, vector<16xi32>
            %add3A_737 = arith.constant 192 : i32
            %add3A_738 = arith.addi %add3A_612, %add3A_737 : i32
            %add3A_739 = vector.broadcast %add3A_738 : i32 to vector<16xi32>
            %add3A_740 = arith.addi %iota3A, %add3A_739 : vector<16xi32>
            %gt3A_741 = arith.cmpf ogt, %get3A_512, %select_n3A_720 : vector<16xf32>
            %select_n3A_742 = arith.select %gt3A_741, %get3A_512, %select_n3A_720 : vector<16xi1>, vector<16xf32>
            %select_n3A_743 = arith.select %gt3A_741, %add3A_740, %select_n3A_721 : vector<16xi1>, vector<16xi32>
            %select_n3A_744 = arith.select %gt3A_741, %select_n3A_720, %get3A_512 : vector<16xi1>, vector<16xf32>
            %select_n3A_745 = arith.select %gt3A_741, %select_n3A_721, %add3A_740 : vector<16xi1>, vector<16xi32>
            %gt3A_746 = arith.cmpf ogt, %select_n3A_744, %select_n3A_725 : vector<16xf32>
            %select_n3A_747 = arith.select %gt3A_746, %select_n3A_744, %select_n3A_725 : vector<16xi1>, vector<16xf32>
            %select_n3A_748 = arith.select %gt3A_746, %select_n3A_745, %select_n3A_726 : vector<16xi1>, vector<16xi32>
            %select_n3A_749 = arith.select %gt3A_746, %select_n3A_725, %select_n3A_744 : vector<16xi1>, vector<16xf32>
            %select_n3A_750 = arith.select %gt3A_746, %select_n3A_726, %select_n3A_745 : vector<16xi1>, vector<16xi32>
            %gt3A_751 = arith.cmpf ogt, %select_n3A_749, %select_n3A_730 : vector<16xf32>
            %select_n3A_752 = arith.select %gt3A_751, %select_n3A_749, %select_n3A_730 : vector<16xi1>, vector<16xf32>
            %select_n3A_753 = arith.select %gt3A_751, %select_n3A_750, %select_n3A_731 : vector<16xi1>, vector<16xi32>
            %select_n3A_754 = arith.select %gt3A_751, %select_n3A_730, %select_n3A_749 : vector<16xi1>, vector<16xf32>
            %select_n3A_755 = arith.select %gt3A_751, %select_n3A_731, %select_n3A_750 : vector<16xi1>, vector<16xi32>
            %gt3A_756 = arith.cmpf ogt, %select_n3A_754, %select_n3A_735 : vector<16xf32>
            %select_n3A_757 = arith.select %gt3A_756, %select_n3A_754, %select_n3A_735 : vector<16xi1>, vector<16xf32>
            %select_n3A_758 = arith.select %gt3A_756, %select_n3A_755, %select_n3A_736 : vector<16xi1>, vector<16xi32>
            %add3A_759 = arith.constant 208 : i32
            %add3A_760 = arith.addi %add3A_612, %add3A_759 : i32
            %add3A_761 = vector.broadcast %add3A_760 : i32 to vector<16xi32>
            %add3A_762 = arith.addi %iota3A, %add3A_761 : vector<16xi32>
            %gt3A_763 = arith.cmpf ogt, %get3A_517, %select_n3A_742 : vector<16xf32>
            %select_n3A_764 = arith.select %gt3A_763, %get3A_517, %select_n3A_742 : vector<16xi1>, vector<16xf32>
            %select_n3A_765 = arith.select %gt3A_763, %add3A_762, %select_n3A_743 : vector<16xi1>, vector<16xi32>
            %select_n3A_766 = arith.select %gt3A_763, %select_n3A_742, %get3A_517 : vector<16xi1>, vector<16xf32>
            %select_n3A_767 = arith.select %gt3A_763, %select_n3A_743, %add3A_762 : vector<16xi1>, vector<16xi32>
            %gt3A_768 = arith.cmpf ogt, %select_n3A_766, %select_n3A_747 : vector<16xf32>
            %select_n3A_769 = arith.select %gt3A_768, %select_n3A_766, %select_n3A_747 : vector<16xi1>, vector<16xf32>
            %select_n3A_770 = arith.select %gt3A_768, %select_n3A_767, %select_n3A_748 : vector<16xi1>, vector<16xi32>
            %select_n3A_771 = arith.select %gt3A_768, %select_n3A_747, %select_n3A_766 : vector<16xi1>, vector<16xf32>
            %select_n3A_772 = arith.select %gt3A_768, %select_n3A_748, %select_n3A_767 : vector<16xi1>, vector<16xi32>
            %gt3A_773 = arith.cmpf ogt, %select_n3A_771, %select_n3A_752 : vector<16xf32>
            %select_n3A_774 = arith.select %gt3A_773, %select_n3A_771, %select_n3A_752 : vector<16xi1>, vector<16xf32>
            %select_n3A_775 = arith.select %gt3A_773, %select_n3A_772, %select_n3A_753 : vector<16xi1>, vector<16xi32>
            %select_n3A_776 = arith.select %gt3A_773, %select_n3A_752, %select_n3A_771 : vector<16xi1>, vector<16xf32>
            %select_n3A_777 = arith.select %gt3A_773, %select_n3A_753, %select_n3A_772 : vector<16xi1>, vector<16xi32>
            %gt3A_778 = arith.cmpf ogt, %select_n3A_776, %select_n3A_757 : vector<16xf32>
            %select_n3A_779 = arith.select %gt3A_778, %select_n3A_776, %select_n3A_757 : vector<16xi1>, vector<16xf32>
            %select_n3A_780 = arith.select %gt3A_778, %select_n3A_777, %select_n3A_758 : vector<16xi1>, vector<16xi32>
            %add3A_781 = arith.constant 224 : i32
            %add3A_782 = arith.addi %add3A_612, %add3A_781 : i32
            %add3A_783 = vector.broadcast %add3A_782 : i32 to vector<16xi32>
            %add3A_784 = arith.addi %iota3A, %add3A_783 : vector<16xi32>
            %gt3A_785 = arith.cmpf ogt, %get3A_522, %select_n3A_764 : vector<16xf32>
            %select_n3A_786 = arith.select %gt3A_785, %get3A_522, %select_n3A_764 : vector<16xi1>, vector<16xf32>
            %select_n3A_787 = arith.select %gt3A_785, %add3A_784, %select_n3A_765 : vector<16xi1>, vector<16xi32>
            %select_n3A_788 = arith.select %gt3A_785, %select_n3A_764, %get3A_522 : vector<16xi1>, vector<16xf32>
            %select_n3A_789 = arith.select %gt3A_785, %select_n3A_765, %add3A_784 : vector<16xi1>, vector<16xi32>
            %gt3A_790 = arith.cmpf ogt, %select_n3A_788, %select_n3A_769 : vector<16xf32>
            %select_n3A_791 = arith.select %gt3A_790, %select_n3A_788, %select_n3A_769 : vector<16xi1>, vector<16xf32>
            %select_n3A_792 = arith.select %gt3A_790, %select_n3A_789, %select_n3A_770 : vector<16xi1>, vector<16xi32>
            %select_n3A_793 = arith.select %gt3A_790, %select_n3A_769, %select_n3A_788 : vector<16xi1>, vector<16xf32>
            %select_n3A_794 = arith.select %gt3A_790, %select_n3A_770, %select_n3A_789 : vector<16xi1>, vector<16xi32>
            %gt3A_795 = arith.cmpf ogt, %select_n3A_793, %select_n3A_774 : vector<16xf32>
            %select_n3A_796 = arith.select %gt3A_795, %select_n3A_793, %select_n3A_774 : vector<16xi1>, vector<16xf32>
            %select_n3A_797 = arith.select %gt3A_795, %select_n3A_794, %select_n3A_775 : vector<16xi1>, vector<16xi32>
            %select_n3A_798 = arith.select %gt3A_795, %select_n3A_774, %select_n3A_793 : vector<16xi1>, vector<16xf32>
            %select_n3A_799 = arith.select %gt3A_795, %select_n3A_775, %select_n3A_794 : vector<16xi1>, vector<16xi32>
            %gt3A_800 = arith.cmpf ogt, %select_n3A_798, %select_n3A_779 : vector<16xf32>
            %select_n3A_801 = arith.select %gt3A_800, %select_n3A_798, %select_n3A_779 : vector<16xi1>, vector<16xf32>
            %select_n3A_802 = arith.select %gt3A_800, %select_n3A_799, %select_n3A_780 : vector<16xi1>, vector<16xi32>
            scf.yield %select_n3A_786, %select_n3A_791, %select_n3A_796, %select_n3A_801, %select_n3A_787, %select_n3A_792, %select_n3A_797, %select_n3A_802 : vector<16xf32>, vector<16xf32>, vector<16xf32>, vector<16xf32>, vector<16xi32>, vector<16xi32>, vector<16xi32>, vector<16xi32>
          } else {
            scf.yield %cond3A_644#0, %cond3A_644#1, %cond3A_644#2, %cond3A_644#3, %cond3A_644#4, %cond3A_644#5, %cond3A_644#6, %cond3A_644#7 : vector<16xf32>, vector<16xf32>, vector<16xf32>, vector<16xf32>, vector<16xi32>, vector<16xi32>, vector<16xi32>, vector<16xi32>
          }
          %gt3A_661 = arith.cmpf ogt, %max3A_587, %cond3A_660#3 : vector<16xf32>
          %reduce_or3A_662 = arith.constant 1.000000e+00 : f32
          %reduce_or3A_663 = arith.constant 0.000000e+00 : f32
          %reduce_or3A_664 = vector.broadcast %reduce_or3A_662 : f32 to vector<16xf32>
          %reduce_or3A_665 = vector.broadcast %reduce_or3A_663 : f32 to vector<16xf32>
          %reduce_or3A_666 = arith.select %gt3A_661, %reduce_or3A_664, %reduce_or3A_665 : vector<16xi1>, vector<16xf32>
          %reduce_or3A_667 = arith.constant true
          %reduce_or3A_668 = vector.broadcast %reduce_or3A_667 : i1 to vector<16xi1>
          %reduce_or3A_669 = tpu.scan <max>, %reduce_or3A_666 masked %reduce_or3A_668 : vector<16xf32>, vector<16xi1> -> vector<16xf32>
          %reduce_or3A_670 = vector.extract %reduce_or3A_669[15] : f32 from vector<16xf32>
          %reduce_or3A_671 = arith.constant 0.000000e+00 : f32
          %reduce_or3A_672 = arith.cmpf ogt, %reduce_or3A_670, %reduce_or3A_671 : f32
          %convert_element_type3A_673 = arith.extui %reduce_or3A_672 : i1 to i32
          %cond3A_674 = arith.constant 0 : i32
          %cond3A_675 = arith.cmpi ne, %convert_element_type3A_673, %cond3A_674 : i32
          %cond3A_676:8 = scf.if %cond3A_675 -> (vector<16xf32>, vector<16xf32>, vector<16xf32>, vector<16xf32>, vector<16xi32>, vector<16xi32>, vector<16xi32>, vector<16xi32>) {
            %add3A_693 = arith.constant 240 : i32
            %add3A_694 = arith.addi %add3A_612, %add3A_693 : i32
            %add3A_695 = vector.broadcast %add3A_694 : i32 to vector<16xi32>
            %add3A_696 = arith.addi %iota3A, %add3A_695 : vector<16xi32>
            %gt3A_697 = arith.cmpf ogt, %get3A_527, %cond3A_660#0 : vector<16xf32>
            %select_n3A_698 = arith.select %gt3A_697, %get3A_527, %cond3A_660#0 : vector<16xi1>, vector<16xf32>
            %select_n3A_699 = arith.select %gt3A_697, %add3A_696, %cond3A_660#4 : vector<16xi1>, vector<16xi32>
            %select_n3A_700 = arith.select %gt3A_697, %cond3A_660#0, %get3A_527 : vector<16xi1>, vector<16xf32>
            %select_n3A_701 = arith.select %gt3A_697, %cond3A_660#4, %add3A_696 : vector<16xi1>, vector<16xi32>
            %gt3A_702 = arith.cmpf ogt, %select_n3A_700, %cond3A_660#1 : vector<16xf32>
            %select_n3A_703 = arith.select %gt3A_702, %select_n3A_700, %cond3A_660#1 : vector<16xi1>, vector<16xf32>
            %select_n3A_704 = arith.select %gt3A_702, %select_n3A_701, %cond3A_660#5 : vector<16xi1>, vector<16xi32>
            %select_n3A_705 = arith.select %gt3A_702, %cond3A_660#1, %select_n3A_700 : vector<16xi1>, vector<16xf32>
            %select_n3A_706 = arith.select %gt3A_702, %cond3A_660#5, %select_n3A_701 : vector<16xi1>, vector<16xi32>
            %gt3A_707 = arith.cmpf ogt, %select_n3A_705, %cond3A_660#2 : vector<16xf32>
            %select_n3A_708 = arith.select %gt3A_707, %select_n3A_705, %cond3A_660#2 : vector<16xi1>, vector<16xf32>
            %select_n3A_709 = arith.select %gt3A_707, %select_n3A_706, %cond3A_660#6 : vector<16xi1>, vector<16xi32>
            %select_n3A_710 = arith.select %gt3A_707, %cond3A_660#2, %select_n3A_705 : vector<16xi1>, vector<16xf32>
            %select_n3A_711 = arith.select %gt3A_707, %cond3A_660#6, %select_n3A_706 : vector<16xi1>, vector<16xi32>
            %gt3A_712 = arith.cmpf ogt, %select_n3A_710, %cond3A_660#3 : vector<16xf32>
            %select_n3A_713 = arith.select %gt3A_712, %select_n3A_710, %cond3A_660#3 : vector<16xi1>, vector<16xf32>
            %select_n3A_714 = arith.select %gt3A_712, %select_n3A_711, %cond3A_660#7 : vector<16xi1>, vector<16xi32>
            %add3A_715 = arith.constant 256 : i32
            %add3A_716 = arith.addi %add3A_612, %add3A_715 : i32
            %add3A_717 = vector.broadcast %add3A_716 : i32 to vector<16xi32>
            %add3A_718 = arith.addi %iota3A, %add3A_717 : vector<16xi32>
            %gt3A_719 = arith.cmpf ogt, %get3A_532, %select_n3A_698 : vector<16xf32>
            %select_n3A_720 = arith.select %gt3A_719, %get3A_532, %select_n3A_698 : vector<16xi1>, vector<16xf32>
            %select_n3A_721 = arith.select %gt3A_719, %add3A_718, %select_n3A_699 : vector<16xi1>, vector<16xi32>
            %select_n3A_722 = arith.select %gt3A_719, %select_n3A_698, %get3A_532 : vector<16xi1>, vector<16xf32>
            %select_n3A_723 = arith.select %gt3A_719, %select_n3A_699, %add3A_718 : vector<16xi1>, vector<16xi32>
            %gt3A_724 = arith.cmpf ogt, %select_n3A_722, %select_n3A_703 : vector<16xf32>
            %select_n3A_725 = arith.select %gt3A_724, %select_n3A_722, %select_n3A_703 : vector<16xi1>, vector<16xf32>
            %select_n3A_726 = arith.select %gt3A_724, %select_n3A_723, %select_n3A_704 : vector<16xi1>, vector<16xi32>
            %select_n3A_727 = arith.select %gt3A_724, %select_n3A_703, %select_n3A_722 : vector<16xi1>, vector<16xf32>
            %select_n3A_728 = arith.select %gt3A_724, %select_n3A_704, %select_n3A_723 : vector<16xi1>, vector<16xi32>
            %gt3A_729 = arith.cmpf ogt, %select_n3A_727, %select_n3A_708 : vector<16xf32>
            %select_n3A_730 = arith.select %gt3A_729, %select_n3A_727, %select_n3A_708 : vector<16xi1>, vector<16xf32>
            %select_n3A_731 = arith.select %gt3A_729, %select_n3A_728, %select_n3A_709 : vector<16xi1>, vector<16xi32>
            %select_n3A_732 = arith.select %gt3A_729, %select_n3A_708, %select_n3A_727 : vector<16xi1>, vector<16xf32>
            %select_n3A_733 = arith.select %gt3A_729, %select_n3A_709, %select_n3A_728 : vector<16xi1>, vector<16xi32>
            %gt3A_734 = arith.cmpf ogt, %select_n3A_732, %select_n3A_713 : vector<16xf32>
            %select_n3A_735 = arith.select %gt3A_734, %select_n3A_732, %select_n3A_713 : vector<16xi1>, vector<16xf32>
            %select_n3A_736 = arith.select %gt3A_734, %select_n3A_733, %select_n3A_714 : vector<16xi1>, vector<16xi32>
            %add3A_737 = arith.constant 272 : i32
            %add3A_738 = arith.addi %add3A_612, %add3A_737 : i32
            %add3A_739 = vector.broadcast %add3A_738 : i32 to vector<16xi32>
            %add3A_740 = arith.addi %iota3A, %add3A_739 : vector<16xi32>
            %gt3A_741 = arith.cmpf ogt, %get3A_537, %select_n3A_720 : vector<16xf32>
            %select_n3A_742 = arith.select %gt3A_741, %get3A_537, %select_n3A_720 : vector<16xi1>, vector<16xf32>
            %select_n3A_743 = arith.select %gt3A_741, %add3A_740, %select_n3A_721 : vector<16xi1>, vector<16xi32>
            %select_n3A_744 = arith.select %gt3A_741, %select_n3A_720, %get3A_537 : vector<16xi1>, vector<16xf32>
            %select_n3A_745 = arith.select %gt3A_741, %select_n3A_721, %add3A_740 : vector<16xi1>, vector<16xi32>
            %gt3A_746 = arith.cmpf ogt, %select_n3A_744, %select_n3A_725 : vector<16xf32>
            %select_n3A_747 = arith.select %gt3A_746, %select_n3A_744, %select_n3A_725 : vector<16xi1>, vector<16xf32>
            %select_n3A_748 = arith.select %gt3A_746, %select_n3A_745, %select_n3A_726 : vector<16xi1>, vector<16xi32>
            %select_n3A_749 = arith.select %gt3A_746, %select_n3A_725, %select_n3A_744 : vector<16xi1>, vector<16xf32>
            %select_n3A_750 = arith.select %gt3A_746, %select_n3A_726, %select_n3A_745 : vector<16xi1>, vector<16xi32>
            %gt3A_751 = arith.cmpf ogt, %select_n3A_749, %select_n3A_730 : vector<16xf32>
            %select_n3A_752 = arith.select %gt3A_751, %select_n3A_749, %select_n3A_730 : vector<16xi1>, vector<16xf32>
            %select_n3A_753 = arith.select %gt3A_751, %select_n3A_750, %select_n3A_731 : vector<16xi1>, vector<16xi32>
            %select_n3A_754 = arith.select %gt3A_751, %select_n3A_730, %select_n3A_749 : vector<16xi1>, vector<16xf32>
            %select_n3A_755 = arith.select %gt3A_751, %select_n3A_731, %select_n3A_750 : vector<16xi1>, vector<16xi32>
            %gt3A_756 = arith.cmpf ogt, %select_n3A_754, %select_n3A_735 : vector<16xf32>
            %select_n3A_757 = arith.select %gt3A_756, %select_n3A_754, %select_n3A_735 : vector<16xi1>, vector<16xf32>
            %select_n3A_758 = arith.select %gt3A_756, %select_n3A_755, %select_n3A_736 : vector<16xi1>, vector<16xi32>
            %add3A_759 = arith.constant 288 : i32
            %add3A_760 = arith.addi %add3A_612, %add3A_759 : i32
            %add3A_761 = vector.broadcast %add3A_760 : i32 to vector<16xi32>
            %add3A_762 = arith.addi %iota3A, %add3A_761 : vector<16xi32>
            %gt3A_763 = arith.cmpf ogt, %get3A_542, %select_n3A_742 : vector<16xf32>
            %select_n3A_764 = arith.select %gt3A_763, %get3A_542, %select_n3A_742 : vector<16xi1>, vector<16xf32>
            %select_n3A_765 = arith.select %gt3A_763, %add3A_762, %select_n3A_743 : vector<16xi1>, vector<16xi32>
            %select_n3A_766 = arith.select %gt3A_763, %select_n3A_742, %get3A_542 : vector<16xi1>, vector<16xf32>
            %select_n3A_767 = arith.select %gt3A_763, %select_n3A_743, %add3A_762 : vector<16xi1>, vector<16xi32>
            %gt3A_768 = arith.cmpf ogt, %select_n3A_766, %select_n3A_747 : vector<16xf32>
            %select_n3A_769 = arith.select %gt3A_768, %select_n3A_766, %select_n3A_747 : vector<16xi1>, vector<16xf32>
            %select_n3A_770 = arith.select %gt3A_768, %select_n3A_767, %select_n3A_748 : vector<16xi1>, vector<16xi32>
            %select_n3A_771 = arith.select %gt3A_768, %select_n3A_747, %select_n3A_766 : vector<16xi1>, vector<16xf32>
            %select_n3A_772 = arith.select %gt3A_768, %select_n3A_748, %select_n3A_767 : vector<16xi1>, vector<16xi32>
            %gt3A_773 = arith.cmpf ogt, %select_n3A_771, %select_n3A_752 : vector<16xf32>
            %select_n3A_774 = arith.select %gt3A_773, %select_n3A_771, %select_n3A_752 : vector<16xi1>, vector<16xf32>
            %select_n3A_775 = arith.select %gt3A_773, %select_n3A_772, %select_n3A_753 : vector<16xi1>, vector<16xi32>
            %select_n3A_776 = arith.select %gt3A_773, %select_n3A_752, %select_n3A_771 : vector<16xi1>, vector<16xf32>
            %select_n3A_777 = arith.select %gt3A_773, %select_n3A_753, %select_n3A_772 : vector<16xi1>, vector<16xi32>
            %gt3A_778 = arith.cmpf ogt, %select_n3A_776, %select_n3A_757 : vector<16xf32>
            %select_n3A_779 = arith.select %gt3A_778, %select_n3A_776, %select_n3A_757 : vector<16xi1>, vector<16xf32>
            %select_n3A_780 = arith.select %gt3A_778, %select_n3A_777, %select_n3A_758 : vector<16xi1>, vector<16xi32>
            %add3A_781 = arith.constant 304 : i32
            %add3A_782 = arith.addi %add3A_612, %add3A_781 : i32
            %add3A_783 = vector.broadcast %add3A_782 : i32 to vector<16xi32>
            %add3A_784 = arith.addi %iota3A, %add3A_783 : vector<16xi32>
            %gt3A_785 = arith.cmpf ogt, %get3A_547, %select_n3A_764 : vector<16xf32>
            %select_n3A_786 = arith.select %gt3A_785, %get3A_547, %select_n3A_764 : vector<16xi1>, vector<16xf32>
            %select_n3A_787 = arith.select %gt3A_785, %add3A_784, %select_n3A_765 : vector<16xi1>, vector<16xi32>
            %select_n3A_788 = arith.select %gt3A_785, %select_n3A_764, %get3A_547 : vector<16xi1>, vector<16xf32>
            %select_n3A_789 = arith.select %gt3A_785, %select_n3A_765, %add3A_784 : vector<16xi1>, vector<16xi32>
            %gt3A_790 = arith.cmpf ogt, %select_n3A_788, %select_n3A_769 : vector<16xf32>
            %select_n3A_791 = arith.select %gt3A_790, %select_n3A_788, %select_n3A_769 : vector<16xi1>, vector<16xf32>
            %select_n3A_792 = arith.select %gt3A_790, %select_n3A_789, %select_n3A_770 : vector<16xi1>, vector<16xi32>
            %select_n3A_793 = arith.select %gt3A_790, %select_n3A_769, %select_n3A_788 : vector<16xi1>, vector<16xf32>
            %select_n3A_794 = arith.select %gt3A_790, %select_n3A_770, %select_n3A_789 : vector<16xi1>, vector<16xi32>
            %gt3A_795 = arith.cmpf ogt, %select_n3A_793, %select_n3A_774 : vector<16xf32>
            %select_n3A_796 = arith.select %gt3A_795, %select_n3A_793, %select_n3A_774 : vector<16xi1>, vector<16xf32>
            %select_n3A_797 = arith.select %gt3A_795, %select_n3A_794, %select_n3A_775 : vector<16xi1>, vector<16xi32>
            %select_n3A_798 = arith.select %gt3A_795, %select_n3A_774, %select_n3A_793 : vector<16xi1>, vector<16xf32>
            %select_n3A_799 = arith.select %gt3A_795, %select_n3A_775, %select_n3A_794 : vector<16xi1>, vector<16xi32>
            %gt3A_800 = arith.cmpf ogt, %select_n3A_798, %select_n3A_779 : vector<16xf32>
            %select_n3A_801 = arith.select %gt3A_800, %select_n3A_798, %select_n3A_779 : vector<16xi1>, vector<16xf32>
            %select_n3A_802 = arith.select %gt3A_800, %select_n3A_799, %select_n3A_780 : vector<16xi1>, vector<16xi32>
            scf.yield %select_n3A_786, %select_n3A_791, %select_n3A_796, %select_n3A_801, %select_n3A_787, %select_n3A_792, %select_n3A_797, %select_n3A_802 : vector<16xf32>, vector<16xf32>, vector<16xf32>, vector<16xf32>, vector<16xi32>, vector<16xi32>, vector<16xi32>, vector<16xi32>
          } else {
            scf.yield %cond3A_660#0, %cond3A_660#1, %cond3A_660#2, %cond3A_660#3, %cond3A_660#4, %cond3A_660#5, %cond3A_660#6, %cond3A_660#7 : vector<16xf32>, vector<16xf32>, vector<16xf32>, vector<16xf32>, vector<16xi32>, vector<16xi32>, vector<16xi32>, vector<16xi32>
          }
          %gt3A_677 = arith.cmpf ogt, %max3A_591, %cond3A_676#3 : vector<16xf32>
          %reduce_or3A_678 = arith.constant 1.000000e+00 : f32
          %reduce_or3A_679 = arith.constant 0.000000e+00 : f32
          %reduce_or3A_680 = vector.broadcast %reduce_or3A_678 : f32 to vector<16xf32>
          %reduce_or3A_681 = vector.broadcast %reduce_or3A_679 : f32 to vector<16xf32>
          %reduce_or3A_682 = arith.select %gt3A_677, %reduce_or3A_680, %reduce_or3A_681 : vector<16xi1>, vector<16xf32>
          %reduce_or3A_683 = arith.constant true
          %reduce_or3A_684 = vector.broadcast %reduce_or3A_683 : i1 to vector<16xi1>
          %reduce_or3A_685 = tpu.scan <max>, %reduce_or3A_682 masked %reduce_or3A_684 : vector<16xf32>, vector<16xi1> -> vector<16xf32>
          %reduce_or3A_686 = vector.extract %reduce_or3A_685[15] : f32 from vector<16xf32>
          %reduce_or3A_687 = arith.constant 0.000000e+00 : f32
          %reduce_or3A_688 = arith.cmpf ogt, %reduce_or3A_686, %reduce_or3A_687 : f32
          %convert_element_type3A_689 = arith.extui %reduce_or3A_688 : i1 to i32
          %cond3A_690 = arith.constant 0 : i32
          %cond3A_691 = arith.cmpi ne, %convert_element_type3A_689, %cond3A_690 : i32
          %cond3A_692:8 = scf.if %cond3A_691 -> (vector<16xf32>, vector<16xf32>, vector<16xf32>, vector<16xf32>, vector<16xi32>, vector<16xi32>, vector<16xi32>, vector<16xi32>) {
            %add3A_693 = arith.constant 320 : i32
            %add3A_694 = arith.addi %add3A_612, %add3A_693 : i32
            %add3A_695 = vector.broadcast %add3A_694 : i32 to vector<16xi32>
            %add3A_696 = arith.addi %iota3A, %add3A_695 : vector<16xi32>
            %gt3A_697 = arith.cmpf ogt, %get3A_552, %cond3A_676#0 : vector<16xf32>
            %select_n3A_698 = arith.select %gt3A_697, %get3A_552, %cond3A_676#0 : vector<16xi1>, vector<16xf32>
            %select_n3A_699 = arith.select %gt3A_697, %add3A_696, %cond3A_676#4 : vector<16xi1>, vector<16xi32>
            %select_n3A_700 = arith.select %gt3A_697, %cond3A_676#0, %get3A_552 : vector<16xi1>, vector<16xf32>
            %select_n3A_701 = arith.select %gt3A_697, %cond3A_676#4, %add3A_696 : vector<16xi1>, vector<16xi32>
            %gt3A_702 = arith.cmpf ogt, %select_n3A_700, %cond3A_676#1 : vector<16xf32>
            %select_n3A_703 = arith.select %gt3A_702, %select_n3A_700, %cond3A_676#1 : vector<16xi1>, vector<16xf32>
            %select_n3A_704 = arith.select %gt3A_702, %select_n3A_701, %cond3A_676#5 : vector<16xi1>, vector<16xi32>
            %select_n3A_705 = arith.select %gt3A_702, %cond3A_676#1, %select_n3A_700 : vector<16xi1>, vector<16xf32>
            %select_n3A_706 = arith.select %gt3A_702, %cond3A_676#5, %select_n3A_701 : vector<16xi1>, vector<16xi32>
            %gt3A_707 = arith.cmpf ogt, %select_n3A_705, %cond3A_676#2 : vector<16xf32>
            %select_n3A_708 = arith.select %gt3A_707, %select_n3A_705, %cond3A_676#2 : vector<16xi1>, vector<16xf32>
            %select_n3A_709 = arith.select %gt3A_707, %select_n3A_706, %cond3A_676#6 : vector<16xi1>, vector<16xi32>
            %select_n3A_710 = arith.select %gt3A_707, %cond3A_676#2, %select_n3A_705 : vector<16xi1>, vector<16xf32>
            %select_n3A_711 = arith.select %gt3A_707, %cond3A_676#6, %select_n3A_706 : vector<16xi1>, vector<16xi32>
            %gt3A_712 = arith.cmpf ogt, %select_n3A_710, %cond3A_676#3 : vector<16xf32>
            %select_n3A_713 = arith.select %gt3A_712, %select_n3A_710, %cond3A_676#3 : vector<16xi1>, vector<16xf32>
            %select_n3A_714 = arith.select %gt3A_712, %select_n3A_711, %cond3A_676#7 : vector<16xi1>, vector<16xi32>
            %add3A_715 = arith.constant 336 : i32
            %add3A_716 = arith.addi %add3A_612, %add3A_715 : i32
            %add3A_717 = vector.broadcast %add3A_716 : i32 to vector<16xi32>
            %add3A_718 = arith.addi %iota3A, %add3A_717 : vector<16xi32>
            %gt3A_719 = arith.cmpf ogt, %get3A_557, %select_n3A_698 : vector<16xf32>
            %select_n3A_720 = arith.select %gt3A_719, %get3A_557, %select_n3A_698 : vector<16xi1>, vector<16xf32>
            %select_n3A_721 = arith.select %gt3A_719, %add3A_718, %select_n3A_699 : vector<16xi1>, vector<16xi32>
            %select_n3A_722 = arith.select %gt3A_719, %select_n3A_698, %get3A_557 : vector<16xi1>, vector<16xf32>
            %select_n3A_723 = arith.select %gt3A_719, %select_n3A_699, %add3A_718 : vector<16xi1>, vector<16xi32>
            %gt3A_724 = arith.cmpf ogt, %select_n3A_722, %select_n3A_703 : vector<16xf32>
            %select_n3A_725 = arith.select %gt3A_724, %select_n3A_722, %select_n3A_703 : vector<16xi1>, vector<16xf32>
            %select_n3A_726 = arith.select %gt3A_724, %select_n3A_723, %select_n3A_704 : vector<16xi1>, vector<16xi32>
            %select_n3A_727 = arith.select %gt3A_724, %select_n3A_703, %select_n3A_722 : vector<16xi1>, vector<16xf32>
            %select_n3A_728 = arith.select %gt3A_724, %select_n3A_704, %select_n3A_723 : vector<16xi1>, vector<16xi32>
            %gt3A_729 = arith.cmpf ogt, %select_n3A_727, %select_n3A_708 : vector<16xf32>
            %select_n3A_730 = arith.select %gt3A_729, %select_n3A_727, %select_n3A_708 : vector<16xi1>, vector<16xf32>
            %select_n3A_731 = arith.select %gt3A_729, %select_n3A_728, %select_n3A_709 : vector<16xi1>, vector<16xi32>
            %select_n3A_732 = arith.select %gt3A_729, %select_n3A_708, %select_n3A_727 : vector<16xi1>, vector<16xf32>
            %select_n3A_733 = arith.select %gt3A_729, %select_n3A_709, %select_n3A_728 : vector<16xi1>, vector<16xi32>
            %gt3A_734 = arith.cmpf ogt, %select_n3A_732, %select_n3A_713 : vector<16xf32>
            %select_n3A_735 = arith.select %gt3A_734, %select_n3A_732, %select_n3A_713 : vector<16xi1>, vector<16xf32>
            %select_n3A_736 = arith.select %gt3A_734, %select_n3A_733, %select_n3A_714 : vector<16xi1>, vector<16xi32>
            %add3A_737 = arith.constant 352 : i32
            %add3A_738 = arith.addi %add3A_612, %add3A_737 : i32
            %add3A_739 = vector.broadcast %add3A_738 : i32 to vector<16xi32>
            %add3A_740 = arith.addi %iota3A, %add3A_739 : vector<16xi32>
            %gt3A_741 = arith.cmpf ogt, %get3A_562, %select_n3A_720 : vector<16xf32>
            %select_n3A_742 = arith.select %gt3A_741, %get3A_562, %select_n3A_720 : vector<16xi1>, vector<16xf32>
            %select_n3A_743 = arith.select %gt3A_741, %add3A_740, %select_n3A_721 : vector<16xi1>, vector<16xi32>
            %select_n3A_744 = arith.select %gt3A_741, %select_n3A_720, %get3A_562 : vector<16xi1>, vector<16xf32>
            %select_n3A_745 = arith.select %gt3A_741, %select_n3A_721, %add3A_740 : vector<16xi1>, vector<16xi32>
            %gt3A_746 = arith.cmpf ogt, %select_n3A_744, %select_n3A_725 : vector<16xf32>
            %select_n3A_747 = arith.select %gt3A_746, %select_n3A_744, %select_n3A_725 : vector<16xi1>, vector<16xf32>
            %select_n3A_748 = arith.select %gt3A_746, %select_n3A_745, %select_n3A_726 : vector<16xi1>, vector<16xi32>
            %select_n3A_749 = arith.select %gt3A_746, %select_n3A_725, %select_n3A_744 : vector<16xi1>, vector<16xf32>
            %select_n3A_750 = arith.select %gt3A_746, %select_n3A_726, %select_n3A_745 : vector<16xi1>, vector<16xi32>
            %gt3A_751 = arith.cmpf ogt, %select_n3A_749, %select_n3A_730 : vector<16xf32>
            %select_n3A_752 = arith.select %gt3A_751, %select_n3A_749, %select_n3A_730 : vector<16xi1>, vector<16xf32>
            %select_n3A_753 = arith.select %gt3A_751, %select_n3A_750, %select_n3A_731 : vector<16xi1>, vector<16xi32>
            %select_n3A_754 = arith.select %gt3A_751, %select_n3A_730, %select_n3A_749 : vector<16xi1>, vector<16xf32>
            %select_n3A_755 = arith.select %gt3A_751, %select_n3A_731, %select_n3A_750 : vector<16xi1>, vector<16xi32>
            %gt3A_756 = arith.cmpf ogt, %select_n3A_754, %select_n3A_735 : vector<16xf32>
            %select_n3A_757 = arith.select %gt3A_756, %select_n3A_754, %select_n3A_735 : vector<16xi1>, vector<16xf32>
            %select_n3A_758 = arith.select %gt3A_756, %select_n3A_755, %select_n3A_736 : vector<16xi1>, vector<16xi32>
            %add3A_759 = arith.constant 368 : i32
            %add3A_760 = arith.addi %add3A_612, %add3A_759 : i32
            %add3A_761 = vector.broadcast %add3A_760 : i32 to vector<16xi32>
            %add3A_762 = arith.addi %iota3A, %add3A_761 : vector<16xi32>
            %gt3A_763 = arith.cmpf ogt, %get3A_567, %select_n3A_742 : vector<16xf32>
            %select_n3A_764 = arith.select %gt3A_763, %get3A_567, %select_n3A_742 : vector<16xi1>, vector<16xf32>
            %select_n3A_765 = arith.select %gt3A_763, %add3A_762, %select_n3A_743 : vector<16xi1>, vector<16xi32>
            %select_n3A_766 = arith.select %gt3A_763, %select_n3A_742, %get3A_567 : vector<16xi1>, vector<16xf32>
            %select_n3A_767 = arith.select %gt3A_763, %select_n3A_743, %add3A_762 : vector<16xi1>, vector<16xi32>
            %gt3A_768 = arith.cmpf ogt, %select_n3A_766, %select_n3A_747 : vector<16xf32>
            %select_n3A_769 = arith.select %gt3A_768, %select_n3A_766, %select_n3A_747 : vector<16xi1>, vector<16xf32>
            %select_n3A_770 = arith.select %gt3A_768, %select_n3A_767, %select_n3A_748 : vector<16xi1>, vector<16xi32>
            %select_n3A_771 = arith.select %gt3A_768, %select_n3A_747, %select_n3A_766 : vector<16xi1>, vector<16xf32>
            %select_n3A_772 = arith.select %gt3A_768, %select_n3A_748, %select_n3A_767 : vector<16xi1>, vector<16xi32>
            %gt3A_773 = arith.cmpf ogt, %select_n3A_771, %select_n3A_752 : vector<16xf32>
            %select_n3A_774 = arith.select %gt3A_773, %select_n3A_771, %select_n3A_752 : vector<16xi1>, vector<16xf32>
            %select_n3A_775 = arith.select %gt3A_773, %select_n3A_772, %select_n3A_753 : vector<16xi1>, vector<16xi32>
            %select_n3A_776 = arith.select %gt3A_773, %select_n3A_752, %select_n3A_771 : vector<16xi1>, vector<16xf32>
            %select_n3A_777 = arith.select %gt3A_773, %select_n3A_753, %select_n3A_772 : vector<16xi1>, vector<16xi32>
            %gt3A_778 = arith.cmpf ogt, %select_n3A_776, %select_n3A_757 : vector<16xf32>
            %select_n3A_779 = arith.select %gt3A_778, %select_n3A_776, %select_n3A_757 : vector<16xi1>, vector<16xf32>
            %select_n3A_780 = arith.select %gt3A_778, %select_n3A_777, %select_n3A_758 : vector<16xi1>, vector<16xi32>
            %add3A_781 = arith.constant 384 : i32
            %add3A_782 = arith.addi %add3A_612, %add3A_781 : i32
            %add3A_783 = vector.broadcast %add3A_782 : i32 to vector<16xi32>
            %add3A_784 = arith.addi %iota3A, %add3A_783 : vector<16xi32>
            %gt3A_785 = arith.cmpf ogt, %get3A_572, %select_n3A_764 : vector<16xf32>
            %select_n3A_786 = arith.select %gt3A_785, %get3A_572, %select_n3A_764 : vector<16xi1>, vector<16xf32>
            %select_n3A_787 = arith.select %gt3A_785, %add3A_784, %select_n3A_765 : vector<16xi1>, vector<16xi32>
            %select_n3A_788 = arith.select %gt3A_785, %select_n3A_764, %get3A_572 : vector<16xi1>, vector<16xf32>
            %select_n3A_789 = arith.select %gt3A_785, %select_n3A_765, %add3A_784 : vector<16xi1>, vector<16xi32>
            %gt3A_790 = arith.cmpf ogt, %select_n3A_788, %select_n3A_769 : vector<16xf32>
            %select_n3A_791 = arith.select %gt3A_790, %select_n3A_788, %select_n3A_769 : vector<16xi1>, vector<16xf32>
            %select_n3A_792 = arith.select %gt3A_790, %select_n3A_789, %select_n3A_770 : vector<16xi1>, vector<16xi32>
            %select_n3A_793 = arith.select %gt3A_790, %select_n3A_769, %select_n3A_788 : vector<16xi1>, vector<16xf32>
            %select_n3A_794 = arith.select %gt3A_790, %select_n3A_770, %select_n3A_789 : vector<16xi1>, vector<16xi32>
            %gt3A_795 = arith.cmpf ogt, %select_n3A_793, %select_n3A_774 : vector<16xf32>
            %select_n3A_796 = arith.select %gt3A_795, %select_n3A_793, %select_n3A_774 : vector<16xi1>, vector<16xf32>
            %select_n3A_797 = arith.select %gt3A_795, %select_n3A_794, %select_n3A_775 : vector<16xi1>, vector<16xi32>
            %select_n3A_798 = arith.select %gt3A_795, %select_n3A_774, %select_n3A_793 : vector<16xi1>, vector<16xf32>
            %select_n3A_799 = arith.select %gt3A_795, %select_n3A_775, %select_n3A_794 : vector<16xi1>, vector<16xi32>
            %gt3A_800 = arith.cmpf ogt, %select_n3A_798, %select_n3A_779 : vector<16xf32>
            %select_n3A_801 = arith.select %gt3A_800, %select_n3A_798, %select_n3A_779 : vector<16xi1>, vector<16xf32>
            %select_n3A_802 = arith.select %gt3A_800, %select_n3A_799, %select_n3A_780 : vector<16xi1>, vector<16xi32>
            scf.yield %select_n3A_786, %select_n3A_791, %select_n3A_796, %select_n3A_801, %select_n3A_787, %select_n3A_792, %select_n3A_797, %select_n3A_802 : vector<16xf32>, vector<16xf32>, vector<16xf32>, vector<16xf32>, vector<16xi32>, vector<16xi32>, vector<16xi32>, vector<16xi32>
          } else {
            scf.yield %cond3A_676#0, %cond3A_676#1, %cond3A_676#2, %cond3A_676#3, %cond3A_676#4, %cond3A_676#5, %cond3A_676#6, %cond3A_676#7 : vector<16xf32>, vector<16xf32>, vector<16xf32>, vector<16xf32>, vector<16xi32>, vector<16xi32>, vector<16xi32>, vector<16xi32>
          }
          scf.yield %cond3A_692#0, %cond3A_692#1, %cond3A_692#2, %cond3A_692#3, %cond3A_692#4, %cond3A_692#5, %cond3A_692#6, %cond3A_692#7 : vector<16xf32>, vector<16xf32>, vector<16xf32>, vector<16xf32>, vector<16xi32>, vector<16xi32>, vector<16xi32>, vector<16xi32>
        } else {
          scf.yield %scan3A_438, %scan3A_439, %scan3A_440, %scan3A_441, %scan3A_442, %scan3A_443, %scan3A_444, %scan3A_445 : vector<16xf32>, vector<16xf32>, vector<16xf32>, vector<16xf32>, vector<16xi32>, vector<16xi32>, vector<16xi32>, vector<16xi32>
        }
        scf.yield %cond3A_609#0, %cond3A_609#1, %cond3A_609#2, %cond3A_609#3, %cond3A_609#4, %cond3A_609#5, %cond3A_609#6, %cond3A_609#7 : vector<16xf32>, vector<16xf32>, vector<16xf32>, vector<16xf32>, vector<16xi32>, vector<16xi32>, vector<16xi32>, vector<16xi32>
      }
      %scan3A_431 = arith.constant 50 : i32
      %eq3A_432 = arith.constant 4 : i32
      %eq3A_433 = arith.cmpi eq, %sub3A_365, %eq3A_432 : i32
      %convert_element_type3A_434 = arith.extui %eq3A_433 : i1 to i32
      %cond3A_435 = arith.constant 0 : i32
      %cond3A_436 = arith.cmpi ne, %convert_element_type3A_434, %cond3A_435 : i32
      scf.if %cond3A_436 {
        %swap3A = arith.constant 0 : i32
        %swap3A_437 = arith.index_cast %swap3A : i32 to index
        %swap3A_438 = arith.constant 0 : index
        %swap3A_439 = tpu.vector_load %arg9[%swap3A_437, %swap3A_438] {strides = array<i32>} : memref<4x16xf32, #tpu.memory_space<vmem>>, vector<16xf32>,
        tpu.vector_store %arg9[%swap3A_437, %swap3A_438], %scan3A_430#0 {strides = array<i32>} : memref<4x16xf32, #tpu.memory_space<vmem>>, vector<16xf32>,
        %swap3A_440 = arith.constant 1 : i32
        %swap3A_441 = arith.index_cast %swap3A_440 : i32 to index
        %swap3A_442 = arith.constant 0 : index
        %swap3A_443 = tpu.vector_load %arg9[%swap3A_441, %swap3A_442] {strides = array<i32>} : memref<4x16xf32, #tpu.memory_space<vmem>>, vector<16xf32>,
        tpu.vector_store %arg9[%swap3A_441, %swap3A_442], %scan3A_430#1 {strides = array<i32>} : memref<4x16xf32, #tpu.memory_space<vmem>>, vector<16xf32>,
        %swap3A_444 = arith.constant 2 : i32
        %swap3A_445 = arith.index_cast %swap3A_444 : i32 to index
        %swap3A_446 = arith.constant 0 : index
        %swap3A_447 = tpu.vector_load %arg9[%swap3A_445, %swap3A_446] {strides = array<i32>} : memref<4x16xf32, #tpu.memory_space<vmem>>, vector<16xf32>,
        tpu.vector_store %arg9[%swap3A_445, %swap3A_446], %scan3A_430#2 {strides = array<i32>} : memref<4x16xf32, #tpu.memory_space<vmem>>, vector<16xf32>,
        %swap3A_448 = arith.constant 3 : i32
        %swap3A_449 = arith.index_cast %swap3A_448 : i32 to index
        %swap3A_450 = arith.constant 0 : index
        %swap3A_451 = tpu.vector_load %arg9[%swap3A_449, %swap3A_450] {strides = array<i32>} : memref<4x16xf32, #tpu.memory_space<vmem>>, vector<16xf32>,
        tpu.vector_store %arg9[%swap3A_449, %swap3A_450], %scan3A_430#3 {strides = array<i32>} : memref<4x16xf32, #tpu.memory_space<vmem>>, vector<16xf32>,
        %swap3A_452 = arith.constant 0 : i32
        %swap3A_453 = arith.index_cast %swap3A_452 : i32 to index
        %swap3A_454 = arith.constant 0 : index
        %swap3A_455 = tpu.vector_load %arg10[%swap3A_453, %swap3A_454] {strides = array<i32>} : memref<4x16xi32, #tpu.memory_space<vmem>>, vector<16xi32>,
        tpu.vector_store %arg10[%swap3A_453, %swap3A_454], %scan3A_430#4 {strides = array<i32>} : memref<4x16xi32, #tpu.memory_space<vmem>>, vector<16xi32>,
        %swap3A_456 = arith.constant 1 : i32
        %swap3A_457 = arith.index_cast %swap3A_456 : i32 to index
        %swap3A_458 = arith.constant 0 : index
        %swap3A_459 = tpu.vector_load %arg10[%swap3A_457, %swap3A_458] {strides = array<i32>} : memref<4x16xi32, #tpu.memory_space<vmem>>, vector<16xi32>,
        tpu.vector_store %arg10[%swap3A_457, %swap3A_458], %scan3A_430#5 {strides = array<i32>} : memref<4x16xi32, #tpu.memory_space<vmem>>, vector<16xi32>,
        %swap3A_460 = arith.constant 2 : i32
        %swap3A_461 = arith.index_cast %swap3A_460 : i32 to index
        %swap3A_462 = arith.constant 0 : index
        %swap3A_463 = tpu.vector_load %arg10[%swap3A_461, %swap3A_462] {strides = array<i32>} : memref<4x16xi32, #tpu.memory_space<vmem>>, vector<16xi32>,
        tpu.vector_store %arg10[%swap3A_461, %swap3A_462], %scan3A_430#6 {strides = array<i32>} : memref<4x16xi32, #tpu.memory_space<vmem>>, vector<16xi32>,
        %swap3A_464 = arith.constant 3 : i32
        %swap3A_465 = arith.index_cast %swap3A_464 : i32 to index
        %swap3A_466 = arith.constant 0 : index
        %swap3A_467 = tpu.vector_load %arg10[%swap3A_465, %swap3A_466] {strides = array<i32>} : memref<4x16xi32, #tpu.memory_space<vmem>>, vector<16xi32>,
        tpu.vector_store %arg10[%swap3A_465, %swap3A_466], %scan3A_430#7 {strides = array<i32>} : memref<4x16xi32, #tpu.memory_space<vmem>>, vector<16xi32>,
        %reduce_max3A_468 = arith.constant true
        %reduce_max3A_469 = vector.broadcast %reduce_max3A_468 : i1 to vector<16xi1>
        %reduce_max3A_470 = tpu.scan <max>, %scan3A_430#0 masked %reduce_max3A_469 : vector<16xf32>, vector<16xi1> -> vector<16xf32>
        %reduce_max3A_471 = vector.extract %reduce_max3A_470[15] : f32 from vector<16xf32>
        %eq3A_472 = vector.broadcast %reduce_max3A_471 : f32 to vector<16xf32>
        %eq3A_473 = arith.cmpf oeq, %scan3A_430#0, %eq3A_472 : vector<16xf32>
        %select_n3A_474 = arith.select %eq3A_473, %scan3A_430#4, %broadcast_in_dim3A_17 : vector<16xi1>, vector<16xi32>
        %reduce_min3A_475 = arith.constant true
        %reduce_min3A_476 = vector.broadcast %reduce_min3A_475 : i1 to vector<16xi1>
        %reduce_min3A_477 = arith.constant -2147483648 : i32
        %reduce_min3A_478 = vector.broadcast %reduce_min3A_477 : i32 to vector<16xi32>
        %reduce_min3A_479 = arith.xori %select_n3A_474, %reduce_min3A_478 : vector<16xi32>
        %reduce_min3A_480 = tpu.scan <min>, %reduce_min3A_479 masked %reduce_min3A_476 : vector<16xi32>, vector<16xi1> -> vector<16xi32>
        %reduce_min3A_481 = arith.xori %reduce_min3A_480, %reduce_min3A_478 : vector<16xi32>
        %reduce_min3A_482 = vector.extract %reduce_min3A_481[15] : i32 from vector<16xi32>
        %eq3A_483 = vector.broadcast %reduce_min3A_482 : i32 to vector<16xi32>
        %eq3A_484 = arith.cmpi eq, %scan3A_430#4, %eq3A_483 : vector<16xi32>
        %and3A_485 = arith.andi %eq3A_473, %eq3A_484 : vector<16xi1>
        %select_n3A_486 = arith.select %and3A_485, %iota3A, %broadcast_in_dim3A_17 : vector<16xi1>, vector<16xi32>
        %reduce_min3A_487 = arith.constant true
        %reduce_min3A_488 = vector.broadcast %reduce_min3A_487 : i1 to vector<16xi1>
        %reduce_min3A_489 = arith.constant -2147483648 : i32
        %reduce_min3A_490 = vector.broadcast %reduce_min3A_489 : i32 to vector<16xi32>
        %reduce_min3A_491 = arith.xori %select_n3A_486, %reduce_min3A_490 : vector<16xi32>
        %reduce_min3A_492 = tpu.scan <min>, %reduce_min3A_491 masked %reduce_min3A_488 : vector<16xi32>, vector<16xi1> -> vector<16xi32>
        %reduce_min3A_493 = arith.xori %reduce_min3A_492, %reduce_min3A_490 : vector<16xi32>
        %reduce_min3A_494 = vector.extract %reduce_min3A_493[15] : i32 from vector<16xi32>
        %eq3A_495 = arith.constant 0 : i32
        %eq3A_496 = vector.broadcast %eq3A_495 : i32 to vector<16xi32>
        %eq3A_497 = arith.cmpi eq, %iota3A, %eq3A_496 : vector<16xi32>
        %broadcast_in_dim3A_498 = vector.broadcast %reduce_min3A_494 : i32 to vector<16xi32>
        %select_n3A_499 = arith.select %eq3A_497, %broadcast_in_dim3A_498, %broadcast_in_dim3A_15 : vector<16xi1>, vector<16xi32>
        %select_n3A_500 = arith.select %and3A_485, %broadcast_in_dim3A_13, %scan3A_430#0 : vector<16xi1>, vector<16xf32>
        %reduce_max3A_501 = arith.constant true
        %reduce_max3A_502 = vector.broadcast %reduce_max3A_501 : i1 to vector<16xi1>
        %reduce_max3A_503 = tpu.scan <max>, %select_n3A_500 masked %reduce_max3A_502 : vector<16xf32>, vector<16xi1> -> vector<16xf32>
        %reduce_max3A_504 = vector.extract %reduce_max3A_503[15] : f32 from vector<16xf32>
        %eq3A_505 = vector.broadcast %reduce_max3A_504 : f32 to vector<16xf32>
        %eq3A_506 = arith.cmpf oeq, %select_n3A_500, %eq3A_505 : vector<16xf32>
        %select_n3A_507 = arith.select %eq3A_506, %scan3A_430#4, %broadcast_in_dim3A_17 : vector<16xi1>, vector<16xi32>
        %reduce_min3A_508 = arith.constant true
        %reduce_min3A_509 = vector.broadcast %reduce_min3A_508 : i1 to vector<16xi1>
        %reduce_min3A_510 = arith.constant -2147483648 : i32
        %reduce_min3A_511 = vector.broadcast %reduce_min3A_510 : i32 to vector<16xi32>
        %reduce_min3A_512 = arith.xori %select_n3A_507, %reduce_min3A_511 : vector<16xi32>
        %reduce_min3A_513 = tpu.scan <min>, %reduce_min3A_512 masked %reduce_min3A_509 : vector<16xi32>, vector<16xi1> -> vector<16xi32>
        %reduce_min3A_514 = arith.xori %reduce_min3A_513, %reduce_min3A_511 : vector<16xi32>
        %reduce_min3A_515 = vector.extract %reduce_min3A_514[15] : i32 from vector<16xi32>
        %eq3A_516 = vector.broadcast %reduce_min3A_515 : i32 to vector<16xi32>
        %eq3A_517 = arith.cmpi eq, %scan3A_430#4, %eq3A_516 : vector<16xi32>
        %and3A_518 = arith.andi %eq3A_506, %eq3A_517 : vector<16xi1>
        %select_n3A_519 = arith.select %and3A_518, %iota3A, %broadcast_in_dim3A_17 : vector<16xi1>, vector<16xi32>
        %reduce_min3A_520 = arith.constant true
        %reduce_min3A_521 = vector.broadcast %reduce_min3A_520 : i1 to vector<16xi1>
        %reduce_min3A_522 = arith.constant -2147483648 : i32
        %reduce_min3A_523 = vector.broadcast %reduce_min3A_522 : i32 to vector<16xi32>
        %reduce_min3A_524 = arith.xori %select_n3A_519, %reduce_min3A_523 : vector<16xi32>
        %reduce_min3A_525 = tpu.scan <min>, %reduce_min3A_524 masked %reduce_min3A_521 : vector<16xi32>, vector<16xi1> -> vector<16xi32>
        %reduce_min3A_526 = arith.xori %reduce_min3A_525, %reduce_min3A_523 : vector<16xi32>
        %reduce_min3A_527 = vector.extract %reduce_min3A_526[15] : i32 from vector<16xi32>
        %eq3A_528 = arith.constant 1 : i32
        %eq3A_529 = vector.broadcast %eq3A_528 : i32 to vector<16xi32>
        %eq3A_530 = arith.cmpi eq, %iota3A, %eq3A_529 : vector<16xi32>
        %broadcast_in_dim3A_531 = vector.broadcast %reduce_min3A_527 : i32 to vector<16xi32>
        %select_n3A_532 = arith.select %eq3A_530, %broadcast_in_dim3A_531, %select_n3A_499 : vector<16xi1>, vector<16xi32>
        %select_n3A_533 = arith.select %and3A_518, %broadcast_in_dim3A_13, %select_n3A_500 : vector<16xi1>, vector<16xf32>
        %reduce_max3A_534 = arith.constant true
        %reduce_max3A_535 = vector.broadcast %reduce_max3A_534 : i1 to vector<16xi1>
        %reduce_max3A_536 = tpu.scan <max>, %select_n3A_533 masked %reduce_max3A_535 : vector<16xf32>, vector<16xi1> -> vector<16xf32>
        %reduce_max3A_537 = vector.extract %reduce_max3A_536[15] : f32 from vector<16xf32>
        %eq3A_538 = vector.broadcast %reduce_max3A_537 : f32 to vector<16xf32>
        %eq3A_539 = arith.cmpf oeq, %select_n3A_533, %eq3A_538 : vector<16xf32>
        %select_n3A_540 = arith.select %eq3A_539, %scan3A_430#4, %broadcast_in_dim3A_17 : vector<16xi1>, vector<16xi32>
        %reduce_min3A_541 = arith.constant true
        %reduce_min3A_542 = vector.broadcast %reduce_min3A_541 : i1 to vector<16xi1>
        %reduce_min3A_543 = arith.constant -2147483648 : i32
        %reduce_min3A_544 = vector.broadcast %reduce_min3A_543 : i32 to vector<16xi32>
        %reduce_min3A_545 = arith.xori %select_n3A_540, %reduce_min3A_544 : vector<16xi32>
        %reduce_min3A_546 = tpu.scan <min>, %reduce_min3A_545 masked %reduce_min3A_542 : vector<16xi32>, vector<16xi1> -> vector<16xi32>
        %reduce_min3A_547 = arith.xori %reduce_min3A_546, %reduce_min3A_544 : vector<16xi32>
        %reduce_min3A_548 = vector.extract %reduce_min3A_547[15] : i32 from vector<16xi32>
        %eq3A_549 = vector.broadcast %reduce_min3A_548 : i32 to vector<16xi32>
        %eq3A_550 = arith.cmpi eq, %scan3A_430#4, %eq3A_549 : vector<16xi32>
        %and3A_551 = arith.andi %eq3A_539, %eq3A_550 : vector<16xi1>
        %select_n3A_552 = arith.select %and3A_551, %iota3A, %broadcast_in_dim3A_17 : vector<16xi1>, vector<16xi32>
        %reduce_min3A_553 = arith.constant true
        %reduce_min3A_554 = vector.broadcast %reduce_min3A_553 : i1 to vector<16xi1>
        %reduce_min3A_555 = arith.constant -2147483648 : i32
        %reduce_min3A_556 = vector.broadcast %reduce_min3A_555 : i32 to vector<16xi32>
        %reduce_min3A_557 = arith.xori %select_n3A_552, %reduce_min3A_556 : vector<16xi32>
        %reduce_min3A_558 = tpu.scan <min>, %reduce_min3A_557 masked %reduce_min3A_554 : vector<16xi32>, vector<16xi1> -> vector<16xi32>
        %reduce_min3A_559 = arith.xori %reduce_min3A_558, %reduce_min3A_556 : vector<16xi32>
        %reduce_min3A_560 = vector.extract %reduce_min3A_559[15] : i32 from vector<16xi32>
        %eq3A_561 = arith.constant 2 : i32
        %eq3A_562 = vector.broadcast %eq3A_561 : i32 to vector<16xi32>
        %eq3A_563 = arith.cmpi eq, %iota3A, %eq3A_562 : vector<16xi32>
        %broadcast_in_dim3A_564 = vector.broadcast %reduce_min3A_560 : i32 to vector<16xi32>
        %select_n3A_565 = arith.select %eq3A_563, %broadcast_in_dim3A_564, %select_n3A_532 : vector<16xi1>, vector<16xi32>
        %select_n3A_566 = arith.select %and3A_551, %broadcast_in_dim3A_13, %select_n3A_533 : vector<16xi1>, vector<16xf32>
        %reduce_max3A_567 = arith.constant true
        %reduce_max3A_568 = vector.broadcast %reduce_max3A_567 : i1 to vector<16xi1>
        %reduce_max3A_569 = tpu.scan <max>, %select_n3A_566 masked %reduce_max3A_568 : vector<16xf32>, vector<16xi1> -> vector<16xf32>
        %reduce_max3A_570 = vector.extract %reduce_max3A_569[15] : f32 from vector<16xf32>
        %eq3A_571 = vector.broadcast %reduce_max3A_570 : f32 to vector<16xf32>
        %eq3A_572 = arith.cmpf oeq, %select_n3A_566, %eq3A_571 : vector<16xf32>
        %select_n3A_573 = arith.select %eq3A_572, %scan3A_430#4, %broadcast_in_dim3A_17 : vector<16xi1>, vector<16xi32>
        %reduce_min3A_574 = arith.constant true
        %reduce_min3A_575 = vector.broadcast %reduce_min3A_574 : i1 to vector<16xi1>
        %reduce_min3A_576 = arith.constant -2147483648 : i32
        %reduce_min3A_577 = vector.broadcast %reduce_min3A_576 : i32 to vector<16xi32>
        %reduce_min3A_578 = arith.xori %select_n3A_573, %reduce_min3A_577 : vector<16xi32>
        %reduce_min3A_579 = tpu.scan <min>, %reduce_min3A_578 masked %reduce_min3A_575 : vector<16xi32>, vector<16xi1> -> vector<16xi32>
        %reduce_min3A_580 = arith.xori %reduce_min3A_579, %reduce_min3A_577 : vector<16xi32>
        %reduce_min3A_581 = vector.extract %reduce_min3A_580[15] : i32 from vector<16xi32>
        %eq3A_582 = vector.broadcast %reduce_min3A_581 : i32 to vector<16xi32>
        %eq3A_583 = arith.cmpi eq, %scan3A_430#4, %eq3A_582 : vector<16xi32>
        %and3A_584 = arith.andi %eq3A_572, %eq3A_583 : vector<16xi1>
        %select_n3A_585 = arith.select %and3A_584, %iota3A, %broadcast_in_dim3A_17 : vector<16xi1>, vector<16xi32>
        %reduce_min3A_586 = arith.constant true
        %reduce_min3A_587 = vector.broadcast %reduce_min3A_586 : i1 to vector<16xi1>
        %reduce_min3A_588 = arith.constant -2147483648 : i32
        %reduce_min3A_589 = vector.broadcast %reduce_min3A_588 : i32 to vector<16xi32>
        %reduce_min3A_590 = arith.xori %select_n3A_585, %reduce_min3A_589 : vector<16xi32>
        %reduce_min3A_591 = tpu.scan <min>, %reduce_min3A_590 masked %reduce_min3A_587 : vector<16xi32>, vector<16xi1> -> vector<16xi32>
        %reduce_min3A_592 = arith.xori %reduce_min3A_591, %reduce_min3A_589 : vector<16xi32>
        %reduce_min3A_593 = vector.extract %reduce_min3A_592[15] : i32 from vector<16xi32>
        %eq3A_594 = arith.constant 3 : i32
        %eq3A_595 = vector.broadcast %eq3A_594 : i32 to vector<16xi32>
        %eq3A_596 = arith.cmpi eq, %iota3A, %eq3A_595 : vector<16xi32>
        %broadcast_in_dim3A_597 = vector.broadcast %reduce_min3A_593 : i32 to vector<16xi32>
        %select_n3A_598 = arith.select %eq3A_596, %broadcast_in_dim3A_597, %select_n3A_565 : vector<16xi1>, vector<16xi32>
        %select_n3A_599 = arith.select %and3A_584, %broadcast_in_dim3A_13, %select_n3A_566 : vector<16xi1>, vector<16xf32>
        %swap3A_600 = arith.constant 0 : index
        %swap3A_601 = tpu.vector_load %arg11[%swap3A_600] {strides = array<i32>} : memref<16xi32, #tpu.memory_space<vmem>>, vector<16xi32>,
        tpu.vector_store %arg11[%swap3A_600], %select_n3A_598 {strides = array<i32>} : memref<16xi32, #tpu.memory_space<vmem>>, vector<16xi32>,
        %gather3A_602 = tpu.vector_load_idx %arg11[%shift_right_arithmetic3A_10] : memref<16xi32, #tpu.memory_space<vmem>>[vector<16xi32>], vector<16xi32>,
        %gather3A_603 = tpu.vector_load_idx %arg9[%and3A_8, %gather3A_602] : memref<4x16xf32, #tpu.memory_space<vmem>>[vector<16xi32>, vector<16xi32>], vector<16xf32>,
        %gather3A_604 = tpu.vector_load_idx %arg10[%and3A_8, %gather3A_602] : memref<4x16xi32, #tpu.memory_space<vmem>>[vector<16xi32>, vector<16xi32>], vector<16xi32>,
        %reduce_max3A_605 = arith.constant true
        %reduce_max3A_606 = vector.broadcast %reduce_max3A_605 : i1 to vector<16xi1>
        %reduce_max3A_607 = tpu.scan <max>, %gather3A_603 masked %reduce_max3A_606 : vector<16xf32>, vector<16xi1> -> vector<16xf32>
        %reduce_max3A_608 = vector.extract %reduce_max3A_607[15] : f32 from vector<16xf32>
        %eq3A_609 = vector.broadcast %reduce_max3A_608 : f32 to vector<16xf32>
        %eq3A_610 = arith.cmpf oeq, %gather3A_603, %eq3A_609 : vector<16xf32>
        %select_n3A_611 = arith.select %eq3A_610, %gather3A_604, %broadcast_in_dim3A_17 : vector<16xi1>, vector<16xi32>
        %reduce_min3A_612 = arith.constant true
        %reduce_min3A_613 = vector.broadcast %reduce_min3A_612 : i1 to vector<16xi1>
        %reduce_min3A_614 = arith.constant -2147483648 : i32
        %reduce_min3A_615 = vector.broadcast %reduce_min3A_614 : i32 to vector<16xi32>
        %reduce_min3A_616 = arith.xori %select_n3A_611, %reduce_min3A_615 : vector<16xi32>
        %reduce_min3A_617 = tpu.scan <min>, %reduce_min3A_616 masked %reduce_min3A_613 : vector<16xi32>, vector<16xi1> -> vector<16xi32>
        %reduce_min3A_618 = arith.xori %reduce_min3A_617, %reduce_min3A_615 : vector<16xi32>
        %reduce_min3A_619 = vector.extract %reduce_min3A_618[15] : i32 from vector<16xi32>
        %eq3A_620 = arith.constant 0 : i32
        %eq3A_621 = vector.broadcast %eq3A_620 : i32 to vector<16xi32>
        %eq3A_622 = arith.cmpi eq, %iota3A, %eq3A_621 : vector<16xi32>
        %broadcast_in_dim3A_623 = vector.broadcast %reduce_max3A_608 : f32 to vector<16xf32>
        %select_n3A_624 = arith.select %eq3A_622, %broadcast_in_dim3A_623, %broadcast_in_dim3A_13 : vector<16xi1>, vector<16xf32>
        %eq3A_625 = arith.constant 0 : i32
        %eq3A_626 = vector.broadcast %eq3A_625 : i32 to vector<16xi32>
        %eq3A_627 = arith.cmpi eq, %iota3A, %eq3A_626 : vector<16xi32>
        %broadcast_in_dim3A_628 = vector.broadcast %reduce_min3A_619 : i32 to vector<16xi32>
        %select_n3A_629 = arith.select %eq3A_627, %broadcast_in_dim3A_628, %broadcast_in_dim3A_15 : vector<16xi1>, vector<16xi32>
        %eq3A_630 = vector.broadcast %reduce_min3A_619 : i32 to vector<16xi32>
        %eq3A_631 = arith.cmpi eq, %gather3A_604, %eq3A_630 : vector<16xi32>
        %and3A_632 = arith.andi %eq3A_610, %eq3A_631 : vector<16xi1>
        %select_n3A_633 = arith.select %and3A_632, %broadcast_in_dim3A_13, %gather3A_603 : vector<16xi1>, vector<16xf32>
        %reduce_max3A_634 = arith.constant true
        %reduce_max3A_635 = vector.broadcast %reduce_max3A_634 : i1 to vector<16xi1>
        %reduce_max3A_636 = tpu.scan <max>, %select_n3A_633 masked %reduce_max3A_635 : vector<16xf32>, vector<16xi1> -> vector<16xf32>
        %reduce_max3A_637 = vector.extract %reduce_max3A_636[15] : f32 from vector<16xf32>
        %eq3A_638 = vector.broadcast %reduce_max3A_637 : f32 to vector<16xf32>
        %eq3A_639 = arith.cmpf oeq, %select_n3A_633, %eq3A_638 : vector<16xf32>
        %select_n3A_640 = arith.select %eq3A_639, %gather3A_604, %broadcast_in_dim3A_17 : vector<16xi1>, vector<16xi32>
        %reduce_min3A_641 = arith.constant true
        %reduce_min3A_642 = vector.broadcast %reduce_min3A_641 : i1 to vector<16xi1>
        %reduce_min3A_643 = arith.constant -2147483648 : i32
        %reduce_min3A_644 = vector.broadcast %reduce_min3A_643 : i32 to vector<16xi32>
        %reduce_min3A_645 = arith.xori %select_n3A_640, %reduce_min3A_644 : vector<16xi32>
        %reduce_min3A_646 = tpu.scan <min>, %reduce_min3A_645 masked %reduce_min3A_642 : vector<16xi32>, vector<16xi1> -> vector<16xi32>
        %reduce_min3A_647 = arith.xori %reduce_min3A_646, %reduce_min3A_644 : vector<16xi32>
        %reduce_min3A_648 = vector.extract %reduce_min3A_647[15] : i32 from vector<16xi32>
        %eq3A_649 = arith.constant 1 : i32
        %eq3A_650 = vector.broadcast %eq3A_649 : i32 to vector<16xi32>
        %eq3A_651 = arith.cmpi eq, %iota3A, %eq3A_650 : vector<16xi32>
        %broadcast_in_dim3A_652 = vector.broadcast %reduce_max3A_637 : f32 to vector<16xf32>
        %select_n3A_653 = arith.select %eq3A_651, %broadcast_in_dim3A_652, %select_n3A_624 : vector<16xi1>, vector<16xf32>
        %eq3A_654 = arith.constant 1 : i32
        %eq3A_655 = vector.broadcast %eq3A_654 : i32 to vector<16xi32>
        %eq3A_656 = arith.cmpi eq, %iota3A, %eq3A_655 : vector<16xi32>
        %broadcast_in_dim3A_657 = vector.broadcast %reduce_min3A_648 : i32 to vector<16xi32>
        %select_n3A_658 = arith.select %eq3A_656, %broadcast_in_dim3A_657, %select_n3A_629 : vector<16xi1>, vector<16xi32>
        %eq3A_659 = vector.broadcast %reduce_min3A_648 : i32 to vector<16xi32>
        %eq3A_660 = arith.cmpi eq, %gather3A_604, %eq3A_659 : vector<16xi32>
        %and3A_661 = arith.andi %eq3A_639, %eq3A_660 : vector<16xi1>
        %select_n3A_662 = arith.select %and3A_661, %broadcast_in_dim3A_13, %select_n3A_633 : vector<16xi1>, vector<16xf32>
        %reduce_max3A_663 = arith.constant true
        %reduce_max3A_664 = vector.broadcast %reduce_max3A_663 : i1 to vector<16xi1>
        %reduce_max3A_665 = tpu.scan <max>, %select_n3A_662 masked %reduce_max3A_664 : vector<16xf32>, vector<16xi1> -> vector<16xf32>
        %reduce_max3A_666 = vector.extract %reduce_max3A_665[15] : f32 from vector<16xf32>
        %eq3A_667 = vector.broadcast %reduce_max3A_666 : f32 to vector<16xf32>
        %eq3A_668 = arith.cmpf oeq, %select_n3A_662, %eq3A_667 : vector<16xf32>
        %select_n3A_669 = arith.select %eq3A_668, %gather3A_604, %broadcast_in_dim3A_17 : vector<16xi1>, vector<16xi32>
        %reduce_min3A_670 = arith.constant true
        %reduce_min3A_671 = vector.broadcast %reduce_min3A_670 : i1 to vector<16xi1>
        %reduce_min3A_672 = arith.constant -2147483648 : i32
        %reduce_min3A_673 = vector.broadcast %reduce_min3A_672 : i32 to vector<16xi32>
        %reduce_min3A_674 = arith.xori %select_n3A_669, %reduce_min3A_673 : vector<16xi32>
        %reduce_min3A_675 = tpu.scan <min>, %reduce_min3A_674 masked %reduce_min3A_671 : vector<16xi32>, vector<16xi1> -> vector<16xi32>
        %reduce_min3A_676 = arith.xori %reduce_min3A_675, %reduce_min3A_673 : vector<16xi32>
        %reduce_min3A_677 = vector.extract %reduce_min3A_676[15] : i32 from vector<16xi32>
        %eq3A_678 = arith.constant 2 : i32
        %eq3A_679 = vector.broadcast %eq3A_678 : i32 to vector<16xi32>
        %eq3A_680 = arith.cmpi eq, %iota3A, %eq3A_679 : vector<16xi32>
        %broadcast_in_dim3A_681 = vector.broadcast %reduce_max3A_666 : f32 to vector<16xf32>
        %select_n3A_682 = arith.select %eq3A_680, %broadcast_in_dim3A_681, %select_n3A_653 : vector<16xi1>, vector<16xf32>
        %eq3A_683 = arith.constant 2 : i32
        %eq3A_684 = vector.broadcast %eq3A_683 : i32 to vector<16xi32>
        %eq3A_685 = arith.cmpi eq, %iota3A, %eq3A_684 : vector<16xi32>
        %broadcast_in_dim3A_686 = vector.broadcast %reduce_min3A_677 : i32 to vector<16xi32>
        %select_n3A_687 = arith.select %eq3A_685, %broadcast_in_dim3A_686, %select_n3A_658 : vector<16xi1>, vector<16xi32>
        %eq3A_688 = vector.broadcast %reduce_min3A_677 : i32 to vector<16xi32>
        %eq3A_689 = arith.cmpi eq, %gather3A_604, %eq3A_688 : vector<16xi32>
        %and3A_690 = arith.andi %eq3A_668, %eq3A_689 : vector<16xi1>
        %select_n3A_691 = arith.select %and3A_690, %broadcast_in_dim3A_13, %select_n3A_662 : vector<16xi1>, vector<16xf32>
        %reduce_max3A_692 = arith.constant true
        %reduce_max3A_693 = vector.broadcast %reduce_max3A_692 : i1 to vector<16xi1>
        %reduce_max3A_694 = tpu.scan <max>, %select_n3A_691 masked %reduce_max3A_693 : vector<16xf32>, vector<16xi1> -> vector<16xf32>
        %reduce_max3A_695 = vector.extract %reduce_max3A_694[15] : f32 from vector<16xf32>
        %eq3A_696 = vector.broadcast %reduce_max3A_695 : f32 to vector<16xf32>
        %eq3A_697 = arith.cmpf oeq, %select_n3A_691, %eq3A_696 : vector<16xf32>
        %select_n3A_698 = arith.select %eq3A_697, %gather3A_604, %broadcast_in_dim3A_17 : vector<16xi1>, vector<16xi32>
        %reduce_min3A_699 = arith.constant true
        %reduce_min3A_700 = vector.broadcast %reduce_min3A_699 : i1 to vector<16xi1>
        %reduce_min3A_701 = arith.constant -2147483648 : i32
        %reduce_min3A_702 = vector.broadcast %reduce_min3A_701 : i32 to vector<16xi32>
        %reduce_min3A_703 = arith.xori %select_n3A_698, %reduce_min3A_702 : vector<16xi32>
        %reduce_min3A_704 = tpu.scan <min>, %reduce_min3A_703 masked %reduce_min3A_700 : vector<16xi32>, vector<16xi1> -> vector<16xi32>
        %reduce_min3A_705 = arith.xori %reduce_min3A_704, %reduce_min3A_702 : vector<16xi32>
        %reduce_min3A_706 = vector.extract %reduce_min3A_705[15] : i32 from vector<16xi32>
        %eq3A_707 = arith.constant 3 : i32
        %eq3A_708 = vector.broadcast %eq3A_707 : i32 to vector<16xi32>
        %eq3A_709 = arith.cmpi eq, %iota3A, %eq3A_708 : vector<16xi32>
        %broadcast_in_dim3A_710 = vector.broadcast %reduce_max3A_695 : f32 to vector<16xf32>
        %select_n3A_711 = arith.select %eq3A_709, %broadcast_in_dim3A_710, %select_n3A_682 : vector<16xi1>, vector<16xf32>
        %eq3A_712 = arith.constant 3 : i32
        %eq3A_713 = vector.broadcast %eq3A_712 : i32 to vector<16xi32>
        %eq3A_714 = arith.cmpi eq, %iota3A, %eq3A_713 : vector<16xi32>
        %broadcast_in_dim3A_715 = vector.broadcast %reduce_min3A_706 : i32 to vector<16xi32>
        %select_n3A_716 = arith.select %eq3A_714, %broadcast_in_dim3A_715, %select_n3A_687 : vector<16xi1>, vector<16xi32>
        %eq3A_717 = vector.broadcast %reduce_min3A_706 : i32 to vector<16xi32>
        %eq3A_718 = arith.cmpi eq, %gather3A_604, %eq3A_717 : vector<16xi32>
        %and3A_719 = arith.andi %eq3A_697, %eq3A_718 : vector<16xi1>
        %select_n3A_720 = arith.select %and3A_719, %broadcast_in_dim3A_13, %select_n3A_691 : vector<16xi1>, vector<16xf32>
        %shift_right_arithmetic3A_721 = arith.constant 2 : i32
        %shift_right_arithmetic3A_722 = arith.shrsi %select_n3A_362, %shift_right_arithmetic3A_721 : i32
        %and3A_723 = arith.constant 3 : i32
        %and3A_724 = arith.andi %select_n3A_362, %and3A_723 : i32
        %broadcast_in_dim3A_725 = vector.broadcast %shift_right_arithmetic3A_722 : i32 to vector<16xi32>
        %mul3A_726 = arith.constant 4 : i32
        %mul3A_727 = arith.muli %and3A_724, %mul3A_726 : i32
        %add3A_728 = vector.broadcast %mul3A_727 : i32 to vector<16xi32>
        %add3A_729 = arith.addi %and3A_8, %add3A_728 : vector<16xi32>
        tpu.vector_store_idx %arg12[%broadcast_in_dim3A_725, %add3A_729], %select_n3A_711 masked %lt3A_12 : memref<2x16xf32, #tpu.memory_space<vmem>>[vector<16xi32>, vector<16xi32>], vector<16xf32>, vector<16xi1>
        tpu.vector_store_idx %arg13[%broadcast_in_dim3A_725, %add3A_729], %select_n3A_716 masked %lt3A_12 : memref<2x16xi32, #tpu.memory_space<vmem>>[vector<16xi32>, vector<16xi32>], vector<16xi32>, vector<16xi1>
      } else {
      }
      scf.yield %scan3A_430#0, %scan3A_430#1, %scan3A_430#2, %scan3A_430#3, %scan3A_430#4, %scan3A_430#5, %scan3A_430#6, %scan3A_430#7 : vector<16xf32>, vector<16xf32>, vector<16xf32>, vector<16xf32>, vector<16xi32>, vector<16xi32>, vector<16xi32>, vector<16xi32>
    }
    %scan3A_77 = arith.constant 40 : i32
    %broadcast_in_dim3A_78 = arith.constant 0 : i32
    %broadcast_in_dim3A_79 = vector.broadcast %broadcast_in_dim3A_78 : i32 to vector<16xi32>
    %get3A = arith.constant 0 : i32
    %get3A_80 = arith.index_cast %get3A : i32 to index
    %get3A_81 = arith.constant 0 : index
    %get3A_82 = tpu.vector_load %arg12[%get3A_80, %get3A_81] {strides = array<i32>} : memref<2x16xf32, #tpu.memory_space<vmem>>, vector<16xf32>,
    %gather3A = tpu.vector_load_idx %arg14[%broadcast_in_dim3A_79, %shift_right_arithmetic3A_10] : memref<2x4xf32, #tpu.memory_space<vmem>>[vector<16xi32>, vector<16xi32>], vector<16xf32>,
    %add3A_83 = arith.addf %gather3A, %get3A_82 : vector<16xf32>
    %reduce_max3A = arith.constant true
    %reduce_max3A_84 = vector.broadcast %reduce_max3A : i1 to vector<16xi1>
    %reduce_max3A_85 = tpu.scan <max>, %add3A_83 masked %reduce_max3A_84 : vector<16xf32>, vector<16xi1> -> vector<16xf32>
    %reduce_max3A_86 = vector.extract %reduce_max3A_85[15] : f32 from vector<16xf32>
    %eq3A = vector.broadcast %reduce_max3A_86 : f32 to vector<16xf32>
    %eq3A_87 = arith.cmpf oeq, %add3A_83, %eq3A : vector<16xf32>
    %select_n3A = arith.select %eq3A_87, %iota3A, %broadcast_in_dim3A_17 : vector<16xi1>, vector<16xi32>
    %reduce_min3A = arith.constant true
    %reduce_min3A_88 = vector.broadcast %reduce_min3A : i1 to vector<16xi1>
    %reduce_min3A_89 = arith.constant -2147483648 : i32
    %reduce_min3A_90 = vector.broadcast %reduce_min3A_89 : i32 to vector<16xi32>
    %reduce_min3A_91 = arith.xori %select_n3A, %reduce_min3A_90 : vector<16xi32>
    %reduce_min3A_92 = tpu.scan <min>, %reduce_min3A_91 masked %reduce_min3A_88 : vector<16xi32>, vector<16xi1> -> vector<16xi32>
    %reduce_min3A_93 = arith.xori %reduce_min3A_92, %reduce_min3A_90 : vector<16xi32>
    %reduce_min3A_94 = vector.extract %reduce_min3A_93[15] : i32 from vector<16xi32>
    %eq3A_95 = arith.constant 0 : i32
    %eq3A_96 = vector.broadcast %eq3A_95 : i32 to vector<16xi32>
    %eq3A_97 = arith.cmpi eq, %iota3A, %eq3A_96 : vector<16xi32>
    %broadcast_in_dim3A_98 = vector.broadcast %reduce_max3A_86 : f32 to vector<16xf32>
    %select_n3A_99 = arith.select %eq3A_97, %broadcast_in_dim3A_98, %broadcast_in_dim3A_13 : vector<16xi1>, vector<16xf32>
    %eq3A_100 = arith.constant 0 : i32
    %eq3A_101 = vector.broadcast %eq3A_100 : i32 to vector<16xi32>
    %eq3A_102 = arith.cmpi eq, %iota3A, %eq3A_101 : vector<16xi32>
    %broadcast_in_dim3A_103 = vector.broadcast %reduce_min3A_94 : i32 to vector<16xi32>
    %select_n3A_104 = arith.select %eq3A_102, %broadcast_in_dim3A_103, %broadcast_in_dim3A_15 : vector<16xi1>, vector<16xi32>
    %eq3A_105 = vector.broadcast %reduce_min3A_94 : i32 to vector<16xi32>
    %eq3A_106 = arith.cmpi eq, %iota3A, %eq3A_105 : vector<16xi32>
    %and3A_107 = arith.andi %eq3A_87, %eq3A_106 : vector<16xi1>
    %select_n3A_108 = arith.select %and3A_107, %broadcast_in_dim3A_13, %add3A_83 : vector<16xi1>, vector<16xf32>
    %reduce_max3A_109 = arith.constant true
    %reduce_max3A_110 = vector.broadcast %reduce_max3A_109 : i1 to vector<16xi1>
    %reduce_max3A_111 = tpu.scan <max>, %select_n3A_108 masked %reduce_max3A_110 : vector<16xf32>, vector<16xi1> -> vector<16xf32>
    %reduce_max3A_112 = vector.extract %reduce_max3A_111[15] : f32 from vector<16xf32>
    %eq3A_113 = vector.broadcast %reduce_max3A_112 : f32 to vector<16xf32>
    %eq3A_114 = arith.cmpf oeq, %select_n3A_108, %eq3A_113 : vector<16xf32>
    %select_n3A_115 = arith.select %eq3A_114, %iota3A, %broadcast_in_dim3A_17 : vector<16xi1>, vector<16xi32>
    %reduce_min3A_116 = arith.constant true
    %reduce_min3A_117 = vector.broadcast %reduce_min3A_116 : i1 to vector<16xi1>
    %reduce_min3A_118 = arith.constant -2147483648 : i32
    %reduce_min3A_119 = vector.broadcast %reduce_min3A_118 : i32 to vector<16xi32>
    %reduce_min3A_120 = arith.xori %select_n3A_115, %reduce_min3A_119 : vector<16xi32>
    %reduce_min3A_121 = tpu.scan <min>, %reduce_min3A_120 masked %reduce_min3A_117 : vector<16xi32>, vector<16xi1> -> vector<16xi32>
    %reduce_min3A_122 = arith.xori %reduce_min3A_121, %reduce_min3A_119 : vector<16xi32>
    %reduce_min3A_123 = vector.extract %reduce_min3A_122[15] : i32 from vector<16xi32>
    %eq3A_124 = arith.constant 1 : i32
    %eq3A_125 = vector.broadcast %eq3A_124 : i32 to vector<16xi32>
    %eq3A_126 = arith.cmpi eq, %iota3A, %eq3A_125 : vector<16xi32>
    %broadcast_in_dim3A_127 = vector.broadcast %reduce_max3A_112 : f32 to vector<16xf32>
    %select_n3A_128 = arith.select %eq3A_126, %broadcast_in_dim3A_127, %select_n3A_99 : vector<16xi1>, vector<16xf32>
    %eq3A_129 = arith.constant 1 : i32
    %eq3A_130 = vector.broadcast %eq3A_129 : i32 to vector<16xi32>
    %eq3A_131 = arith.cmpi eq, %iota3A, %eq3A_130 : vector<16xi32>
    %broadcast_in_dim3A_132 = vector.broadcast %reduce_min3A_123 : i32 to vector<16xi32>
    %select_n3A_133 = arith.select %eq3A_131, %broadcast_in_dim3A_132, %select_n3A_104 : vector<16xi1>, vector<16xi32>
    %eq3A_134 = vector.broadcast %reduce_min3A_123 : i32 to vector<16xi32>
    %eq3A_135 = arith.cmpi eq, %iota3A, %eq3A_134 : vector<16xi32>
    %and3A_136 = arith.andi %eq3A_114, %eq3A_135 : vector<16xi1>
    %select_n3A_137 = arith.select %and3A_136, %broadcast_in_dim3A_13, %select_n3A_108 : vector<16xi1>, vector<16xf32>
    %reduce_max3A_138 = arith.constant true
    %reduce_max3A_139 = vector.broadcast %reduce_max3A_138 : i1 to vector<16xi1>
    %reduce_max3A_140 = tpu.scan <max>, %select_n3A_137 masked %reduce_max3A_139 : vector<16xf32>, vector<16xi1> -> vector<16xf32>
    %reduce_max3A_141 = vector.extract %reduce_max3A_140[15] : f32 from vector<16xf32>
    %eq3A_142 = vector.broadcast %reduce_max3A_141 : f32 to vector<16xf32>
    %eq3A_143 = arith.cmpf oeq, %select_n3A_137, %eq3A_142 : vector<16xf32>
    %select_n3A_144 = arith.select %eq3A_143, %iota3A, %broadcast_in_dim3A_17 : vector<16xi1>, vector<16xi32>
    %reduce_min3A_145 = arith.constant true
    %reduce_min3A_146 = vector.broadcast %reduce_min3A_145 : i1 to vector<16xi1>
    %reduce_min3A_147 = arith.constant -2147483648 : i32
    %reduce_min3A_148 = vector.broadcast %reduce_min3A_147 : i32 to vector<16xi32>
    %reduce_min3A_149 = arith.xori %select_n3A_144, %reduce_min3A_148 : vector<16xi32>
    %reduce_min3A_150 = tpu.scan <min>, %reduce_min3A_149 masked %reduce_min3A_146 : vector<16xi32>, vector<16xi1> -> vector<16xi32>
    %reduce_min3A_151 = arith.xori %reduce_min3A_150, %reduce_min3A_148 : vector<16xi32>
    %reduce_min3A_152 = vector.extract %reduce_min3A_151[15] : i32 from vector<16xi32>
    %eq3A_153 = arith.constant 2 : i32
    %eq3A_154 = vector.broadcast %eq3A_153 : i32 to vector<16xi32>
    %eq3A_155 = arith.cmpi eq, %iota3A, %eq3A_154 : vector<16xi32>
    %broadcast_in_dim3A_156 = vector.broadcast %reduce_max3A_141 : f32 to vector<16xf32>
    %select_n3A_157 = arith.select %eq3A_155, %broadcast_in_dim3A_156, %select_n3A_128 : vector<16xi1>, vector<16xf32>
    %eq3A_158 = arith.constant 2 : i32
    %eq3A_159 = vector.broadcast %eq3A_158 : i32 to vector<16xi32>
    %eq3A_160 = arith.cmpi eq, %iota3A, %eq3A_159 : vector<16xi32>
    %broadcast_in_dim3A_161 = vector.broadcast %reduce_min3A_152 : i32 to vector<16xi32>
    %select_n3A_162 = arith.select %eq3A_160, %broadcast_in_dim3A_161, %select_n3A_133 : vector<16xi1>, vector<16xi32>
    %eq3A_163 = vector.broadcast %reduce_min3A_152 : i32 to vector<16xi32>
    %eq3A_164 = arith.cmpi eq, %iota3A, %eq3A_163 : vector<16xi32>
    %and3A_165 = arith.andi %eq3A_143, %eq3A_164 : vector<16xi1>
    %select_n3A_166 = arith.select %and3A_165, %broadcast_in_dim3A_13, %select_n3A_137 : vector<16xi1>, vector<16xf32>
    %reduce_max3A_167 = arith.constant true
    %reduce_max3A_168 = vector.broadcast %reduce_max3A_167 : i1 to vector<16xi1>
    %reduce_max3A_169 = tpu.scan <max>, %select_n3A_166 masked %reduce_max3A_168 : vector<16xf32>, vector<16xi1> -> vector<16xf32>
    %reduce_max3A_170 = vector.extract %reduce_max3A_169[15] : f32 from vector<16xf32>
    %eq3A_171 = vector.broadcast %reduce_max3A_170 : f32 to vector<16xf32>
    %eq3A_172 = arith.cmpf oeq, %select_n3A_166, %eq3A_171 : vector<16xf32>
    %select_n3A_173 = arith.select %eq3A_172, %iota3A, %broadcast_in_dim3A_17 : vector<16xi1>, vector<16xi32>
    %reduce_min3A_174 = arith.constant true
    %reduce_min3A_175 = vector.broadcast %reduce_min3A_174 : i1 to vector<16xi1>
    %reduce_min3A_176 = arith.constant -2147483648 : i32
    %reduce_min3A_177 = vector.broadcast %reduce_min3A_176 : i32 to vector<16xi32>
    %reduce_min3A_178 = arith.xori %select_n3A_173, %reduce_min3A_177 : vector<16xi32>
    %reduce_min3A_179 = tpu.scan <min>, %reduce_min3A_178 masked %reduce_min3A_175 : vector<16xi32>, vector<16xi1> -> vector<16xi32>
    %reduce_min3A_180 = arith.xori %reduce_min3A_179, %reduce_min3A_177 : vector<16xi32>
    %reduce_min3A_181 = vector.extract %reduce_min3A_180[15] : i32 from vector<16xi32>
    %eq3A_182 = arith.constant 3 : i32
    %eq3A_183 = vector.broadcast %eq3A_182 : i32 to vector<16xi32>
    %eq3A_184 = arith.cmpi eq, %iota3A, %eq3A_183 : vector<16xi32>
    %broadcast_in_dim3A_185 = vector.broadcast %reduce_max3A_170 : f32 to vector<16xf32>
    %select_n3A_186 = arith.select %eq3A_184, %broadcast_in_dim3A_185, %select_n3A_157 : vector<16xi1>, vector<16xf32>
    %eq3A_187 = arith.constant 3 : i32
    %eq3A_188 = vector.broadcast %eq3A_187 : i32 to vector<16xi32>
    %eq3A_189 = arith.cmpi eq, %iota3A, %eq3A_188 : vector<16xi32>
    %broadcast_in_dim3A_190 = vector.broadcast %reduce_min3A_181 : i32 to vector<16xi32>
    %select_n3A_191 = arith.select %eq3A_189, %broadcast_in_dim3A_190, %select_n3A_162 : vector<16xi1>, vector<16xi32>
    %eq3A_192 = vector.broadcast %reduce_min3A_181 : i32 to vector<16xi32>
    %eq3A_193 = arith.cmpi eq, %iota3A, %eq3A_192 : vector<16xi32>
    %and3A_194 = arith.andi %eq3A_172, %eq3A_193 : vector<16xi1>
    %select_n3A_195 = arith.select %and3A_194, %broadcast_in_dim3A_13, %select_n3A_166 : vector<16xi1>, vector<16xf32>
    %shift_right_arithmetic3A_196 = arith.constant 2 : i32
    %shift_right_arithmetic3A_197 = vector.broadcast %shift_right_arithmetic3A_196 : i32 to vector<16xi32>
    %shift_right_arithmetic3A_198 = arith.shrsi %select_n3A_191, %shift_right_arithmetic3A_197 : vector<16xi32>
    %and3A_199 = arith.constant 3 : i32
    %and3A_200 = vector.broadcast %and3A_199 : i32 to vector<16xi32>
    %and3A_201 = arith.andi %select_n3A_191, %and3A_200 : vector<16xi32>
    %gather3A_202 = tpu.vector_load_idx %arg13[%broadcast_in_dim3A_79, %select_n3A_191] : memref<2x16xi32, #tpu.memory_space<vmem>>[vector<16xi32>, vector<16xi32>], vector<16xi32>,
    tpu.vector_store_idx %arg15[%broadcast_in_dim3A_79, %and3A_8], %gather3A_202 masked %lt3A_12 : memref<2x4xi32, #tpu.memory_space<vmem>>[vector<16xi32>, vector<16xi32>], vector<16xi32>, vector<16xi1>
    tpu.vector_store_idx %arg16[%broadcast_in_dim3A_79, %and3A_8], %select_n3A_186 masked %lt3A_12 : memref<2x4xf32, #tpu.memory_space<vmem>>[vector<16xi32>, vector<16xi32>], vector<16xf32>, vector<16xi1>
    tpu.vector_store_idx %arg17[%broadcast_in_dim3A_79, %and3A_8], %shift_right_arithmetic3A_198 masked %lt3A_12 : memref<2x4xi32, #tpu.memory_space<vmem>>[vector<16xi32>, vector<16xi32>], vector<16xi32>, vector<16xi1>
    tpu.vector_store_idx %arg18[%broadcast_in_dim3A_79, %and3A_8], %and3A_201 masked %lt3A_12 : memref<2x4xi32, #tpu.memory_space<vmem>>[vector<16xi32>, vector<16xi32>], vector<16xi32>, vector<16xi1>
    %broadcast_in_dim3A_203 = arith.constant 1 : i32
    %broadcast_in_dim3A_204 = vector.broadcast %broadcast_in_dim3A_203 : i32 to vector<16xi32>
    %get3A_205 = arith.constant 1 : i32
    %get3A_206 = arith.index_cast %get3A_205 : i32 to index
    %get3A_207 = arith.constant 0 : index
    %get3A_208 = tpu.vector_load %arg12[%get3A_206, %get3A_207] {strides = array<i32>} : memref<2x16xf32, #tpu.memory_space<vmem>>, vector<16xf32>,
    %gather3A_209 = tpu.vector_load_idx %arg14[%broadcast_in_dim3A_204, %shift_right_arithmetic3A_10] : memref<2x4xf32, #tpu.memory_space<vmem>>[vector<16xi32>, vector<16xi32>], vector<16xf32>,
    %add3A_210 = arith.addf %gather3A_209, %get3A_208 : vector<16xf32>
    %reduce_max3A_211 = arith.constant true
    %reduce_max3A_212 = vector.broadcast %reduce_max3A_211 : i1 to vector<16xi1>
    %reduce_max3A_213 = tpu.scan <max>, %add3A_210 masked %reduce_max3A_212 : vector<16xf32>, vector<16xi1> -> vector<16xf32>
    %reduce_max3A_214 = vector.extract %reduce_max3A_213[15] : f32 from vector<16xf32>
    %eq3A_215 = vector.broadcast %reduce_max3A_214 : f32 to vector<16xf32>
    %eq3A_216 = arith.cmpf oeq, %add3A_210, %eq3A_215 : vector<16xf32>
    %select_n3A_217 = arith.select %eq3A_216, %iota3A, %broadcast_in_dim3A_17 : vector<16xi1>, vector<16xi32>
    %reduce_min3A_218 = arith.constant true
    %reduce_min3A_219 = vector.broadcast %reduce_min3A_218 : i1 to vector<16xi1>
    %reduce_min3A_220 = arith.constant -2147483648 : i32
    %reduce_min3A_221 = vector.broadcast %reduce_min3A_220 : i32 to vector<16xi32>
    %reduce_min3A_222 = arith.xori %select_n3A_217, %reduce_min3A_221 : vector<16xi32>
    %reduce_min3A_223 = tpu.scan <min>, %reduce_min3A_222 masked %reduce_min3A_219 : vector<16xi32>, vector<16xi1> -> vector<16xi32>
    %reduce_min3A_224 = arith.xori %reduce_min3A_223, %reduce_min3A_221 : vector<16xi32>
    %reduce_min3A_225 = vector.extract %reduce_min3A_224[15] : i32 from vector<16xi32>
    %eq3A_226 = arith.constant 0 : i32
    %eq3A_227 = vector.broadcast %eq3A_226 : i32 to vector<16xi32>
    %eq3A_228 = arith.cmpi eq, %iota3A, %eq3A_227 : vector<16xi32>
    %broadcast_in_dim3A_229 = vector.broadcast %reduce_max3A_214 : f32 to vector<16xf32>
    %select_n3A_230 = arith.select %eq3A_228, %broadcast_in_dim3A_229, %broadcast_in_dim3A_13 : vector<16xi1>, vector<16xf32>
    %eq3A_231 = arith.constant 0 : i32
    %eq3A_232 = vector.broadcast %eq3A_231 : i32 to vector<16xi32>
    %eq3A_233 = arith.cmpi eq, %iota3A, %eq3A_232 : vector<16xi32>
    %broadcast_in_dim3A_234 = vector.broadcast %reduce_min3A_225 : i32 to vector<16xi32>
    %select_n3A_235 = arith.select %eq3A_233, %broadcast_in_dim3A_234, %broadcast_in_dim3A_15 : vector<16xi1>, vector<16xi32>
    %eq3A_236 = vector.broadcast %reduce_min3A_225 : i32 to vector<16xi32>
    %eq3A_237 = arith.cmpi eq, %iota3A, %eq3A_236 : vector<16xi32>
    %and3A_238 = arith.andi %eq3A_216, %eq3A_237 : vector<16xi1>
    %select_n3A_239 = arith.select %and3A_238, %broadcast_in_dim3A_13, %add3A_210 : vector<16xi1>, vector<16xf32>
    %reduce_max3A_240 = arith.constant true
    %reduce_max3A_241 = vector.broadcast %reduce_max3A_240 : i1 to vector<16xi1>
    %reduce_max3A_242 = tpu.scan <max>, %select_n3A_239 masked %reduce_max3A_241 : vector<16xf32>, vector<16xi1> -> vector<16xf32>
    %reduce_max3A_243 = vector.extract %reduce_max3A_242[15] : f32 from vector<16xf32>
    %eq3A_244 = vector.broadcast %reduce_max3A_243 : f32 to vector<16xf32>
    %eq3A_245 = arith.cmpf oeq, %select_n3A_239, %eq3A_244 : vector<16xf32>
    %select_n3A_246 = arith.select %eq3A_245, %iota3A, %broadcast_in_dim3A_17 : vector<16xi1>, vector<16xi32>
    %reduce_min3A_247 = arith.constant true
    %reduce_min3A_248 = vector.broadcast %reduce_min3A_247 : i1 to vector<16xi1>
    %reduce_min3A_249 = arith.constant -2147483648 : i32
    %reduce_min3A_250 = vector.broadcast %reduce_min3A_249 : i32 to vector<16xi32>
    %reduce_min3A_251 = arith.xori %select_n3A_246, %reduce_min3A_250 : vector<16xi32>
    %reduce_min3A_252 = tpu.scan <min>, %reduce_min3A_251 masked %reduce_min3A_248 : vector<16xi32>, vector<16xi1> -> vector<16xi32>
    %reduce_min3A_253 = arith.xori %reduce_min3A_252, %reduce_min3A_250 : vector<16xi32>
    %reduce_min3A_254 = vector.extract %reduce_min3A_253[15] : i32 from vector<16xi32>
    %eq3A_255 = arith.constant 1 : i32
    %eq3A_256 = vector.broadcast %eq3A_255 : i32 to vector<16xi32>
    %eq3A_257 = arith.cmpi eq, %iota3A, %eq3A_256 : vector<16xi32>
    %broadcast_in_dim3A_258 = vector.broadcast %reduce_max3A_243 : f32 to vector<16xf32>
    %select_n3A_259 = arith.select %eq3A_257, %broadcast_in_dim3A_258, %select_n3A_230 : vector<16xi1>, vector<16xf32>
    %eq3A_260 = arith.constant 1 : i32
    %eq3A_261 = vector.broadcast %eq3A_260 : i32 to vector<16xi32>
    %eq3A_262 = arith.cmpi eq, %iota3A, %eq3A_261 : vector<16xi32>
    %broadcast_in_dim3A_263 = vector.broadcast %reduce_min3A_254 : i32 to vector<16xi32>
    %select_n3A_264 = arith.select %eq3A_262, %broadcast_in_dim3A_263, %select_n3A_235 : vector<16xi1>, vector<16xi32>
    %eq3A_265 = vector.broadcast %reduce_min3A_254 : i32 to vector<16xi32>
    %eq3A_266 = arith.cmpi eq, %iota3A, %eq3A_265 : vector<16xi32>
    %and3A_267 = arith.andi %eq3A_245, %eq3A_266 : vector<16xi1>
    %select_n3A_268 = arith.select %and3A_267, %broadcast_in_dim3A_13, %select_n3A_239 : vector<16xi1>, vector<16xf32>
    %reduce_max3A_269 = arith.constant true
    %reduce_max3A_270 = vector.broadcast %reduce_max3A_269 : i1 to vector<16xi1>
    %reduce_max3A_271 = tpu.scan <max>, %select_n3A_268 masked %reduce_max3A_270 : vector<16xf32>, vector<16xi1> -> vector<16xf32>
    %reduce_max3A_272 = vector.extract %reduce_max3A_271[15] : f32 from vector<16xf32>
    %eq3A_273 = vector.broadcast %reduce_max3A_272 : f32 to vector<16xf32>
    %eq3A_274 = arith.cmpf oeq, %select_n3A_268, %eq3A_273 : vector<16xf32>
    %select_n3A_275 = arith.select %eq3A_274, %iota3A, %broadcast_in_dim3A_17 : vector<16xi1>, vector<16xi32>
    %reduce_min3A_276 = arith.constant true
    %reduce_min3A_277 = vector.broadcast %reduce_min3A_276 : i1 to vector<16xi1>
    %reduce_min3A_278 = arith.constant -2147483648 : i32
    %reduce_min3A_279 = vector.broadcast %reduce_min3A_278 : i32 to vector<16xi32>
    %reduce_min3A_280 = arith.xori %select_n3A_275, %reduce_min3A_279 : vector<16xi32>
    %reduce_min3A_281 = tpu.scan <min>, %reduce_min3A_280 masked %reduce_min3A_277 : vector<16xi32>, vector<16xi1> -> vector<16xi32>
    %reduce_min3A_282 = arith.xori %reduce_min3A_281, %reduce_min3A_279 : vector<16xi32>
    %reduce_min3A_283 = vector.extract %reduce_min3A_282[15] : i32 from vector<16xi32>
    %eq3A_284 = arith.constant 2 : i32
    %eq3A_285 = vector.broadcast %eq3A_284 : i32 to vector<16xi32>
    %eq3A_286 = arith.cmpi eq, %iota3A, %eq3A_285 : vector<16xi32>
    %broadcast_in_dim3A_287 = vector.broadcast %reduce_max3A_272 : f32 to vector<16xf32>
    %select_n3A_288 = arith.select %eq3A_286, %broadcast_in_dim3A_287, %select_n3A_259 : vector<16xi1>, vector<16xf32>
    %eq3A_289 = arith.constant 2 : i32
    %eq3A_290 = vector.broadcast %eq3A_289 : i32 to vector<16xi32>
    %eq3A_291 = arith.cmpi eq, %iota3A, %eq3A_290 : vector<16xi32>
    %broadcast_in_dim3A_292 = vector.broadcast %reduce_min3A_283 : i32 to vector<16xi32>
    %select_n3A_293 = arith.select %eq3A_291, %broadcast_in_dim3A_292, %select_n3A_264 : vector<16xi1>, vector<16xi32>
    %eq3A_294 = vector.broadcast %reduce_min3A_283 : i32 to vector<16xi32>
    %eq3A_295 = arith.cmpi eq, %iota3A, %eq3A_294 : vector<16xi32>
    %and3A_296 = arith.andi %eq3A_274, %eq3A_295 : vector<16xi1>
    %select_n3A_297 = arith.select %and3A_296, %broadcast_in_dim3A_13, %select_n3A_268 : vector<16xi1>, vector<16xf32>
    %reduce_max3A_298 = arith.constant true
    %reduce_max3A_299 = vector.broadcast %reduce_max3A_298 : i1 to vector<16xi1>
    %reduce_max3A_300 = tpu.scan <max>, %select_n3A_297 masked %reduce_max3A_299 : vector<16xf32>, vector<16xi1> -> vector<16xf32>
    %reduce_max3A_301 = vector.extract %reduce_max3A_300[15] : f32 from vector<16xf32>
    %eq3A_302 = vector.broadcast %reduce_max3A_301 : f32 to vector<16xf32>
    %eq3A_303 = arith.cmpf oeq, %select_n3A_297, %eq3A_302 : vector<16xf32>
    %select_n3A_304 = arith.select %eq3A_303, %iota3A, %broadcast_in_dim3A_17 : vector<16xi1>, vector<16xi32>
    %reduce_min3A_305 = arith.constant true
    %reduce_min3A_306 = vector.broadcast %reduce_min3A_305 : i1 to vector<16xi1>
    %reduce_min3A_307 = arith.constant -2147483648 : i32
    %reduce_min3A_308 = vector.broadcast %reduce_min3A_307 : i32 to vector<16xi32>
    %reduce_min3A_309 = arith.xori %select_n3A_304, %reduce_min3A_308 : vector<16xi32>
    %reduce_min3A_310 = tpu.scan <min>, %reduce_min3A_309 masked %reduce_min3A_306 : vector<16xi32>, vector<16xi1> -> vector<16xi32>
    %reduce_min3A_311 = arith.xori %reduce_min3A_310, %reduce_min3A_308 : vector<16xi32>
    %reduce_min3A_312 = vector.extract %reduce_min3A_311[15] : i32 from vector<16xi32>
    %eq3A_313 = arith.constant 3 : i32
    %eq3A_314 = vector.broadcast %eq3A_313 : i32 to vector<16xi32>
    %eq3A_315 = arith.cmpi eq, %iota3A, %eq3A_314 : vector<16xi32>
    %broadcast_in_dim3A_316 = vector.broadcast %reduce_max3A_301 : f32 to vector<16xf32>
    %select_n3A_317 = arith.select %eq3A_315, %broadcast_in_dim3A_316, %select_n3A_288 : vector<16xi1>, vector<16xf32>
    %eq3A_318 = arith.constant 3 : i32
    %eq3A_319 = vector.broadcast %eq3A_318 : i32 to vector<16xi32>
    %eq3A_320 = arith.cmpi eq, %iota3A, %eq3A_319 : vector<16xi32>
    %broadcast_in_dim3A_321 = vector.broadcast %reduce_min3A_312 : i32 to vector<16xi32>
    %select_n3A_322 = arith.select %eq3A_320, %broadcast_in_dim3A_321, %select_n3A_293 : vector<16xi1>, vector<16xi32>
    %eq3A_323 = vector.broadcast %reduce_min3A_312 : i32 to vector<16xi32>
    %eq3A_324 = arith.cmpi eq, %iota3A, %eq3A_323 : vector<16xi32>
    %and3A_325 = arith.andi %eq3A_303, %eq3A_324 : vector<16xi1>
    %select_n3A_326 = arith.select %and3A_325, %broadcast_in_dim3A_13, %select_n3A_297 : vector<16xi1>, vector<16xf32>
    %shift_right_arithmetic3A_327 = arith.constant 2 : i32
    %shift_right_arithmetic3A_328 = vector.broadcast %shift_right_arithmetic3A_327 : i32 to vector<16xi32>
    %shift_right_arithmetic3A_329 = arith.shrsi %select_n3A_322, %shift_right_arithmetic3A_328 : vector<16xi32>
    %and3A_330 = arith.constant 3 : i32
    %and3A_331 = vector.broadcast %and3A_330 : i32 to vector<16xi32>
    %and3A_332 = arith.andi %select_n3A_322, %and3A_331 : vector<16xi32>
    %gather3A_333 = tpu.vector_load_idx %arg13[%broadcast_in_dim3A_204, %select_n3A_322] : memref<2x16xi32, #tpu.memory_space<vmem>>[vector<16xi32>, vector<16xi32>], vector<16xi32>,
    tpu.vector_store_idx %arg15[%broadcast_in_dim3A_204, %and3A_8], %gather3A_333 masked %lt3A_12 : memref<2x4xi32, #tpu.memory_space<vmem>>[vector<16xi32>, vector<16xi32>], vector<16xi32>, vector<16xi1>
    tpu.vector_store_idx %arg16[%broadcast_in_dim3A_204, %and3A_8], %select_n3A_317 masked %lt3A_12 : memref<2x4xf32, #tpu.memory_space<vmem>>[vector<16xi32>, vector<16xi32>], vector<16xf32>, vector<16xi1>
    tpu.vector_store_idx %arg17[%broadcast_in_dim3A_204, %and3A_8], %shift_right_arithmetic3A_329 masked %lt3A_12 : memref<2x4xi32, #tpu.memory_space<vmem>>[vector<16xi32>, vector<16xi32>], vector<16xi32>, vector<16xi1>
    tpu.vector_store_idx %arg18[%broadcast_in_dim3A_204, %and3A_8], %and3A_332 masked %lt3A_12 : memref<2x4xi32, #tpu.memory_space<vmem>>[vector<16xi32>, vector<16xi32>], vector<16xi32>, vector<16xi1>
    "tpu.region"() ({
      %run_scoped3A = tpu.sem_alloc : memref<!tpu.dma_semaphore, #tpu.memory_space<semaphore_mem>>
      %dma_start3A_334 = arith.constant 0 : i32
      %dma_start3A_335 = tpu.memref_slice %arg4[%mul3A_6, %dma_start3A_334] : memref<64x4xi32, #tpu.memory_space<hbm>> -> memref<2x4xi32, #tpu.memory_space<hbm>>
      %dma_start3A_336 = arith.constant 0 : i32
      %dma_start3A_337 = tpu.memref_slice %arg4[%mul3A_6, %dma_start3A_336] : memref<64x4xi32, #tpu.memory_space<hbm>> -> memref<2x4xi32, #tpu.memory_space<hbm>>
      tpu.enqueue_dma source(%arg15 : memref<2x4xi32, #tpu.memory_space<vmem>>) target(%dma_start3A_337 : memref<2x4xi32, #tpu.memory_space<hbm>>) target_semaphore(%run_scoped3A : memref<!tpu.dma_semaphore, #tpu.memory_space<semaphore_mem>>)
      %dma_wait3A = arith.constant 0 : i32
      %dma_wait3A_338 = tpu.memref_slice %arg4[%mul3A_6, %dma_wait3A] : memref<64x4xi32, #tpu.memory_space<hbm>> -> memref<2x4xi32, #tpu.memory_space<hbm>>
      %dma_wait3A_339 = arith.constant 0 : i32
      %dma_wait3A_340 = tpu.memref_slice %arg4[%mul3A_6, %dma_wait3A_339] : memref<64x4xi32, #tpu.memory_space<hbm>> -> memref<2x4xi32, #tpu.memory_space<hbm>>
      tpu.wait_dma2 semaphore(%run_scoped3A : memref<!tpu.dma_semaphore, #tpu.memory_space<semaphore_mem>>) src(%arg15 : memref<2x4xi32, #tpu.memory_space<vmem>>) dst(%dma_wait3A_340 : memref<2x4xi32, #tpu.memory_space<hbm>>)
      tpu.yield
    }) : () -> ()
    "tpu.region"() ({
      %run_scoped3A = tpu.sem_alloc : memref<!tpu.dma_semaphore, #tpu.memory_space<semaphore_mem>>
      %dma_start3A_334 = arith.constant 0 : i32
      %dma_start3A_335 = tpu.memref_slice %arg5[%mul3A_6, %dma_start3A_334] : memref<64x4xf32, #tpu.memory_space<hbm>> -> memref<2x4xf32, #tpu.memory_space<hbm>>
      %dma_start3A_336 = arith.constant 0 : i32
      %dma_start3A_337 = tpu.memref_slice %arg5[%mul3A_6, %dma_start3A_336] : memref<64x4xf32, #tpu.memory_space<hbm>> -> memref<2x4xf32, #tpu.memory_space<hbm>>
      tpu.enqueue_dma source(%arg16 : memref<2x4xf32, #tpu.memory_space<vmem>>) target(%dma_start3A_337 : memref<2x4xf32, #tpu.memory_space<hbm>>) target_semaphore(%run_scoped3A : memref<!tpu.dma_semaphore, #tpu.memory_space<semaphore_mem>>)
      %dma_wait3A = arith.constant 0 : i32
      %dma_wait3A_338 = tpu.memref_slice %arg5[%mul3A_6, %dma_wait3A] : memref<64x4xf32, #tpu.memory_space<hbm>> -> memref<2x4xf32, #tpu.memory_space<hbm>>
      %dma_wait3A_339 = arith.constant 0 : i32
      %dma_wait3A_340 = tpu.memref_slice %arg5[%mul3A_6, %dma_wait3A_339] : memref<64x4xf32, #tpu.memory_space<hbm>> -> memref<2x4xf32, #tpu.memory_space<hbm>>
      tpu.wait_dma2 semaphore(%run_scoped3A : memref<!tpu.dma_semaphore, #tpu.memory_space<semaphore_mem>>) src(%arg16 : memref<2x4xf32, #tpu.memory_space<vmem>>) dst(%dma_wait3A_340 : memref<2x4xf32, #tpu.memory_space<hbm>>)
      tpu.yield
    }) : () -> ()
    "tpu.region"() ({
      %run_scoped3A = tpu.sem_alloc : memref<!tpu.dma_semaphore, #tpu.memory_space<semaphore_mem>>
      %dma_start3A_334 = arith.constant 0 : i32
      %dma_start3A_335 = tpu.memref_slice %arg6[%mul3A_6, %dma_start3A_334] : memref<64x4xi32, #tpu.memory_space<hbm>> -> memref<2x4xi32, #tpu.memory_space<hbm>>
      %dma_start3A_336 = arith.constant 0 : i32
      %dma_start3A_337 = tpu.memref_slice %arg6[%mul3A_6, %dma_start3A_336] : memref<64x4xi32, #tpu.memory_space<hbm>> -> memref<2x4xi32, #tpu.memory_space<hbm>>
      tpu.enqueue_dma source(%arg17 : memref<2x4xi32, #tpu.memory_space<vmem>>) target(%dma_start3A_337 : memref<2x4xi32, #tpu.memory_space<hbm>>) target_semaphore(%run_scoped3A : memref<!tpu.dma_semaphore, #tpu.memory_space<semaphore_mem>>)
      %dma_wait3A = arith.constant 0 : i32
      %dma_wait3A_338 = tpu.memref_slice %arg6[%mul3A_6, %dma_wait3A] : memref<64x4xi32, #tpu.memory_space<hbm>> -> memref<2x4xi32, #tpu.memory_space<hbm>>
      %dma_wait3A_339 = arith.constant 0 : i32
      %dma_wait3A_340 = tpu.memref_slice %arg6[%mul3A_6, %dma_wait3A_339] : memref<64x4xi32, #tpu.memory_space<hbm>> -> memref<2x4xi32, #tpu.memory_space<hbm>>
      tpu.wait_dma2 semaphore(%run_scoped3A : memref<!tpu.dma_semaphore, #tpu.memory_space<semaphore_mem>>) src(%arg17 : memref<2x4xi32, #tpu.memory_space<vmem>>) dst(%dma_wait3A_340 : memref<2x4xi32, #tpu.memory_space<hbm>>)
      tpu.yield
    }) : () -> ()
    "tpu.region"() ({
      %run_scoped3A = tpu.sem_alloc : memref<!tpu.dma_semaphore, #tpu.memory_space<semaphore_mem>>
      %dma_start3A_334 = arith.constant 0 : i32
      %dma_start3A_335 = tpu.memref_slice %arg7[%mul3A_6, %dma_start3A_334] : memref<64x4xi32, #tpu.memory_space<hbm>> -> memref<2x4xi32, #tpu.memory_space<hbm>>
      %dma_start3A_336 = arith.constant 0 : i32
      %dma_start3A_337 = tpu.memref_slice %arg7[%mul3A_6, %dma_start3A_336] : memref<64x4xi32, #tpu.memory_space<hbm>> -> memref<2x4xi32, #tpu.memory_space<hbm>>
      tpu.enqueue_dma source(%arg18 : memref<2x4xi32, #tpu.memory_space<vmem>>) target(%dma_start3A_337 : memref<2x4xi32, #tpu.memory_space<hbm>>) target_semaphore(%run_scoped3A : memref<!tpu.dma_semaphore, #tpu.memory_space<semaphore_mem>>)
      %dma_wait3A = arith.constant 0 : i32
      %dma_wait3A_338 = tpu.memref_slice %arg7[%mul3A_6, %dma_wait3A] : memref<64x4xi32, #tpu.memory_space<hbm>> -> memref<2x4xi32, #tpu.memory_space<hbm>>
      %dma_wait3A_339 = arith.constant 0 : i32
      %dma_wait3A_340 = tpu.memref_slice %arg7[%mul3A_6, %dma_wait3A_339] : memref<64x4xi32, #tpu.memory_space<hbm>> -> memref<2x4xi32, #tpu.memory_space<hbm>>
      tpu.wait_dma2 semaphore(%run_scoped3A : memref<!tpu.dma_semaphore, #tpu.memory_space<semaphore_mem>>) src(%arg18 : memref<2x4xi32, #tpu.memory_space<vmem>>) dst(%dma_wait3A_340 : memref<2x4xi32, #tpu.memory_space<hbm>>)
      tpu.yield
    }) : () -> ()
    return
  }
}

</mosaic_0001>

<sc_bundles>
// kernel: kernel.3.cloned.1.call-start
scs
__scs_entry_jumppad:
0x0: {  	(pc) =	sbr.rel $0x88, $3  }
0x1: {  	(tag) =	ssettag $0x0;
	lr =	simm.s32 $0x1  }
0x2: {  	[smem:$0x3F9F] =	sst lr;
	_ =	strace $0xD0000000  }
0x3: {  	_ = 	snop  }
0x4: {  	_ = 	snop  }
0x5: {  	_ = 	snop  }
0x6: {  	_ = 	snop  }
0x7: {  	_ = 	snop  }
__scs_overlays_trampoline_lowered:
0x8: {  	[smem:$0x3FAE] =	sst s0  }
0x9: {  	[smem:$0x3FAF] =	sst s1  }
0xa: {  	[smem:$0x3FB0] =	sst s2  }
0xb: {  	[smem:$0x3FB1] =	sst s3  }
0xc: {  	[smem:$0x3FB2] =	sst s4  }
0xd: {  	[smem:$0x3FB3] =	sst s5  }
0xe: {  	[smem:$0x3FB4] =	sst s6  }
0xf: {  	[smem:$0x3FB5] =	sst s7  }
0x10: {  	[smem:$0x3FB6] =	sst s8  }
0x11: {  	[smem:$0x3FB7] =	sst s9;
	s0 =	simm.s32 @!p0 $0x0  }
0x12: {  	s1 =	sld [smem:$0x3F9D];
	s0 =	simm.s32 @p0 $0x1  }
0x13: {  	[smem:$0x3FB8] =	sst s0;
	s0 =	simm.s32 @!p1 $0x0  }
0x14: {  	s2 =	sld [smem:$0x3F9C];
	s0 =	simm.s32 @p1 $0x1  }
0x15: {  	[smem:$0x3FB9] =	sst s0;
	s0 =	simm.s32 @!p2 $0x0  }
0x16: {  	s3 =	sld [smem:$0x3FDB];
	s0 =	simm.s32 @p2 $0x1  }
0x17: {  	s4 =	simm.s32 $0x1BF5;
	[smem:$0x3FBB] =	sst s0  }
0x18: {  	s0 =	sld [smem:$0x3F9E];
	_ =	swait.ge [sflag:s4], $0x0  }
0x19: {  	s7 =	sld [smem:$0x3F9F]  }
0x1a: {  	s8 =	sadd.s32 $0xFFFFE003, lr  }
0x1b: {  	s9 =	sadd.s32 $0xFFFFFEF7, lr;
	s5 =	simm.s32 $0xFFFFFFFF;
	p2 =	slt.u32 s8, $0xFFFFF086  }
0x1c: {  	p1 =	slt.u32 s9, $0xF7A;
	s5 =	simm.s32 @!p2 $0x0  }
0x1d: {  	s5 =	simm.s32 @p1 $0x1;
	p0 =	seq.s32 s7, s2  }
0x1e: {  	s7 =	smul.u32 @!p0 $0xF7A, s2;
	p2 =	seq.s32 @!p0 s5, $0x0  }
0x1f: {  	s9 =	smul.u32 $0xF7A, s1;
	s8 =	simm.s32 @!p0 $0x1BF5;
	p2 =	por !p2, p0  }
0x20: {  	[sflag:s8] =	ssyncset.s32 @!p0 $0xFFFFF086;
	s6 =	sadd.s32 @!p0 s3, s7;
	s7 =	simm.s32 @!p0 $0x108  }
0x21: {  	s3 =	sadd.s32 s3, s9;
	s6 =	sadd.s32 @!p0 $0x88, s6;
	s7 =	simm.s32 @p2 $0x1082  }
0x22: {  	[simem:s7], [sflag:s8] =	dma.local @!p0 [hbm:s6], $0xF7A  }
0x23: {  	s9 =	sor.u32 $0xD0000000, s2;
	s6 =	simm.s32 $0x108;
	_ =	swait.ge @!p0 [sflag:s8], $0x0  }
0x24: {  	s3 =	sadd.s32 $0x88, s3;
	s6 =	simm.s32 @!p1 $0x1082;
	[sflag:s4] =	ssyncset.s32 $0xFFFFF086  }
0x25: {  	[simem:s6], [sflag:s4] =	dma.local [hbm:s3], $0xF7A  }
0x26: {  	[smem:$0x3F9F] =	sst s1;
	(tag) =	ssettag s2;
	_ =	strace s9  }
0x27: {  	s1 =	sld [smem:$0x3FAF]  }
0x28: {  	s2 =	sld [smem:$0x3FB0]  }
0x29: {  	s4 =	sld [smem:$0x3FB2]  }
0x2a: {  	p0 =	seq.s32 s5, $0x0;
	s5 =	sld [smem:$0x3FB3]  }
0x2b: {  	s6 =	sld [smem:$0x3FB4]  }
0x2c: {  	s7 =	sld [smem:$0x3FB5]  }
0x2d: {  	s3 =	simm.s32 $0x108;
	s8 =	sld [smem:$0x3FB6]  }
0x2e: {  	s3 =	simm.s32 @!p0 $0x1082;
	s9 =	sld [smem:$0x3FB7]  }
0x2f: {  	lr =	sadd.s32 s0, s3;
	s0 =	sld [smem:$0x3FAE]  }
0x30: {  	s3 =	sld [smem:$0x3FB1]  }
0x31: {  	[smem:$0x3FBA] =	sst s10  }
0x32: {  	s10 =	sld [smem:$0x3FB8];
	_ =	sdelay $0x3  }
0x33: {  	p0 =	seq.s32 s10, $0x1;
	s10 =	sld [smem:$0x3FBA];
	_ =	sdelay $0x3  }
0x34: {  	[smem:$0x3FBA] =	sst s10  }
0x35: {  	s10 =	sld [smem:$0x3FB9];
	_ =	sdelay $0x3  }
0x36: {  	p1 =	seq.s32 s10, $0x1;
	s10 =	sld [smem:$0x3FBA];
	_ =	sdelay $0x3  }
0x37: {  	[smem:$0x3FBA] =	sst s10  }
0x38: {  	s10 =	sld [smem:$0x3FBB]  }
0x39: {  	_ = 	snop;
	(pc) =	sbr.ind lr, $3  }
0x3a: {  	_ = 	snop  }
0x3b: {  	_ = 	snop  }
0x3c: {  	p2 =	seq.s32 s10, $0x1;
	s10 =	sld [smem:$0x3FBA]  }
0x3d: {  	_ =	shalt  }
0x3e: {  	_ =	shalt  }
0x3f: {  	_ =	shalt  }
0x40: {  	_ =	shalt  }
0x41: {  	_ =	shalt  }
0x42: {  	_ =	shalt  }
0x43: {  	_ =	shalt  }
0x44: {  	_ =	shalt  }
0x45: {  	_ =	shalt  }
0x46: {  	_ =	shalt  }
0x47: {  	_ =	shalt  }
0x48: {  	_ =	shalt  }
0x49: {  	_ =	shalt  }
0x4a: {  	_ =	shalt  }
0x4b: {  	_ =	shalt  }
0x4c: {  	_ =	shalt  }
0x4d: {  	_ =	shalt  }
0x4e: {  	_ =	shalt  }
0x4f: {  	_ =	shalt  }
0x50: {  	_ =	shalt  }
0x51: {  	_ =	shalt  }
0x52: {  	_ =	shalt  }
0x53: {  	_ =	shalt  }
0x54: {  	_ =	shalt  }
0x55: {  	_ =	shalt  }
0x56: {  	_ =	shalt  }
0x57: {  	_ =	shalt  }
0x58: {  	_ =	shalt  }
0x59: {  	_ =	shalt  }
0x5a: {  	_ =	shalt  }
0x5b: {  	_ =	shalt  }
0x5c: {  	_ =	shalt  }
0x5d: {  	_ =	shalt  }
0x5e: {  	_ =	shalt  }
0x5f: {  	_ =	shalt  }
0x60: {  	_ =	shalt  }
0x61: {  	_ =	shalt  }
0x62: {  	_ =	shalt  }
0x63: {  	_ =	shalt  }
0x64: {  	_ =	shalt  }
0x65: {  	_ =	shalt  }
0x66: {  	_ =	shalt  }
0x67: {  	_ =	shalt  }
0x68: {  	_ =	shalt  }
0x69: {  	_ =	shalt  }
0x6a: {  	_ =	shalt  }
0x6b: {  	_ =	shalt  }
0x6c: {  	_ =	shalt  }
0x6d: {  	_ =	shalt  }
0x6e: {  	_ =	shalt  }
0x6f: {  	_ =	shalt  }
0x70: {  	_ =	shalt  }
0x71: {  	_ =	shalt  }
0x72: {  	_ =	shalt  }
0x73: {  	_ =	shalt  }
0x74: {  	_ =	shalt  }
0x75: {  	_ =	shalt  }
0x76: {  	_ =	shalt  }
0x77: {  	_ =	shalt  }
0x78: {  	_ =	shalt  }
0x79: {  	_ =	shalt  }
0x7a: {  	_ =	shalt  }
0x7b: {  	_ =	shalt  }
0x7c: {  	_ =	shalt  }
0x7d: {  	_ =	shalt  }
0x7e: {  	_ =	shalt  }
0x7f: {  	_ =	shalt  }
0x80: {  	_ =	shalt  }
0x81: {  	_ =	shalt  }
0x82: {  	_ =	shalt  }
0x83: {  	_ =	shalt  }
0x84: {  	_ =	shalt  }
0x85: {  	_ =	shalt  }
0x86: {  	_ =	shalt  }
0x87: {  	_ =	shalt  }
.Lfunc_end0:
.L_simem_size_0:
called_computation_lowered:
.L_overlay_start_0:
0x88: {  	s2 =	sld [smem:$0x3FD9]  }
0x89: {  	s3 =	sld [smem:$0x3FFE];
	_ =	sdelay $0x1  }
0x8a: {  	s1 =	srdreg.scid  }
0x8b: {  	s0 =	sand.u32 $0x1, s1  }
0x8c: {  	s14 =	sshll.u32 s0, $0xA;
	s2 =	sadd.s32 s3, s2  }
0x8d: {  	s2 =	sadd.s32 s2, s14  }
0x8e: {  	[smem:$0x3FC6] =	sst s2  }
0x8f: {  	_ = 	snop  }
0x90: {  	s2 =	sld [smem:$0x3FD0];
	_ =	sdelay $0x2  }
0x91: {  	s15 =	simm.s32 $0xA;
	s4 =	simm.s32 $0x10  }
0x92: {  	[smem:s4], [sflag:s15] =	dma.local [hbm:s2], $0x1  }
0x93: {  	_ =	swait.eq [sflag:s15], $0x1  }
0x94: {  	s16 =	sld [smem:$0x11];
	[sflag:s15] =	ssyncset.done $0x0  }
0x95: {  	s17 =	sld [smem:$0x12];
	[sflag:s15] =	ssyncadd.s32 $0xFFFFFFFF  }
0x96: {  	s18 =	sld [smem:$0x13];
	(tm) =	ssettm $0x1  }
0x97: {  	s5 =	sld [smem:$0x3FFB];
	_ =	sdelay $0x3  }
0x98: {  	_ =	strace s5  }
0x99: {  	s5 =	sld [smem:$0x3FFC];
	_ =	sdelay $0x3  }
0x9a: {  	_ =	strace s5  }
0x9b: {  	s5 =	sld [smem:$0x3FFD];
	_ =	sdelay $0x3  }
0x9c: {  	_ =	strace s5  }
0x9d: {  	_ =	strace $0x8FFFFFFF  }
0x9e: {  	s19 =	sld [smem:$0x3FDB];
	_ =	sdelay $0x1  }
0x9f: {  	s6 =	simm.s32 $_scs_section_size  }
0xa0: {  	s7 =	simm.s32 $_size__tile_overlayer_lowered;
	s8 =	simm.s32 $_tile_overlayer_lowered  }
0xa1: {  	s22 =	simm.s32 $0x1BFF;
	s21 =	sshll.u32 s8, $0x1;
	s5 =	sadd.s32 s6, s19  }
0xa2: {  	s9 =	simm.s32 $0x0;
	s20 =	sshll.u32 s7, $0x1;
	s7 =	sadd.s32 s21, s5  }
0xa3: {  	[timem:s9], [sflag:s22] =	dma.local [hbm:s7], s20  }
0xa4: {  	_ =	swait.ge [sflag:s22], s20  }
0xa5: {  	s6 =	ssub.s32 $0x0, s20;
	[sflag:s22] =	ssyncset.done $0x0  }
0xa6: {  	[sflag:s22] =	ssyncadd.s32 s6;
	_ =	sdelay $0x1  }
0xa7: {  	s23 =	simm.s32 $0x1B8B  }
0xa8: {  	_ =	swait.ge [sflag:s23], $0x1  }
0xa9: {  	[sflag:s23] =	ssyncset.done $0x0  }
0xaa: {  	s25 =	simm.s32 $0x1B8E;
	s24 =	sld [smem:$0x3FFE];
	[sflag:s23] =	ssyncadd.s32 $0xFFFFFFFF  }
0xab: {  	s26 =	simm.s32 $execute0_lowered;
	[smem:$0x3FD2] =	sst s25  }
0xac: {  	s7 =	sshll.u32 s26, $0x1;
	_ =	strace $0x80000046;
	[dreg:$0x1] =	wrdreg $0xFFFFFFFF  }
0xad: {  	s28 =	simm.s32 $_size_execute0_lowered;
	s5 =	sadd.s32 s5, s7;
	[dreg:$0x0] =	wrdreg $0x0  }
0xae: {  	s7 =	sshll.u32 s28, $0x1;
	[dreg:$0x2] =	wrdreg s5  }
0xaf: {  	[dreg:$0x3] =	wrdreg s7  }
0xb0: {  	[dreg:$0x4] =	wrdreg $0xC0  }
0xb1: {  	_ =	task [dreg:s9], $0x5FFFF  }
0xb2: {  	[dreg:$0x1] =	wrdreg $0xFFFFFFFF  }
0xb3: {  	[dreg:$0x0] =	wrdreg $0x60  }
0xb4: {  	[dreg:$0x2] =	wrdreg s24  }
0xb5: {  	[dreg:$0x3] =	wrdreg s18  }
0xb6: {  	[dreg:$0x4] =	wrdreg s17  }
0xb7: {  	[dreg:$0x5] =	wrdreg s16  }
0xb8: {  	[dreg:$0x6] =	wrdreg $0x9  }
0xb9: {  	_ =	task.clear_ibuf [dreg:s9], $0x7FFFF;
	_ =	strace $0x90000046  }
0xba: {  	s29 =	simm.s32 $0x9;
	_ =	strace $0x80000048  }
0xbb: {  	_ =	swait.ge [sflag:s29], $0x1  }
0xbc: {  	[sflag:s29] =	ssyncadd.s32 $0xFFFFFFFF  }
0xbd: {  	_ =	strace $0x90000048  }
0xbe: {  	_ =	sfence  }
0xbf: {  	s30 =	sld [smem:$0x0];
	_ =	sdelay $0x2  }
0xc0: {  	s31 =	sshll.u32 s1, $0xD;
	s1 =	sshrl.u32 s1, $0x2  }
0xc1: {  	s3 =	sand.u32 $0x4000, s31;
	s1 =	sadd.s32 s1, s30  }
0xc2: {  	s0 =	sor.u32 s3, s0;
	s1 =	sshll.u32 s1, $0x11  }
0xc3: {  	s0 =	sor.u32 s1, s0  }
0xc4: {  	s0 =	sadd.s32 $0x8F2B, s0  }
0xc5: {  	[sflag:s0] =	ssyncadd.remote.s32 $0x1  }
0xc6: {  	_ =	sfence.sel $0xFFFF  }
0xc7: {  	[dreg:$0x0] =	wrdreg $0xFFFFFFFF;
	(pc) =	sbr.abs _section_cstart, $3  }
0xc8: {  	[dreg:$0x1] =	wrdreg $0xFFFFFFFF  }
0xc9: {  	_ =	task.clear_ibuf [dreg:s9], $0x2FFFF;
	_ =	strace $0x9FFFFFFF  }
0xca: {  	(tm) =	ssettm $0x7FFFFFFF  }
0xcb: {  	_ =	shalt  }
tec
execute0_lowered:
.L_overlay_start_1:
0x0: {  	(tag) =	ssettag $0x1  }
0x1: {  	s0 =	rddreg [dreg:$0x0]  }
0x2: {  	s1 =	rddreg [dreg:$0x1]  }
0x3: {  	s5 =	rddreg [dreg:$0x2]  }
0x4: {  	s7 =	rddreg [dreg:$0x3]  }
0x5: {  	s3 =	srdreg.scid;
	s4 =	stileid.u32;
	s2 =	simm.s32 $0x0  }
0x6: {  	s14 =	simm.s32 $0x13950;
	s15 =	simm.s32 $0x5;
	s18 =	simm.s32 $0x13900  }
0x7: {  	s19 =	simm.s32 $0x13880;
	s20 =	simm.s32 $0x138C0;
	s21 =	simm.s32 $0x13910  }
0x8: {  	s22 =	simm.s32 $0x13930;
	s23 =	simm.s32 $0x13960;
	s28 =	simm.s32 $0x0  }
0x9: {  	s3 =	sand.u32 $0x1, s3;
	s4 =	sshll.u32 s4, $0x1;
	[smem:$0x7FF] =	sst s2  }
0xa: {  	s4 =	sor.u32 s3, s4;
	_ =	strace $0x80000047;
	s6 =	ssub.s32 $0x2, s3  }
0xb: {  	s3 =	sadd.s32 $0x800, s0;
	s8 =	smul.u32 $0xC3500, s4;
	s10 =	sshll.u32 s4, $0x1  }
0xc: {  	s9 =	sshrl.u32 s6, $0x1;
	s4 =	sshll.u32 s4, $0x3;
	s1 =	sadd.s32 s1, s10  }
0xd: {  	s0 =	sadd.s32 s10, s0;
	s29 =	sadd.s32 s5, s10;
	[dreg:$0x5] =	wrdreg s1  }
0xe: {  	s13 =	ssub.s32 s6, s9;
	s30 =	sadd.s32 s7, s10;
	[dreg:$0x8] =	wrdreg s29  }
.Ltmp0:
0xf: {  	s24 =	sshrl.u32 s8, $0x3;
	[dreg:$0x9] =	wrdreg s30;
	(pc) =	sbr.rel .LBB2_1-.Ltmp0, $4  }
0x10: {  	s31 =	sadd.s32 $0x30DC00, s0;
	s12 =	sadd.s32 $0x30DE00, s0;
	s6 =	sadd.s32 s3, s24  }
0x11: {  	v0 =	vimm.f32 $0.0e+00;
	v1 =	vlaneseq.u32;
	vm0 =	vcmask $0x300;
	s13 =	smax.u32 s13, $0x1;
	[dreg:$0xa] =	wrdreg s31;
	s25 =	sadd.s32 $0x9C4, s6  }
0x12: {  	vm1 =	vcmask $0x704;
	vm2 =	vcmask $0xB08;
	vm3 =	vcmask $0xF0C;
	s24 =	simm.s32 $0x13970;
	s26 =	sadd.s32 $0x1388, s6;
	[dreg:$0x6] =	wrdreg s25  }
0x13: {  	vm4 =	vcmask $0x310;
	vm5 =	vcmask $0x710;
	vm6 =	vcmask $0xB10;
	[dreg:$0x7] =	wrdreg s26;
	s25 =	simm.s32 $0x13980;
	s26 =	simm.s32 $0x13990  }
.LBB2_18:
0x14: {  	v2 =	vshrl.u32 v1, $0x2;
	_ =	sdelay $0x3  }
0x15: {  	v3 =	vld [tilespmem:$0x13910]  }
0x16: {  	v4 =	vld.idx.msk [tilespmem:v2+s14+$0x0], $0xffff;
	_ =	sdelay $0x4  }
0x17: {  	v3 =	vadd.f32 v4, v3;
	_ =	sdelay $0x1  }
0x18: {  	(xrf0) =	vmax.scan.msk.f32 $0xffff, v3;
	_ =	sdelay $0x5  }
0x19: {  	v44, _, _ =	vpop (xrf0)  }
0x1a: {  	v4 =	vbroadcast v44, $0xF;
	_ =	sdelay $0x1  }
0x1b: {  	v5 =	vor.u32 $0x80000000, v1;
	vm7 =	veq.f32 v3, v4  }
0x1c: {  	v6 =	vnsel vm7, $0xFFFFFFFF, v5  }
0x1d: {  	(xrf0) =	vmin.scan.msk.u32 $0xffff, v6;
	_ =	sdelay $0x5  }
0x1e: {  	v6, _, _ =	vpop (xrf0)  }
0x1f: {  	(v2sf) =	vpush v6, $0xF;
	_ =	sdelay $0xe  }
0x20: {  	s0 =	spop (v2sf)  }
0x21: {  	s0 =	sxor.u32 $0x80000000, s0  }
0x22: {  	v45 =	vmov s0  }
0x23: {  	vm8 =	veq.s32 v45, v1  }
0x24: {  	vm7 =	vmand vm7, vm8  }
0x25: {  	v3 =	vsel vm7, $0xFF800000, v3  }
0x26: {  	(xrf0) =	vmax.scan.msk.f32 $0xffff, v3;
	_ =	sdelay $0x5  }
0x27: {  	v7, _, _ =	vpop (xrf0)  }
0x28: {  	v7 =	vbroadcast v7, $0xF;
	_ =	sdelay $0x1  }
0x29: {  	vm7 =	veq.f32 v3, v7  }
0x2a: {  	v8 =	vnsel vm7, $0xFFFFFFFF, v5  }
0x2b: {  	(xrf0) =	vmin.scan.msk.u32 $0xffff, v8;
	_ =	sdelay $0x5  }
0x2c: {  	v8, _, _ =	vpop (xrf0)  }
0x2d: {  	(v2sf) =	vpush v8, $0xF;
	_ =	sdelay $0xe  }
0x2e: {  	s8 =	spop (v2sf)  }
0x2f: {  	s0 =	sxor.u32 $0x80000000, s8  }
0x30: {  	v46 =	vmov s0  }
0x31: {  	vm8 =	veq.s32 v46, v1  }
0x32: {  	vm7 =	vmand vm7, vm8  }
0x33: {  	v3 =	vsel vm7, $0xFF800000, v3  }
0x34: {  	(xrf0) =	vmax.scan.msk.f32 $0xffff, v3;
	_ =	sdelay $0x5  }
0x35: {  	v47, _, _ =	vpop (xrf0)  }
0x36: {  	v8 =	vbroadcast v47, $0xF;
	_ =	sdelay $0x1  }
0x37: {  	vm7 =	veq.f32 v3, v8  }
0x38: {  	v9 =	vnsel vm7, $0xFFFFFFFF, v5  }
0x39: {  	(xrf0) =	vmin.scan.msk.u32 $0xffff, v9;
	_ =	sdelay $0x5  }
0x3a: {  	v9, _, _ =	vpop (xrf0)  }
0x3b: {  	(v2sf) =	vpush v9, $0xF;
	_ =	sdelay $0xe  }
0x3c: {  	s1 =	spop (v2sf)  }
0x3d: {  	s1 =	sxor.u32 $0x80000000, s1  }
0x3e: {  	v48 =	vmov s1  }
0x3f: {  	vm8 =	veq.s32 v48, v1  }
0x40: {  	vm7 =	vmand vm7, vm8  }
0x41: {  	v3 =	vsel vm7, $0xFF800000, v3  }
0x42: {  	(xrf0) =	vmax.scan.msk.f32 $0xffff, v3;
	_ =	sdelay $0x5  }
0x43: {  	v49, _, _ =	vpop (xrf0)  }
0x44: {  	v9 =	vbroadcast v49, $0xF;
	_ =	sdelay $0x1  }
0x45: {  	vm7 =	veq.f32 v3, v9  }
0x46: {  	v3 =	vnsel vm7, $0xFFFFFFFF, v5  }
0x47: {  	(xrf0) =	vmin.scan.msk.u32 $0xffff, v3;
	_ =	sdelay $0x5  }
0x48: {  	v3, _, _ =	vpop (xrf0)  }
0x49: {  	(v2sf) =	vpush v3, $0xF;
	_ =	sdelay $0xc  }
0x4a: {  	vm7 =	veq.s32 v1, $0x0  }
0x4b: {  	v3 =	vnsel vm7, $0x0, v45  }
0x4c: {  	v3 =	vsel vm1, s0, v3;
	s9 =	spop (v2sf)  }
0x4d: {  	vm9 =	veq.s32 v1, $0x3;
	v3 =	vnsel vm5, s1, v3;
	s0 =	sxor.u32 $0x80000000, s9  }
0x4e: {  	v3 =	vsel vm9, s0, v3;
	_ =	sdelay $0x4  }
0x4f: {  	v10 =	vand.u32 $0x3, v1;
	v50 =	vld.idx.msk [tilespmem:v3+s22+$0x0], $0xffff  }
0x50: {  	vm8 =	vmmov $0x1  }
0x51: {  	v4 =	vnsel vm8, $0xFF800000, v4  }
0x52: {  	v4 =	vsel vm4, v4, v7  }
0x53: {  	v4 =	vsel vm5, v4, v8  }
0x54: {  	v2 =	vor.u32 $0x8, v2;
	v4 =	vsel vm6, v4, v9;
	[tilespmem:v10+s23+$0x0] =	vst.idx.msk $0xf, v50  }
0x55: {  	v51 =	vshra.s32 v3, $0x2;
	[tilespmem:v10+s24+$0x0] =	vst.idx.msk $0xf, v4  }
0x56: {  	v3 =	vand.u32 $0x3, v3;
	[tilespmem:v10+s25+$0x0] =	vst.idx.msk $0xf, v51  }
0x57: {  	[tilespmem:v10+s26+$0x0] =	vst.idx.msk $0xf, v3  }
0x58: {  	v3 =	vld [tilespmem:$0x13920]  }
0x59: {  	v2 =	vld.idx.msk [tilespmem:v2+s14+$0x0], $0xffff;
	_ =	sdelay $0x4  }
0x5a: {  	v2 =	vadd.f32 v2, v3;
	_ =	sdelay $0x1  }
0x5b: {  	(xrf0) =	vmax.scan.msk.f32 $0xffff, v2;
	_ =	sdelay $0x5  }
0x5c: {  	v3, _, _ =	vpop (xrf0)  }
0x5d: {  	v3 =	vbroadcast v3, $0xF;
	_ =	sdelay $0x1  }
0x5e: {  	vm10 =	veq.f32 v2, v3  }
0x5f: {  	v52 =	vnsel vm10, $0xFFFFFFFF, v5  }
0x60: {  	(xrf0) =	vmin.scan.msk.u32 $0xffff, v52;
	_ =	sdelay $0x5  }
0x61: {  	v4, _, _ =	vpop (xrf0)  }
0x62: {  	(v2sf) =	vpush v4, $0xF;
	_ =	sdelay $0xe  }
0x63: {  	s10 =	spop (v2sf)  }
0x64: {  	s0 =	sxor.u32 $0x80000000, s10  }
0x65: {  	v53 =	vmov s0  }
0x66: {  	vm11 =	veq.s32 v53, v1  }
0x67: {  	vm10 =	vmand vm10, vm11  }
0x68: {  	v2 =	vsel vm10, $0xFF800000, v2  }
0x69: {  	(xrf0) =	vmax.scan.msk.f32 $0xffff, v2;
	_ =	sdelay $0x5  }
0x6a: {  	v54, _, _ =	vpop (xrf0)  }
0x6b: {  	v6 =	vbroadcast v54, $0xF;
	_ =	sdelay $0x1  }
0x6c: {  	vm10 =	veq.f32 v2, v6  }
0x6d: {  	v55 =	vnsel vm10, $0xFFFFFFFF, v5  }
0x6e: {  	(xrf0) =	vmin.scan.msk.u32 $0xffff, v55;
	_ =	sdelay $0x5  }
0x6f: {  	v7, _, _ =	vpop (xrf0)  }
0x70: {  	(v2sf) =	vpush v7, $0xF;
	_ =	sdelay $0xe  }
0x71: {  	s11 =	spop (v2sf)  }
0x72: {  	s0 =	sxor.u32 $0x80000000, s11  }
0x73: {  	v56 =	vmov s0  }
0x74: {  	vm14 =	veq.s32 v56, v1  }
0x75: {  	vm10 =	vmand vm10, vm14  }
0x76: {  	v2 =	vsel vm10, $0xFF800000, v2  }
0x77: {  	(xrf0) =	vmax.scan.msk.f32 $0xffff, v2;
	_ =	sdelay $0x5  }
0x78: {  	v57, _, _ =	vpop (xrf0)  }
0x79: {  	v7 =	vbroadcast v57, $0xF;
	_ =	sdelay $0x1  }
0x7a: {  	vm10 =	veq.f32 v2, v7  }
0x7b: {  	v58 =	vnsel vm10, $0xFFFFFFFF, v5  }
0x7c: {  	(xrf0) =	vmin.scan.msk.u32 $0xffff, v58;
	_ =	sdelay $0x5  }
0x7d: {  	v8, _, _ =	vpop (xrf0)  }
0x7e: {  	(v2sf) =	vpush v8, $0xF;
	_ =	sdelay $0xe  }
0x7f: {  	s16 =	spop (v2sf)  }
0x80: {  	s1 =	sxor.u32 $0x80000000, s16  }
0x81: {  	v59 =	vmov s1  }
0x82: {  	vm15 =	veq.s32 v59, v1  }
0x83: {  	vm10 =	vmand vm10, vm15  }
0x84: {  	v2 =	vsel vm10, $0xFF800000, v2  }
0x85: {  	(xrf0) =	vmax.scan.msk.f32 $0xffff, v2;
	_ =	sdelay $0x5  }
0x86: {  	v60, _, _ =	vpop (xrf0)  }
0x87: {  	v8 =	vbroadcast v60, $0xF;
	_ =	sdelay $0x1  }
0x88: {  	vm10 =	veq.f32 v2, v8  }
0x89: {  	v2 =	vnsel vm10, $0xFFFFFFFF, v5  }
0x8a: {  	(xrf0) =	vmin.scan.msk.u32 $0xffff, v2;
	_ =	sdelay $0x5  }
0x8b: {  	v2, _, _ =	vpop (xrf0)  }
0x8c: {  	(v2sf) =	vpush v2, $0xF;
	_ =	sdelay $0xd  }
0x8d: {  	v2 =	vnsel vm7, $0x0, v53  }
0x8e: {  	v2 =	vsel vm1, s0, v2;
	s17 =	spop (v2sf)  }
0x8f: {  	v2 =	vnsel vm5, s1, v2;
	s0 =	sxor.u32 $0x80000000, s17  }
0x90: {  	v2 =	vsel vm9, s0, v2  }
0x91: {  	v61 =	vadd.s32 $0x10, v2;
	_ =	sdelay $0x4  }
0x92: {  	v62 =	vor.u32 $0x8, v10;
	v4 =	vld.idx.msk [tilespmem:v61+s22+$0x0], $0xffff;
	_ =	sdelay $0x1  }
0x93: {  	v3 =	vnsel vm8, $0xFF800000, v3  }
0x94: {  	v3 =	vsel vm4, v3, v6  }
0x95: {  	v3 =	vsel vm5, v3, v7  }
0x96: {  	v3 =	vsel vm6, v3, v8;
	[tilespmem:v62+s23+$0x0] =	vst.idx.msk $0xf, v4  }
0x97: {  	v63 =	vshra.s32 v2, $0x2;
	[tilespmem:v62+s24+$0x0] =	vst.idx.msk $0xf, v3  }
0x98: {  	v2 =	vand.u32 $0x3, v2;
	[tilespmem:v62+s25+$0x0] =	vst.idx.msk $0xf, v63  }
0x99: {  	s29 =	rddreg [dreg:$0x8];
	[tilespmem:v62+s26+$0x0] =	vst.idx.msk $0xf, v2  }
0x9a: {  	[hbm4b:s29+s2] =	stream.linear.scatter [tilespmem:s23], [sflag:$0x5], $0x10, $0x38;
	[tilespmem:$0x139A0] =	vst v63  }
0x9b: {  	_ =	swait.ge [sflag:s15], $0x10  }
0x9c: {  	[sflag:s15] =	ssyncset.done $0x0  }
0x9d: {  	s30 =	rddreg [dreg:$0x9];
	[sflag:s15] =	ssyncadd.s32 $0xFFFFFFF0  }
0x9e: {  	[hbm4b:s30+s2] =	stream.linear.scatter [tilespmem:s24], [sflag:$0x5], $0x10, $0x38;
	[tilespmem:$0x139A0] =	vst v63  }
0x9f: {  	_ =	swait.ge [sflag:s15], $0x10  }
0xa0: {  	[sflag:s15] =	ssyncset.done $0x0  }
0xa1: {  	s31 =	rddreg [dreg:$0xa];
	[sflag:s15] =	ssyncadd.s32 $0xFFFFFFF0  }
0xa2: {  	[hbm4b:s31+s2] =	stream.linear.scatter [tilespmem:s25], [sflag:$0x5], $0x10, $0x38;
	[tilespmem:$0x139A0] =	vst v63  }
0xa3: {  	s28 =	sadd.s32 $0x1, s28;
	_ =	swait.ge [sflag:s15], $0x10  }
0xa4: {  	p0 =	sne.s32 s28, s13;
	[sflag:s15] =	ssyncset.done $0x0  }
.Ltmp1:
0xa5: {  	[sflag:s15] =	ssyncadd.s32 $0xFFFFFFF0;
	(pc) =	sbr.rel @!p0 .LBB2_19-.Ltmp1, $4  }
0xa6: {  	[hbm4b:s12+s2] =	stream.linear.scatter [tilespmem:s26], [sflag:$0x5], $0x10, $0x38;
	[tilespmem:$0x139A0] =	vst v63  }
0xa7: {  	_ =	swait.ge [sflag:s15], $0x10  }
0xa8: {  	[sflag:s15] =	ssyncset.done $0x0  }
0xa9: {  	[sflag:s15] =	ssyncadd.s32 $0xFFFFFFF0  }
.LBB2_1:
0xaa: {  	s0 =	rddreg [dreg:$0x5]  }
0xab: {  	[tilespmem:s14], [sflag:$0x5] =	stream.linear.gather [hbm4b:s0+s2], $0x10, $0x38;
	[tilespmem:$0x139A0] =	vst v63  }
0xac: {  	_ =	swait.ge [sflag:s15], $0x10  }
0xad: {  	[sflag:s15] =	ssyncset.done $0x0  }
0xae: {  	[sflag:s15] =	ssyncadd.s32 $0xFFFFFFF0  }
0xaf: {  	[tilespmem:s2], [sflag:$0x1] =	stream.linear.gather [hbm4b:s6+s2], $0x4E20, $0x38;
	[tilespmem:$0x139A0] =	vst v63  }
.Ltmp2:
0xb0: {  	s1 =	simm.s32 $0x4E20;
	(pc) =	sbr.rel .LBB2_2-.Ltmp2, $4  }
0xb1: {  	s17 =	simm.s32 $0x9C40;
	s29 =	simm.s32 $0x0;
	s11 =	rddreg [dreg:$0x6]  }
0xb2: {  	v8 =	vimm.f32 $-Inf;
	v7 =	vimm.s32 $0x0;
	[tilespmem:s1], [sflag:$0x2] =	stream.linear.gather [hbm4b:s11+s2], $0x4E20, $0x38;
	[tilespmem:$0x139A0] =	vst v63  }
0xb3: {  	v9 =	vimm.s32 $0x0;
	v10 =	vimm.s32 $0x0;
	v12 =	vimm.s32 $0x0;
	s30 =	simm.s32 $0x0;
	s31 =	simm.s32 $0x0;
	s16 =	rddreg [dreg:$0x7]  }
0xb4: {  	v14 =	vimm.f32 $-Inf;
	v15 =	vimm.f32 $-Inf;
	v16 =	vimm.f32 $-Inf;
	[tilespmem:s17], [sflag:$0x3] =	stream.linear.gather [hbm4b:s16+s2], $0x4E20, $0x38;
	[tilespmem:$0x139A0] =	vst v63  }
.LBB2_17:
0xb5: {  	s31 =	sadd.s32 $0x1, s31  }
0xb6: {  	p0 =	sne.s32 s31, $0x28  }
.Ltmp3:
0xb7: {  	_ = 	snop;
	(pc) =	sbr.rel @!p0 .LBB2_18-.Ltmp3, $2  }
0xb8: {  	_ =	sdelay $0x2  }
0xb9: {  	s30 =	sadd.s32 $0x4E20, s30;
	s29 =	sadd.s32 $0x1, s29  }
.LBB2_2:
0xba: {  	p0 =	sgt.u32 s31, $0x24  }
0xbb: {  	s0 =	smulhi.u32 $0xCCCCCCCD, s31;
	s1 =	sadd.s32 @!p0 $0x3, s31  }
0xbc: {  	s5 =	smul.u32 @!p0 $0xCD, s1  }
0xbd: {  	s7 =	smul.u32 $0xCD, s31;
	s10 =	sand.u32 $0x3, s29  }
0xbe: {  	s10 =	smul.u32 $0x13880, s10;
	s0 =	sshrl.u32 s0, $0x2;
	s5 =	sshrl.u32 @!p0 s5, $0xA  }
0xbf: {  	s9 =	sshrl.u32 s7, $0xA;
	s16 =	smul.u32 $0x186A0, s0;
	s5 =	sand.u32 @!p0 $0x3F, s5  }
0xc0: {  	s0 =	sand.u32 $0x3F, s9;
	s7 =	smul.u32 @!p0 $0xFFFFFFFB, s5  }
0xc1: {  	s17 =	smul.u32 $0xFFFFFFFB, s0;
	s5 =	sadd.s32 @!p0 s5, s4  }
0xc2: {  	s5 =	smul.u32 @!p0 $0x186A0, s5;
	s7 =	sadd.s32 @!p0 s1, s7  }
0xc3: {  	s11 =	sand.u32 $0x3, s31;
	s8 =	sand.u32 @!p0 $0x3, s1;
	s7 =	smul.u32 @!p0 $0x4E20, s7  }
0xc4: {  	s11 =	sadd.s32 $0x1, s11;
	s9 =	smul.u32 @!p0 $0x13880, s8  }
0xc5: {  	s8 =	sadd.s32 @!p0 $0x1, s8;
	s1 =	sadd.s32 s31, s17;
	s5 =	sadd.s32 @!p0 s5, s7  }
0xc6: {  	p6 =	seq.s32 s1, $0x0;
	s7 =	sshrl.u32 @!p0 s9, $0x2;
	s5 =	sshrl.u32 @!p0 s5, $0x3  }
.Ltmp4:
0xc7: {  	s9 =	simm.s32 @!p0 $0x0;
	s5 =	sadd.s32 @!p0 s3, s5;
	(pc) =	sbr.rel .LBB2_3-.Ltmp4, $4  }
0xc8: {  	[tilespmem:s7], [sflag:s8] =	stream.linear.gather @!p0 [hbm4b:s5+s9], $0x4E20, $0x38;
	[tilespmem:$0x139A0] =	vst v63  }
0xc9: {  	v16 =	vpsel p6, $0xFF800000, v16;
	v15 =	vpsel p6, $0xFF800000, v15;
	_ =	swait.ge [sflag:s11], $0x4E20  }
0xca: {  	s16 =	ssub.s32 s30, s16;
	v14 =	vpsel p6, $0xFF800000, v14;
	v8 =	vpsel p6, $0xFF800000, v8;
	v12 =	vpsel p6, $0x0, v12;
	s5 =	sshrl.u32 s10, $0x2;
	[sflag:s11] =	ssyncset.done $0x0  }
0xcb: {  	v10 =	vpsel p6, $0x0, v10;
	v9 =	vpsel p6, $0x0, v9;
	v7 =	vpsel p6, $0x0, v7;
	s17 =	sadd.s32 $0xC0, s5;
	s5 =	simm.s32 $0x0;
	[sflag:s11] =	ssyncadd.s32 $0xFFFFB1E0  }
.LBB2_14:
0xcc: {  	s5 =	sadd.s32 $0x190, s5  }
0xcd: {  	p0 =	sne.s32 s5, $0x4E20  }
.Ltmp5:
0xce: {  	_ = 	snop;
	(pc) =	sbr.rel @!p0 .LBB2_15-.Ltmp5, $2  }
0xcf: {  	_ =	sdelay $0x2  }
0xd0: {  	s17 =	sadd.s32 $0x190, s17  }
.LBB2_3:
0xd1: {  	v38 =	vld [tilespmem:s17+$0xFFFFFF40]  }
0xd2: {  	v37 =	vld [tilespmem:s17+$0xFFFFFF50]  }
0xd3: {  	v36 =	vld [tilespmem:s17+$0xFFFFFF60]  }
0xd4: {  	v34 =	vld [tilespmem:s17+$0xFFFFFF70]  }
0xd5: {  	v33 =	vld [tilespmem:s17+$0xFFFFFF80]  }
0xd6: {  	v32 =	vld [tilespmem:s17+$0xFFFFFF90]  }
0xd7: {  	v31 =	vld [tilespmem:s17+$0xFFFFFFA0]  }
0xd8: {  	v30 =	vld [tilespmem:s17+$0xFFFFFFB0]  }
0xd9: {  	v29 =	vld [tilespmem:s17+$0xFFFFFFC0]  }
0xda: {  	v27 =	vld [tilespmem:s17+$0xFFFFFFD0]  }
0xdb: {  	v26 =	vld [tilespmem:s17+$0xFFFFFFE0]  }
0xdc: {  	v25 =	vld [tilespmem:s17+$0xFFFFFFF0]  }
0xdd: {  	v24 =	vld [tilespmem:s17+$0x0]  }
0xde: {  	v23 =	vld [tilespmem:s17+$0x10]  }
0xdf: {  	v21 =	vld [tilespmem:s17+$0x20]  }
0xe0: {  	v20 =	vld [tilespmem:s17+$0x30]  }
0xe1: {  	v19 =	vld [tilespmem:s17+$0x40]  }
0xe2: {  	v18 =	vld [tilespmem:s17+$0x50]  }
0xe3: {  	v6 =	vld [tilespmem:s17+$0x80]  }
0xe4: {  	v5 =	vld [tilespmem:s17+$0x90]  }
0xe5: {  	v17 =	vld [tilespmem:s17+$0x60]  }
0xe6: {  	v4 =	vld [tilespmem:s17+$0xA0]  }
0xe7: {  	v3 =	vld [tilespmem:s17+$0xB0];
	v2 =	vmax.f32 v38, v37  }
0xe8: {  	v11 =	vld [tilespmem:s17+$0x70];
	v22 =	vmax.f32 v32, v31;
	v2 =	vmax.f32 v2, v36  }
0xe9: {  	v28 =	vmax.f32 v20, v19;
	v35 =	vmax.f32 v6, v5;
	v13 =	vmax.f32 v2, v34;
	v2 =	vld [tilespmem:s17+$0xC0]  }
0xea: {  	v39 =	vmax.f32 v13, v33;
	v13 =	vmax.f32 v22, v30;
	v22 =	vmax.f32 v26, v25  }
0xeb: {  	v28 =	vmax.f32 v28, v18;
	v35 =	vmax.f32 v35, v4;
	v22 =	vmax.f32 v22, v24  }
0xec: {  	v40 =	vmax.f32 v28, v17;
	v62 =	vmax.f32 v35, v3;
	v22 =	vmax.f32 v22, v23  }
0xed: {  	v13 =	vmax.f32 v13, v29;
	v28 =	vmax.f32 v22, v21;
	v22 =	vmax.f32 v40, v11  }
0xee: {  	v35 =	vmax.f32 v13, v27;
	v13 =	vmax.f32 v62, v2;
	v63 =	vmax.f32 v28, v22  }
0xef: {  	v41 =	vmax.f32 v39, v35;
	v40 =	vmax.f32 v63, v13  }
0xf0: {  	v40 =	vmax.f32 v41, v40  }
0xf1: {  	vm7 =	vgt.f32 v40, v8  }
0xf2: {  	v40 =	vsel vm7, $0x3F800000, v0  }
0xf3: {  	(xrf0) =	vmax.scan.msk.f32 $0xffff, v40;
	_ =	sdelay $0x5  }
0xf4: {  	v40, _, _ =	vpop (xrf0)  }
0xf5: {  	(v2sf) =	vpush v40, $0xF;
	_ =	sdelay $0xe  }
0xf6: {  	s7 =	spop (v2sf)  }
0xf7: {  	p0 =	sgt.f32 s7, $0.0e+00  }
.Ltmp6:
0xf8: {  	_ = 	snop;
	(pc) =	sbr.rel @!p0 .LBB2_14-.Ltmp6, $1  }
0xf9: {  	_ =	sdelay $0x3  }
0xfa: {  	vm7 =	vgt.f32 v39, v8  }
0xfb: {  	v39 =	vsel vm7, $0x3F800000, v0  }
0xfc: {  	(xrf0) =	vmax.scan.msk.f32 $0xffff, v39;
	_ =	sdelay $0x5  }
0xfd: {  	v39, _, _ =	vpop (xrf0)  }
0xfe: {  	(v2sf) =	vpush v39, $0xF;
	_ =	sdelay $0xe  }
0xff: {  	s7 =	spop (v2sf)  }
0x100: {  	p0 =	sgt.f32 s7, $0.0e+00  }
.Ltmp7:
0x101: {  	_ = 	snop;
	(pc) =	sbr.rel @!p0 .LBB2_6-.Ltmp7, $2  }
0x102: {  	_ =	sdelay $0x2  }
0x103: {  	s7 =	sadd.s32 s5, s16  }
0x104: {  	vm7 =	vgt.f32 v38, v16  }
0x105: {  	v40 =	vor.u32 s7, v1;
	v39 =	vsel vm7, v16, v38  }
0x106: {  	v16 =	vsel vm7, v38, v16;
	v47 =	vsel vm7, v40, v12;
	vm8 =	vgt.f32 v39, v15  }
0x107: {  	v12 =	vsel vm7, v12, v40;
	vm9 =	vgt.f32 v37, v16;
	v48 =	vsel vm8, v15, v39  }
0x108: {  	v15 =	vsel vm8, v39, v15;
	v49 =	vsel vm8, v12, v10;
	vm7 =	vgt.f32 v48, v14  }
0x109: {  	v10 =	vsel vm8, v10, v12;
	v12 =	vsel vm7, v48, v14;
	v14 =	vsel vm7, v14, v48  }
0x10a: {  	v50 =	vsel vm7, v10, v9;
	v9 =	vsel vm7, v9, v10;
	v10 =	vsel vm9, v16, v37  }
0x10b: {  	s8 =	sadd.s32 $0x10, s7;
	vm8 =	vgt.f32 v14, v8;
	vm7 =	vgt.f32 v10, v15  }
0x10c: {  	v8 =	vsel vm8, v14, v8;
	v7 =	vsel vm8, v9, v7;
	v9 =	vor.u32 s8, v1  }
0x10d: {  	v14 =	vsel vm9, v37, v16;
	v51 =	vsel vm7, v15, v10;
	v10 =	vsel vm7, v10, v15  }
0x10e: {  	v16 =	vsel vm9, v9, v47;
	v9 =	vsel vm9, v47, v9;
	vm8 =	vgt.f32 v51, v12  }
0x10f: {  	v15 =	vsel vm7, v9, v49;
	v9 =	vsel vm7, v49, v9;
	v52 =	vsel vm8, v12, v51  }
0x110: {  	v12 =	vsel vm8, v51, v12;
	v53 =	vsel vm8, v9, v50;
	vm7 =	vgt.f32 v52, v8  }
0x111: {  	s9 =	sadd.s32 $0x20, s7;
	v9 =	vsel vm8, v50, v9;
	vm8 =	vgt.f32 v36, v14;
	v8 =	vsel vm7, v52, v8  }
0x112: {  	v7 =	vsel vm7, v9, v7;
	v9 =	vor.u32 s9, v1;
	v54 =	vsel vm8, v14, v36  }
0x113: {  	v14 =	vsel vm8, v36, v14;
	v55 =	vsel vm8, v9, v16;
	vm7 =	vgt.f32 v54, v10  }
0x114: {  	v9 =	vsel vm8, v16, v9;
	v16 =	vsel vm7, v54, v10;
	v10 =	vsel vm7, v10, v54  }
0x115: {  	v56 =	vsel vm7, v9, v15;
	v9 =	vsel vm7, v15, v9;
	vm7 =	vgt.f32 v10, v12  }
0x116: {  	vm8 =	vgt.f32 v34, v14;
	v15 =	vsel vm7, v10, v12;
	v10 =	vsel vm7, v12, v10  }
0x117: {  	v57 =	vsel vm7, v9, v53;
	v9 =	vsel vm7, v53, v9;
	vm7 =	vgt.f32 v10, v8  }
0x118: {  	s10 =	sadd.s32 $0x30, s7;
	v12 =	vsel vm8, v34, v14;
	v7 =	vsel vm7, v9, v7;
	v9 =	vsel vm8, v14, v34  }
0x119: {  	v8 =	vsel vm7, v10, v8;
	v10 =	vor.u32 s10, v1;
	vm7 =	vgt.f32 v9, v16  }
0x11a: {  	v14 =	vsel vm8, v10, v55;
	v10 =	vsel vm8, v55, v10;
	v58 =	vsel vm7, v16, v9  }
0x11b: {  	vm15 =	vgt.f32 v33, v12;
	v36 =	vsel vm7, v10, v56;
	vm8 =	vgt.f32 v58, v15  }
0x11c: {  	v10 =	vsel vm7, v56, v10;
	v59 =	vsel vm8, v58, v15;
	v15 =	vsel vm8, v15, v58  }
0x11d: {  	v9 =	vsel vm7, v9, v16;
	v60 =	vsel vm8, v10, v57;
	vm7 =	vgt.f32 v15, v8  }
0x11e: {  	s11 =	sadd.s32 $0x40, s7;
	v10 =	vsel vm8, v57, v10;
	v8 =	vsel vm7, v15, v8;
	v15 =	vsel vm15, v12, v33  }
0x11f: {  	v7 =	vsel vm7, v10, v7;
	v10 =	vor.u32 s11, v1;
	vm7 =	vgt.f32 v15, v9  }
0x120: {  	v16 =	vsel vm15, v33, v12;
	v12 =	vsel vm15, v10, v14;
	v61 =	vsel vm7, v9, v15  }
0x121: {  	v14 =	vsel vm15, v14, v10;
	v15 =	vsel vm7, v15, v9;
	vm8 =	vgt.f32 v61, v59  }
0x122: {  	v10 =	vsel vm7, v14, v36;
	v9 =	vsel vm7, v36, v14;
	v62 =	vsel vm8, v59, v61  }
0x123: {  	v14 =	vsel vm8, v61, v59;
	v63 =	vsel vm8, v60, v9;
	vm7 =	vgt.f32 v62, v8  }
0x124: {  	v9 =	vsel vm8, v9, v60;
	v8 =	vsel vm7, v62, v8;
	v7 =	vsel vm7, v63, v7  }
.LBB2_6:
0x125: {  	vm7 =	vgt.f32 v35, v8  }
0x126: {  	v33 =	vsel vm7, $0x3F800000, v0  }
0x127: {  	(xrf0) =	vmax.scan.msk.f32 $0xffff, v33;
	_ =	sdelay $0x5  }
0x128: {  	v33, _, _ =	vpop (xrf0)  }
0x129: {  	(v2sf) =	vpush v33, $0xF;
	_ =	sdelay $0xe  }
0x12a: {  	s8 =	spop (v2sf)  }
0x12b: {  	p0 =	sgt.f32 s8, $0.0e+00  }
.Ltmp8:
0x12c: {  	_ = 	snop;
	(pc) =	sbr.rel @!p0 .LBB2_8-.Ltmp8, $1  }
0x12d: {  	_ =	sdelay $0x3  }
0x12e: {  	vm7 =	vgt.f32 v32, v16;
	s8 =	sadd.s32 $0x50, s7  }
0x12f: {  	v33 =	vsel vm7, v16, v32;
	v34 =	vor.u32 s8, v1  }
0x130: {  	v16 =	vsel vm7, v32, v16;
	vm8 =	vgt.f32 v33, v15;
	v56 =	vsel vm7, v34, v12  }
0x131: {  	v12 =	vsel vm7, v12, v34;
	vm9 =	vgt.f32 v31, v16;
	v57 =	vsel vm8, v15, v33  }
0x132: {  	v15 =	vsel vm8, v33, v15;
	v58 =	vsel vm8, v12, v10;
	vm7 =	vgt.f32 v57, v14  }
0x133: {  	v10 =	vsel vm8, v10, v12;
	v12 =	vsel vm7, v57, v14;
	v14 =	vsel vm7, v14, v57  }
0x134: {  	v59 =	vsel vm7, v10, v9;
	v9 =	vsel vm7, v9, v10;
	v10 =	vsel vm9, v16, v31  }
0x135: {  	s11 =	sadd.s32 $0x60, s7;
	vm8 =	vgt.f32 v14, v8;
	vm7 =	vgt.f32 v10, v15  }
0x136: {  	v8 =	vsel vm8, v14, v8;
	v7 =	vsel vm8, v9, v7;
	v9 =	vor.u32 s11, v1  }
0x137: {  	v14 =	vsel vm9, v31, v16;
	v31 =	vsel vm7, v15, v10;
	v10 =	vsel vm7, v10, v15  }
0x138: {  	v16 =	vsel vm9, v9, v56;
	v9 =	vsel vm9, v56, v9;
	vm8 =	vgt.f32 v31, v12  }
0x139: {  	v15 =	vsel vm7, v9, v58;
	v9 =	vsel vm7, v58, v9;
	v60 =	vsel vm8, v12, v31  }
0x13a: {  	v12 =	vsel vm8, v31, v12;
	v31 =	vsel vm8, v9, v59;
	vm7 =	vgt.f32 v60, v8  }
0x13b: {  	s9 =	sadd.s32 $0x70, s7;
	v9 =	vsel vm8, v59, v9;
	vm8 =	vgt.f32 v30, v14;
	v8 =	vsel vm7, v60, v8  }
0x13c: {  	v7 =	vsel vm7, v9, v7;
	v9 =	vor.u32 s9, v1;
	v61 =	vsel vm8, v14, v30  }
0x13d: {  	v14 =	vsel vm8, v30, v14;
	v30 =	vsel vm8, v9, v16;
	vm7 =	vgt.f32 v61, v10  }
0x13e: {  	v9 =	vsel vm8, v16, v9;
	v16 =	vsel vm7, v61, v10;
	v10 =	vsel vm7, v10, v61  }
0x13f: {  	v62 =	vsel vm7, v9, v15;
	v9 =	vsel vm7, v15, v9;
	vm7 =	vgt.f32 v10, v12  }
0x140: {  	vm8 =	vgt.f32 v29, v14;
	v15 =	vsel vm7, v10, v12;
	v10 =	vsel vm7, v12, v10  }
0x141: {  	v63 =	vsel vm7, v9, v31;
	v9 =	vsel vm7, v31, v9;
	vm7 =	vgt.f32 v10, v8  }
0x142: {  	s10 =	sadd.s32 $0x80, s7;
	v12 =	vsel vm8, v29, v14;
	v7 =	vsel vm7, v9, v7;
	v9 =	vsel vm8, v14, v29  }
0x143: {  	v8 =	vsel vm7, v10, v8;
	v10 =	vor.u32 s10, v1;
	vm7 =	vgt.f32 v9, v16  }
0x144: {  	v14 =	vsel vm8, v10, v30;
	v10 =	vsel vm8, v30, v10;
	v29 =	vsel vm7, v16, v9  }
0x145: {  	vm15 =	vgt.f32 v27, v12;
	v30 =	vsel vm7, v10, v62;
	vm8 =	vgt.f32 v29, v15  }
0x146: {  	v10 =	vsel vm7, v62, v10;
	v31 =	vsel vm8, v29, v15;
	v15 =	vsel vm8, v15, v29  }
0x147: {  	v9 =	vsel vm7, v9, v16;
	v29 =	vsel vm8, v10, v63;
	vm7 =	vgt.f32 v15, v8  }
0x148: {  	s11 =	sadd.s32 $0x90, s7;
	v10 =	vsel vm8, v63, v10;
	v8 =	vsel vm7, v15, v8;
	v15 =	vsel vm15, v12, v27  }
0x149: {  	v7 =	vsel vm7, v10, v7;
	v10 =	vor.u32 s11, v1;
	vm7 =	vgt.f32 v15, v9  }
0x14a: {  	v16 =	vsel vm15, v27, v12;
	v12 =	vsel vm15, v10, v14;
	v27 =	vsel vm7, v9, v15  }
0x14b: {  	v14 =	vsel vm15, v14, v10;
	v15 =	vsel vm7, v15, v9;
	vm8 =	vgt.f32 v27, v31  }
0x14c: {  	v10 =	vsel vm7, v14, v30;
	v9 =	vsel vm7, v30, v14;
	v30 =	vsel vm8, v31, v27  }
0x14d: {  	v14 =	vsel vm8, v27, v31;
	v27 =	vsel vm8, v29, v9;
	vm7 =	vgt.f32 v30, v8  }
0x14e: {  	v9 =	vsel vm8, v9, v29;
	v8 =	vsel vm7, v30, v8;
	v7 =	vsel vm7, v27, v7  }
.LBB2_8:
0x14f: {  	vm7 =	vgt.f32 v28, v8  }
0x150: {  	v27 =	vsel vm7, $0x3F800000, v0  }
0x151: {  	(xrf0) =	vmax.scan.msk.f32 $0xffff, v27;
	_ =	sdelay $0x5  }
0x152: {  	v27, _, _ =	vpop (xrf0)  }
0x153: {  	(v2sf) =	vpush v27, $0xF;
	_ =	sdelay $0xe  }
0x154: {  	s8 =	spop (v2sf)  }
0x155: {  	p0 =	sgt.f32 s8, $0.0e+00  }
.Ltmp9:
0x156: {  	_ = 	snop;
	(pc) =	sbr.rel @!p0 .LBB2_10-.Ltmp9, $1  }
0x157: {  	_ =	sdelay $0x3  }
0x158: {  	vm7 =	vgt.f32 v26, v16;
	s8 =	sadd.s32 $0xA0, s7  }
0x159: {  	v27 =	vsel vm7, v16, v26;
	v28 =	vor.u32 s8, v1  }
0x15a: {  	v16 =	vsel vm7, v26, v16;
	vm8 =	vgt.f32 v27, v15;
	v51 =	vsel vm7, v28, v12  }
0x15b: {  	v12 =	vsel vm7, v12, v28;
	vm9 =	vgt.f32 v25, v16;
	v52 =	vsel vm8, v15, v27  }
0x15c: {  	v15 =	vsel vm8, v27, v15;
	v53 =	vsel vm8, v12, v10;
	vm7 =	vgt.f32 v52, v14  }
0x15d: {  	v10 =	vsel vm8, v10, v12;
	v12 =	vsel vm7, v52, v14;
	v14 =	vsel vm7, v14, v52  }
0x15e: {  	v54 =	vsel vm7, v10, v9;
	v9 =	vsel vm7, v9, v10;
	v10 =	vsel vm9, v16, v25  }
0x15f: {  	s11 =	sadd.s32 $0xB0, s7;
	vm8 =	vgt.f32 v14, v8;
	vm7 =	vgt.f32 v10, v15  }
0x160: {  	v8 =	vsel vm8, v14, v8;
	v7 =	vsel vm8, v9, v7;
	v9 =	vor.u32 s11, v1  }
0x161: {  	v14 =	vsel vm9, v25, v16;
	v55 =	vsel vm7, v15, v10;
	v10 =	vsel vm7, v10, v15  }
0x162: {  	v16 =	vsel vm9, v9, v51;
	v9 =	vsel vm9, v51, v9;
	vm8 =	vgt.f32 v55, v12  }
0x163: {  	v15 =	vsel vm7, v9, v53;
	v9 =	vsel vm7, v53, v9;
	v56 =	vsel vm8, v12, v55  }
0x164: {  	v12 =	vsel vm8, v55, v12;
	v57 =	vsel vm8, v9, v54;
	vm7 =	vgt.f32 v56, v8  }
0x165: {  	s9 =	sadd.s32 $0xC0, s7;
	v9 =	vsel vm8, v54, v9;
	vm8 =	vgt.f32 v24, v14;
	v8 =	vsel vm7, v56, v8  }
0x166: {  	v7 =	vsel vm7, v9, v7;
	v9 =	vor.u32 s9, v1;
	v58 =	vsel vm8, v14, v24  }
0x167: {  	v14 =	vsel vm8, v24, v14;
	v59 =	vsel vm8, v9, v16;
	vm7 =	vgt.f32 v58, v10  }
0x168: {  	v9 =	vsel vm8, v16, v9;
	v16 =	vsel vm7, v58, v10;
	v10 =	vsel vm7, v10, v58  }
0x169: {  	v60 =	vsel vm7, v9, v15;
	v9 =	vsel vm7, v15, v9;
	vm7 =	vgt.f32 v10, v12  }
0x16a: {  	vm8 =	vgt.f32 v23, v14;
	v15 =	vsel vm7, v10, v12;
	v10 =	vsel vm7, v12, v10  }
0x16b: {  	v61 =	vsel vm7, v9, v57;
	v9 =	vsel vm7, v57, v9;
	vm7 =	vgt.f32 v10, v8  }
0x16c: {  	s10 =	sadd.s32 $0xD0, s7;
	v12 =	vsel vm8, v23, v14;
	v7 =	vsel vm7, v9, v7;
	v9 =	vsel vm8, v14, v23  }
0x16d: {  	v8 =	vsel vm7, v10, v8;
	v10 =	vor.u32 s10, v1;
	vm7 =	vgt.f32 v9, v16  }
0x16e: {  	v14 =	vsel vm8, v10, v59;
	v10 =	vsel vm8, v59, v10;
	v23 =	vsel vm7, v16, v9  }
0x16f: {  	vm15 =	vgt.f32 v21, v12;
	v24 =	vsel vm7, v10, v60;
	vm8 =	vgt.f32 v23, v15  }
0x170: {  	v10 =	vsel vm7, v60, v10;
	v62 =	vsel vm8, v23, v15;
	v15 =	vsel vm8, v15, v23  }
0x171: {  	v9 =	vsel vm7, v9, v16;
	v23 =	vsel vm8, v10, v61;
	vm7 =	vgt.f32 v15, v8  }
0x172: {  	s11 =	sadd.s32 $0xE0, s7;
	v10 =	vsel vm8, v61, v10;
	v8 =	vsel vm7, v15, v8;
	v15 =	vsel vm15, v12, v21  }
0x173: {  	v7 =	vsel vm7, v10, v7;
	v10 =	vor.u32 s11, v1;
	vm7 =	vgt.f32 v15, v9  }
0x174: {  	v16 =	vsel vm15, v21, v12;
	v12 =	vsel vm15, v10, v14;
	v21 =	vsel vm7, v9, v15  }
0x175: {  	v14 =	vsel vm15, v14, v10;
	v15 =	vsel vm7, v15, v9;
	vm8 =	vgt.f32 v21, v62  }
0x176: {  	v10 =	vsel vm7, v14, v24;
	v9 =	vsel vm7, v24, v14;
	v63 =	vsel vm8, v62, v21  }
0x177: {  	v14 =	vsel vm8, v21, v62;
	v21 =	vsel vm8, v23, v9;
	vm7 =	vgt.f32 v63, v8  }
0x178: {  	v9 =	vsel vm8, v9, v23;
	v8 =	vsel vm7, v63, v8;
	v7 =	vsel vm7, v21, v7  }
.LBB2_10:
0x179: {  	vm7 =	vgt.f32 v22, v8  }
0x17a: {  	v21 =	vsel vm7, $0x3F800000, v0  }
0x17b: {  	(xrf0) =	vmax.scan.msk.f32 $0xffff, v21;
	_ =	sdelay $0x5  }
0x17c: {  	v21, _, _ =	vpop (xrf0)  }
0x17d: {  	(v2sf) =	vpush v21, $0xF;
	_ =	sdelay $0xe  }
0x17e: {  	s8 =	spop (v2sf)  }
0x17f: {  	p0 =	sgt.f32 s8, $0.0e+00  }
.Ltmp10:
0x180: {  	_ = 	snop;
	(pc) =	sbr.rel @!p0 .LBB2_12-.Ltmp10, $1  }
0x181: {  	_ =	sdelay $0x3  }
0x182: {  	vm7 =	vgt.f32 v20, v16;
	s8 =	sadd.s32 $0xF0, s7  }
0x183: {  	v21 =	vsel vm7, v16, v20;
	v22 =	vor.u32 s8, v1  }
0x184: {  	v16 =	vsel vm7, v20, v16;
	vm8 =	vgt.f32 v21, v15;
	v56 =	vsel vm7, v22, v12  }
0x185: {  	v12 =	vsel vm7, v12, v22;
	vm9 =	vgt.f32 v19, v16;
	v57 =	vsel vm8, v15, v21  }
0x186: {  	v15 =	vsel vm8, v21, v15;
	v58 =	vsel vm8, v12, v10;
	vm7 =	vgt.f32 v57, v14  }
0x187: {  	v10 =	vsel vm8, v10, v12;
	v12 =	vsel vm7, v57, v14;
	v14 =	vsel vm7, v14, v57  }
0x188: {  	v59 =	vsel vm7, v10, v9;
	v9 =	vsel vm7, v9, v10;
	v10 =	vsel vm9, v16, v19  }
0x189: {  	s11 =	sadd.s32 $0x100, s7;
	vm8 =	vgt.f32 v14, v8;
	vm7 =	vgt.f32 v10, v15  }
0x18a: {  	v8 =	vsel vm8, v14, v8;
	v7 =	vsel vm8, v9, v7;
	v9 =	vor.u32 s11, v1  }
0x18b: {  	v14 =	vsel vm9, v19, v16;
	v19 =	vsel vm7, v15, v10;
	v10 =	vsel vm7, v10, v15  }
0x18c: {  	v16 =	vsel vm9, v9, v56;
	v9 =	vsel vm9, v56, v9;
	vm8 =	vgt.f32 v19, v12  }
0x18d: {  	v15 =	vsel vm7, v9, v58;
	v9 =	vsel vm7, v58, v9;
	v60 =	vsel vm8, v12, v19  }
0x18e: {  	v12 =	vsel vm8, v19, v12;
	v19 =	vsel vm8, v9, v59;
	vm7 =	vgt.f32 v60, v8  }
0x18f: {  	s9 =	sadd.s32 $0x110, s7;
	v9 =	vsel vm8, v59, v9;
	vm8 =	vgt.f32 v18, v14;
	v8 =	vsel vm7, v60, v8  }
0x190: {  	v7 =	vsel vm7, v9, v7;
	v9 =	vor.u32 s9, v1;
	v61 =	vsel vm8, v14, v18  }
0x191: {  	v14 =	vsel vm8, v18, v14;
	v18 =	vsel vm8, v9, v16;
	vm7 =	vgt.f32 v61, v10  }
0x192: {  	v9 =	vsel vm8, v16, v9;
	v16 =	vsel vm7, v61, v10;
	v10 =	vsel vm7, v10, v61  }
0x193: {  	v62 =	vsel vm7, v9, v15;
	v9 =	vsel vm7, v15, v9;
	vm7 =	vgt.f32 v10, v12  }
0x194: {  	vm8 =	vgt.f32 v17, v14;
	v15 =	vsel vm7, v10, v12;
	v10 =	vsel vm7, v12, v10  }
0x195: {  	v63 =	vsel vm7, v9, v19;
	v9 =	vsel vm7, v19, v9;
	vm7 =	vgt.f32 v10, v8  }
0x196: {  	s10 =	sadd.s32 $0x120, s7;
	v12 =	vsel vm8, v17, v14;
	v7 =	vsel vm7, v9, v7;
	v9 =	vsel vm8, v14, v17  }
0x197: {  	v8 =	vsel vm7, v10, v8;
	v10 =	vor.u32 s10, v1;
	vm7 =	vgt.f32 v9, v16  }
0x198: {  	v14 =	vsel vm8, v10, v18;
	v10 =	vsel vm8, v18, v10;
	v17 =	vsel vm7, v16, v9  }
0x199: {  	vm15 =	vgt.f32 v11, v12;
	v18 =	vsel vm7, v10, v62;
	vm8 =	vgt.f32 v17, v15  }
0x19a: {  	v10 =	vsel vm7, v62, v10;
	v19 =	vsel vm8, v17, v15;
	v15 =	vsel vm8, v15, v17  }
0x19b: {  	v9 =	vsel vm7, v9, v16;
	v17 =	vsel vm8, v10, v63;
	vm7 =	vgt.f32 v15, v8  }
0x19c: {  	s11 =	sadd.s32 $0x130, s7;
	v10 =	vsel vm8, v63, v10;
	v8 =	vsel vm7, v15, v8;
	v15 =	vsel vm15, v12, v11  }
0x19d: {  	v7 =	vsel vm7, v10, v7;
	v10 =	vor.u32 s11, v1;
	vm7 =	vgt.f32 v15, v9  }
0x19e: {  	v16 =	vsel vm15, v11, v12;
	v12 =	vsel vm15, v10, v14;
	v11 =	vsel vm7, v9, v15  }
0x19f: {  	v14 =	vsel vm15, v14, v10;
	v15 =	vsel vm7, v15, v9;
	vm8 =	vgt.f32 v11, v19  }
0x1a0: {  	v10 =	vsel vm7, v14, v18;
	v9 =	vsel vm7, v18, v14;
	v18 =	vsel vm8, v19, v11  }
0x1a1: {  	v14 =	vsel vm8, v11, v19;
	v11 =	vsel vm8, v17, v9;
	vm7 =	vgt.f32 v18, v8  }
0x1a2: {  	v9 =	vsel vm8, v9, v17;
	v8 =	vsel vm7, v18, v8;
	v7 =	vsel vm7, v11, v7  }
.LBB2_12:
0x1a3: {  	vm7 =	vgt.f32 v13, v8  }
0x1a4: {  	v11 =	vsel vm7, $0x3F800000, v0  }
0x1a5: {  	(xrf0) =	vmax.scan.msk.f32 $0xffff, v11;
	_ =	sdelay $0x5  }
0x1a6: {  	v11, _, _ =	vpop (xrf0)  }
0x1a7: {  	(v2sf) =	vpush v11, $0xF;
	_ =	sdelay $0xe  }
0x1a8: {  	s8 =	spop (v2sf)  }
0x1a9: {  	p0 =	sgt.f32 s8, $0.0e+00  }
.Ltmp11:
0x1aa: {  	_ = 	snop;
	(pc) =	sbr.rel @!p0 .LBB2_14-.Ltmp11, $1  }
0x1ab: {  	_ =	sdelay $0x3  }
0x1ac: {  	vm7 =	vgt.f32 v6, v16  }
0x1ad: {  	s8 =	sadd.s32 $0x140, s7;
	v11 =	vsel vm7, v16, v6  }
0x1ae: {  	v13 =	vor.u32 s8, v1;
	v6 =	vsel vm7, v6, v16;
	vm8 =	vgt.f32 v11, v15  }
0x1af: {  	v16 =	vsel vm7, v13, v12;
	v12 =	vsel vm7, v12, v13;
	v13 =	vsel vm8, v15, v11  }
0x1b0: {  	vm9 =	vgt.f32 v5, v6;
	v11 =	vsel vm8, v11, v15;
	vm7 =	vgt.f32 v13, v14  }
0x1b1: {  	v15 =	vsel vm8, v12, v10;
	v10 =	vsel vm8, v10, v12;
	v12 =	vsel vm7, v13, v14  }
0x1b2: {  	v13 =	vsel vm7, v14, v13;
	v14 =	vsel vm7, v10, v9;
	v9 =	vsel vm7, v9, v10  }
0x1b3: {  	v10 =	vsel vm9, v6, v5;
	v5 =	vsel vm9, v5, v6;
	vm8 =	vgt.f32 v13, v8  }
0x1b4: {  	s11 =	sadd.s32 $0x150, s7;
	vm7 =	vgt.f32 v10, v11;
	v8 =	vsel vm8, v13, v8;
	v7 =	vsel vm8, v9, v7  }
0x1b5: {  	v9 =	vor.u32 s11, v1;
	v13 =	vsel vm7, v11, v10;
	v10 =	vsel vm7, v10, v11  }
0x1b6: {  	v6 =	vsel vm9, v9, v16;
	v9 =	vsel vm9, v16, v9;
	vm8 =	vgt.f32 v13, v12  }
0x1b7: {  	v11 =	vsel vm7, v9, v15;
	v9 =	vsel vm7, v15, v9;
	v15 =	vsel vm8, v12, v13  }
0x1b8: {  	v12 =	vsel vm8, v13, v12;
	v13 =	vsel vm8, v9, v14;
	vm7 =	vgt.f32 v15, v8  }
0x1b9: {  	s9 =	sadd.s32 $0x160, s7;
	v9 =	vsel vm8, v14, v9;
	vm8 =	vgt.f32 v4, v5;
	v8 =	vsel vm7, v15, v8  }
0x1ba: {  	v7 =	vsel vm7, v9, v7;
	v9 =	vor.u32 s9, v1;
	v14 =	vsel vm8, v5, v4  }
0x1bb: {  	v4 =	vsel vm8, v4, v5;
	v5 =	vsel vm8, v9, v6;
	vm7 =	vgt.f32 v14, v10  }
0x1bc: {  	v6 =	vsel vm8, v6, v9;
	v9 =	vsel vm7, v14, v10;
	v10 =	vsel vm7, v10, v14  }
0x1bd: {  	v14 =	vsel vm7, v6, v11;
	v6 =	vsel vm7, v11, v6;
	vm7 =	vgt.f32 v10, v12  }
0x1be: {  	vm8 =	vgt.f32 v3, v4;
	v11 =	vsel vm7, v10, v12;
	v10 =	vsel vm7, v12, v10  }
0x1bf: {  	v15 =	vsel vm7, v6, v13;
	v6 =	vsel vm7, v13, v6;
	vm7 =	vgt.f32 v10, v8  }
0x1c0: {  	s10 =	sadd.s32 $0x170, s7;
	v8 =	vsel vm7, v10, v8;
	v6 =	vsel vm7, v6, v7;
	v7 =	vsel vm8, v4, v3  }
0x1c1: {  	v10 =	vor.u32 s10, v1;
	v3 =	vsel vm8, v3, v4;
	vm7 =	vgt.f32 v7, v9  }
0x1c2: {  	v4 =	vsel vm8, v10, v5;
	v5 =	vsel vm8, v5, v10;
	v10 =	vsel vm7, v9, v7  }
0x1c3: {  	v7 =	vsel vm7, v7, v9;
	v9 =	vsel vm7, v5, v14;
	vm8 =	vgt.f32 v10, v11  }
0x1c4: {  	v5 =	vsel vm7, v14, v5;
	v13 =	vsel vm8, v10, v11;
	v10 =	vsel vm8, v11, v10  }
0x1c5: {  	vm15 =	vgt.f32 v2, v3;
	v11 =	vsel vm8, v5, v15;
	vm7 =	vgt.f32 v10, v8  }
0x1c6: {  	s11 =	sadd.s32 $0x180, s7;
	v5 =	vsel vm8, v15, v5;
	v8 =	vsel vm7, v10, v8;
	v10 =	vsel vm15, v3, v2  }
0x1c7: {  	v5 =	vsel vm7, v5, v6;
	v6 =	vor.u32 s11, v1;
	vm7 =	vgt.f32 v10, v7  }
.Ltmp12:
0x1c8: {  	v16 =	vsel vm15, v2, v3;
	v12 =	vsel vm15, v6, v4;
	v2 =	vsel vm7, v7, v10;
	(pc) =	sbr.rel .LBB2_14-.Ltmp12, $4  }
0x1c9: {  	v3 =	vsel vm15, v4, v6;
	v15 =	vsel vm7, v10, v7;
	vm8 =	vgt.f32 v2, v13  }
0x1ca: {  	v10 =	vsel vm7, v3, v9;
	v3 =	vsel vm7, v9, v3;
	v4 =	vsel vm8, v13, v2  }
0x1cb: {  	v14 =	vsel vm8, v2, v13;
	v2 =	vsel vm8, v11, v3;
	vm7 =	vgt.f32 v4, v8  }
0x1cc: {  	v9 =	vsel vm8, v3, v11;
	v8 =	vsel vm7, v4, v8;
	v7 =	vsel vm7, v2, v5  }
.LBB2_15:
0x1cd: {  	p0 =	sne.s32 s1, $0x4  }
.Ltmp13:
0x1ce: {  	_ = 	snop;
	(pc) =	sbr.rel @p0 .LBB2_17-.Ltmp13, $1  }
0x1cf: {  	_ =	sdelay $0x3  }
0x1d0: {  	(xrf0) =	vmax.scan.msk.f32 $0xffff, v16;
	_ =	sdelay $0x5  }
0x1d1: {  	v2, _, _ =	vpop (xrf0)  }
0x1d2: {  	v2 =	vbroadcast v2, $0xF;
	_ =	sdelay $0x1  }
0x1d3: {  	vm7 =	veq.f32 v16, v2;
	v2 =	vxor.u32 $0x80000000, v12  }
0x1d4: {  	v3 =	vnsel vm7, $0xFFFFFFFF, v2  }
0x1d5: {  	(xrf0) =	vmin.scan.msk.u32 $0xffff, v3;
	_ =	sdelay $0x5  }
0x1d6: {  	v3, _, _ =	vpop (xrf0)  }
0x1d7: {  	(v2sf) =	vpush v3, $0xF;
	_ =	sdelay $0xe  }
0x1d8: {  	s1 =	spop (v2sf)  }
0x1d9: {  	s1 =	sxor.u32 $0x80000000, s1  }
0x1da: {  	vm8 =	veq.s32 v12, s1  }
0x1db: {  	v3 =	vor.u32 $0x80000000, v1;
	vm7 =	vmand vm7, vm8  }
0x1dc: {  	v4 =	vnsel vm7, $0xFFFFFFFF, v3  }
0x1dd: {  	(xrf0) =	vmin.scan.msk.u32 $0xffff, v4;
	v4 =	vsel vm7, $0xFF800000, v16  }
0x1de: {  	(xrf0) =	vmax.scan.msk.f32 $0xffff, v4;
	_ =	sdelay $0x4  }
0x1df: {  	v5, _, _ =	vpop (xrf0)  }
0x1e0: {  	v6, _, _ =	vpop (xrf0)  }
0x1e1: {  	v6 =	vbroadcast v6, $0xF;
	_ =	sdelay $0x1  }
0x1e2: {  	vm7 =	veq.f32 v4, v6  }
0x1e3: {  	v6 =	vnsel vm7, $0xFFFFFFFF, v2  }
0x1e4: {  	(xrf0) =	vmin.scan.msk.u32 $0xffff, v6;
	_ =	sdelay $0x5  }
0x1e5: {  	(v2sf) =	vpush v5, $0xF;
	v5, _, _ =	vpop (xrf0)  }
0x1e6: {  	(v2sf) =	vpush v5, $0xF;
	_ =	sdelay $0xd  }
0x1e7: {  	s17 =	spop (v2sf)  }
0x1e8: {  	s5 =	spop (v2sf)  }
0x1e9: {  	s5 =	sxor.u32 $0x80000000, s5  }
0x1ea: {  	vm8 =	veq.s32 v12, s5  }
0x1eb: {  	vm7 =	vmand vm7, vm8  }
0x1ec: {  	v5 =	vnsel vm7, $0xFFFFFFFF, v3  }
0x1ed: {  	v4 =	vsel vm7, $0xFF800000, v4;
	(xrf0) =	vmin.scan.msk.u32 $0xffff, v5  }
0x1ee: {  	(xrf0) =	vmax.scan.msk.f32 $0xffff, v4;
	_ =	sdelay $0x4  }
0x1ef: {  	v5, _, _ =	vpop (xrf0)  }
0x1f0: {  	v6, _, _ =	vpop (xrf0)  }
0x1f1: {  	v6 =	vbroadcast v6, $0xF;
	_ =	sdelay $0x1  }
0x1f2: {  	vm7 =	veq.f32 v4, v6  }
0x1f3: {  	v6 =	vnsel vm7, $0xFFFFFFFF, v2  }
0x1f4: {  	(xrf0) =	vmin.scan.msk.u32 $0xffff, v6;
	_ =	sdelay $0x5  }
0x1f5: {  	(v2sf) =	vpush v5, $0xF;
	v5, _, _ =	vpop (xrf0)  }
0x1f6: {  	(v2sf) =	vpush v5, $0xF;
	_ =	sdelay $0xd  }
0x1f7: {  	s9 =	spop (v2sf)  }
0x1f8: {  	s7 =	spop (v2sf)  }
0x1f9: {  	s7 =	sxor.u32 $0x80000000, s7  }
0x1fa: {  	vm8 =	veq.s32 v12, s7  }
0x1fb: {  	vm7 =	vmand vm7, vm8  }
0x1fc: {  	v5 =	vnsel vm7, $0xFFFFFFFF, v3  }
0x1fd: {  	v4 =	vsel vm7, $0xFF800000, v4;
	(xrf0) =	vmin.scan.msk.u32 $0xffff, v5  }
0x1fe: {  	(xrf0) =	vmax.scan.msk.f32 $0xffff, v4;
	_ =	sdelay $0x4  }
0x1ff: {  	v5, _, _ =	vpop (xrf0)  }
0x200: {  	v6, _, _ =	vpop (xrf0)  }
0x201: {  	v6 =	vbroadcast v6, $0xF;
	_ =	sdelay $0x1  }
0x202: {  	vm7 =	veq.f32 v4, v6  }
0x203: {  	v2 =	vnsel vm7, $0xFFFFFFFF, v2  }
0x204: {  	(xrf0) =	vmin.scan.msk.u32 $0xffff, v2;
	_ =	sdelay $0x5  }
0x205: {  	(v2sf) =	vpush v5, $0xF;
	v2, _, _ =	vpop (xrf0)  }
0x206: {  	(v2sf) =	vpush v2, $0xF;
	_ =	sdelay $0xd  }
0x207: {  	s10 =	spop (v2sf)  }
0x208: {  	s8 =	spop (v2sf)  }
0x209: {  	s8 =	sxor.u32 $0x80000000, s8  }
0x20a: {  	vm8 =	veq.s32 v12, s8  }
0x20b: {  	vm7 =	vmand vm7, vm8  }
0x20c: {  	v2 =	vnsel vm7, $0xFFFFFFFF, v3  }
0x20d: {  	(xrf0) =	vmin.scan.msk.u32 $0xffff, v2;
	_ =	sdelay $0x5  }
0x20e: {  	v2, _, _ =	vpop (xrf0)  }
0x20f: {  	(v2sf) =	vpush v2, $0xF;
	_ =	sdelay $0x9  }
0x210: {  	[tilespmem:$0x13880] =	vst v16  }
0x211: {  	[tilespmem:$0x13890] =	vst v15  }
0x212: {  	[tilespmem:$0x138A0] =	vst v14;
	s1 =	sxor.u32 $0x80000000, s17  }
0x213: {  	[tilespmem:$0x138B0] =	vst v8;
	v2 =	vmov s1  }
0x214: {  	[tilespmem:$0x138C0] =	vst v12;
	s11 =	sxor.u32 $0x80000000, s9;
	v3 =	vshrl.u32 v1, $0x2;
	v2 =	vnsel vm0, $0x0, v2  }
0x215: {  	[tilespmem:$0x138D0] =	vst v10;
	s16 =	sxor.u32 $0x80000000, s10;
	v2 =	vsel vm1, s11, v2;
	s17 =	spop (v2sf)  }
0x216: {  	[tilespmem:$0x138E0] =	vst v9;
	v2 =	vsel vm2, s16, v2;
	s8 =	sxor.u32 $0x80000000, s17  }
0x217: {  	[tilespmem:$0x138F0] =	vst v7;
	v2 =	vsel vm3, s8, v2  }
0x218: {  	[tilespmem:$0x13900] =	vst v2  }
0x219: {  	v2 =	vld.idx.msk [tilespmem:v3+s18+$0x0], $0xffff;
	_ =	sdelay $0x1  }
0x21a: {  	v3 =	vand.u32 $0x3, v1  }
0x21b: {  	v4 =	vmul.u32 $0x10, v3;
	_ =	sdelay $0x1  }
0x21c: {  	v2 =	vadd.s32 v4, v2;
	_ =	sdelay $0x4  }
0x21d: {  	v4 =	vld.idx.msk [tilespmem:v2+s19+$0x0], $0xffff;
	_ =	sdelay $0x4  }
0x21e: {  	(xrf0) =	vmax.scan.msk.f32 $0xffff, v4;
	_ =	sdelay $0x3  }
0x21f: {  	v2 =	vld.idx.msk [tilespmem:v2+s20+$0x0], $0xffff;
	_ =	sdelay $0x1  }
0x220: {  	v5, _, _ =	vpop (xrf0)  }
0x221: {  	v5 =	vbroadcast v5, $0xF;
	_ =	sdelay $0x1  }
0x222: {  	v6 =	vxor.u32 $0x80000000, v2;
	vm7 =	veq.f32 v4, v5  }
0x223: {  	v11 =	vnsel vm7, $0xFFFFFFFF, v6  }
0x224: {  	(xrf0) =	vmin.scan.msk.u32 $0xffff, v11;
	_ =	sdelay $0x5  }
0x225: {  	v11, _, _ =	vpop (xrf0)  }
0x226: {  	(v2sf) =	vpush v11, $0xF;
	_ =	sdelay $0xe  }
0x227: {  	s9 =	spop (v2sf)  }
0x228: {  	s1 =	sxor.u32 $0x80000000, s9  }
0x229: {  	vm8 =	veq.s32 v2, s1  }
0x22a: {  	vm7 =	vmand vm7, vm8  }
0x22b: {  	v4 =	vsel vm7, $0xFF800000, v4  }
0x22c: {  	(xrf0) =	vmax.scan.msk.f32 $0xffff, v4;
	_ =	sdelay $0x5  }
0x22d: {  	v11, _, _ =	vpop (xrf0)  }
0x22e: {  	v11 =	vbroadcast v11, $0xF;
	_ =	sdelay $0x1  }
0x22f: {  	vm7 =	veq.f32 v4, v11  }
0x230: {  	v13 =	vnsel vm7, $0xFFFFFFFF, v6  }
0x231: {  	(xrf0) =	vmin.scan.msk.u32 $0xffff, v13;
	_ =	sdelay $0x5  }
0x232: {  	v13, _, _ =	vpop (xrf0)  }
0x233: {  	(v2sf) =	vpush v13, $0xF;
	_ =	sdelay $0xe  }
0x234: {  	s10 =	spop (v2sf)  }
0x235: {  	s5 =	sxor.u32 $0x80000000, s10  }
0x236: {  	vm8 =	veq.s32 v2, s5  }
0x237: {  	vm7 =	vmand vm7, vm8  }
0x238: {  	v4 =	vsel vm7, $0xFF800000, v4  }
0x239: {  	(xrf0) =	vmax.scan.msk.f32 $0xffff, v4;
	_ =	sdelay $0x5  }
0x23a: {  	v13, _, _ =	vpop (xrf0)  }
0x23b: {  	v13 =	vbroadcast v13, $0xF;
	_ =	sdelay $0x1  }
0x23c: {  	vm7 =	veq.f32 v4, v13  }
0x23d: {  	v17 =	vnsel vm7, $0xFFFFFFFF, v6  }
0x23e: {  	(xrf0) =	vmin.scan.msk.u32 $0xffff, v17;
	_ =	sdelay $0x5  }
0x23f: {  	v17, _, _ =	vpop (xrf0)  }
0x240: {  	(v2sf) =	vpush v17, $0xF;
	_ =	sdelay $0xe  }
0x241: {  	s11 =	spop (v2sf)  }
0x242: {  	s7 =	sxor.u32 $0x80000000, s11  }
0x243: {  	vm8 =	veq.s32 v2, s7  }
0x244: {  	vm7 =	vmand vm7, vm8  }
0x245: {  	v2 =	vsel vm7, $0xFF800000, v4  }
0x246: {  	(xrf0) =	vmax.scan.msk.f32 $0xffff, v2;
	_ =	sdelay $0x5  }
0x247: {  	v4, _, _ =	vpop (xrf0)  }
0x248: {  	v4 =	vbroadcast v4, $0xF;
	_ =	sdelay $0x1  }
0x249: {  	vm7 =	veq.f32 v2, v4  }
0x24a: {  	v2 =	vnsel vm7, $0xFFFFFFFF, v6  }
0x24b: {  	(xrf0) =	vmin.scan.msk.u32 $0xffff, v2;
	_ =	sdelay $0x5  }
0x24c: {  	v2, _, _ =	vpop (xrf0)  }
0x24d: {  	(v2sf) =	vpush v2, $0xF;
	_ =	sdelay $0x6  }
0x24e: {  	s0 =	sshll.u32 s0, $0x2  }
0x24f: {  	s16 =	sand.u32 $0xC, s0  }
0x250: {  	v2 =	vmov s16  }
0x251: {  	s0 =	sand.u32 $0xF0, s0;
	v3 =	vor.u32 s16, v3;
	v2 =	vand.u32 $0x8, v2  }
0x252: {  	v3 =	vand.u32 $0x7, v3;
	v2 =	vor.u32 s0, v2  }
0x253: {  	vm7 =	vmmov $0x1;
	v2 =	vor.u32 v3, v2  }
0x254: {  	v3 =	vnsel vm7, $0xFF800000, v5;
	v5 =	vmov s1;
	vm7 =	veq.s32 v1, $0x0  }
.Ltmp14:
0x255: {  	v5 =	vnsel vm7, $0x0, v5;
	v3 =	vsel vm4, v3, v11;
	(pc) =	sbr.rel .LBB2_17-.Ltmp14, $4  }
0x256: {  	v5 =	vsel vm1, s5, v5;
	v3 =	vsel vm5, v3, v13;
	s17 =	spop (v2sf)  }
0x257: {  	vm7 =	veq.s32 v1, $0x3;
	v5 =	vnsel vm5, s7, v5;
	v3 =	vsel vm6, v3, v4;
	s0 =	sxor.u32 $0x80000000, s17  }
0x258: {  	[tilespmem:v2+s21+$0x0] =	vst.idx.msk $0xf, v3;
	v4 =	vsel vm7, s0, v5  }
0x259: {  	[tilespmem:v2+s22+$0x0] =	vst.idx.msk $0xf, v4  }
.LBB2_19:
0x25a: {  	_ =	sfence.sel $0x180000  }
0x25b: {  	[bflag:$0x0] =	sbarrier.arrive $0xFFFF  }
0x25c: {  	_ =	strace $0x90000047  }
0x25d: {  	s0 =	stileid.u32;
	[bflag:$0x2] =	sbarrier.arrive $0xFFFF  }
0x25e: {  	p0 =	sne.s32 s0, $0x0;
	s0 =	rddreg [dreg:$0x4]  }
0x25f: {  	s0 =	sadd.s32 @!p0 $0x100000, s0  }
0x260: {  	[sflag:s0] =	ssyncadd.tile.s32 @!p0 $0x1;
	_ =	shalt  }
.Lfunc_end2:
_tile_overlayer_lowered:
.L_overlay_start_2:
0x261: {  	(tag) =	ssettag $0x2  }
0x262: {  	s0 =	rddreg [dreg:$0x0];
	s2 =	stileid.u32  }
0x263: {  	s1 =	rddreg [dreg:$0x1];
	p0 =	sne.s32 s2, $0x0  }
0x264: {  	s3 =	rddreg [dreg:$0x2];
	[bflag:$0x3] =	sbarrier.arrive $0xFFFF;
	s2 =	simm.s32 @!p0 $0x1C05  }
0x265: {  	[timem:s3], [sflag:s2] =	dma.local @!p0 [hbm:s0], s1  }
0x266: {  	s0 =	simm.s32 @!p0 $0x5  }
0x267: {  	_ =	swait.ge @!p0 [sflag:s0], s1  }
0x268: {  	s1 =	ssub.s32 @!p0 $0x0, s1;
	[sflag:s0] =	ssyncset.done @!p0 $0x0  }
0x269: {  	[sflag:s0] =	ssyncadd.s32 @!p0 s1  }
0x26a: {  	[bflag:$0x3] =	sbarrier.arrive $0xFFFF  }
0x26b: {  	_ =	shalt  }

</sc_bundles>
